<compile_context>
chip_gen: v7x
topology: tpu7x:2x2x1
jax: 0.10.2.dev20260603
libtpu: 0.0.44.dev20260713+nightly
codegen_flags: <defaults>
</compile_context>

<pallas_src>
import functools

import jax
import jax.numpy as jnp
from jax import lax
from jax.experimental import pallas as pl
from jax.experimental.pallas import tpu as pltpu
from jax.experimental.pallas import tpu_sc as plsc

NC = 2
NS = 16
NW = NC * NS
K = 125
SB = 8
NSLOT = 4


def _sc_mesh():
    return plsc.VectorSubcoreMesh(core_axis_name="c", subcore_axis_name="s")


def _make_deg_kernel(NP, EPW):
    rows_pt = NP // NS

    @functools.partial(
        pl.kernel,
        out_type=jax.ShapeDtypeStruct((NC, NP), jnp.float32),
        mesh=_sc_mesh(),
        compiler_params=pltpu.CompilerParams(needs_layout_passes=False),
        scratch_types=[
            pltpu.VMEM((EPW,), jnp.int32),
            pltpu.VMEM((NP,), jnp.float32),
            pltpu.VMEM((NS, rows_pt), jnp.float32),
            pltpu.VMEM((rows_pt,), jnp.float32),
            pltpu.VMEM_SHARED((NS, NP), jnp.float32),
        ],
    )
    def deg_kernel(dst_hbm, zeros_hbm, out_hbm, dst_l, cnt, tmp, res, shr):
        cid = lax.axis_index("c")
        sid = lax.axis_index("s")
        wid = sid * NC + cid
        pltpu.sync_copy(dst_hbm.at[wid], dst_l)
        pltpu.sync_copy(zeros_hbm, cnt)
        ones = jnp.ones((16,), jnp.float32)

        @pl.loop(0, EPW // 16)
        def _(i):
            iv = dst_l[pl.ds(i * 16, 16)]
            plsc.addupdate_scatter(cnt, [iv], ones)

        pltpu.sync_copy(cnt, shr.at[sid])
        plsc.subcore_barrier()
        pltpu.sync_copy(shr.at[:, pl.ds(sid * rows_pt, rows_pt)], tmp)

        @pl.loop(0, rows_pt // 16)
        def _(c):
            tot = jnp.zeros((16,), jnp.float32)
            for t in range(NS):
                tot = tot + tmp[t, pl.ds(c * 16, 16)]
            res[pl.ds(c * 16, 16)] = tot

        pltpu.sync_copy(res, out_hbm.at[cid, pl.ds(sid * rows_pt, rows_pt)])

    return deg_kernel


def _make_agg_kernel(N, D, NP, NCH):
    rows_pt = NP // NS
    nseg = NCH // SB

    @functools.partial(
        pl.kernel,
        out_type=jax.ShapeDtypeStruct((NC, NP, D), jnp.float32),
        mesh=_sc_mesh(),
        scratch_types=[
            pltpu.VMEM((NSLOT, SB, K), jnp.int32),
            pltpu.VMEM((NSLOT, SB, K), jnp.int32),
            pltpu.VMEM((K, D), jnp.float32),
            pltpu.VMEM((K, D), jnp.float32),
            pltpu.VMEM_SHARED((NP, D), jnp.float32),
            pltpu.SemaphoreType.DMA,
            pltpu.SemaphoreType.DMA,
            pltpu.SemaphoreType.DMA,
            pltpu.SemaphoreType.DMA,
        ],
    )
    def agg_kernel(hp_hbm, src_hbm, dst_hbm, zeros_hbm, out_hbm,
                   src_l, dst_l, buf0, buf1, acc, sem0, sem1, semis, semid):
        cid = lax.axis_index("c")
        sid = lax.axis_index("s")
        wid = sid * NC + cid

        def load_seg_async(g, slot):
            pltpu.async_copy(src_hbm.at[wid, pl.ds(g * SB, SB)],
                             src_l.at[slot], semis)
            pltpu.async_copy(dst_hbm.at[wid, pl.ds(g * SB, SB)],
                             dst_l.at[slot], semid)

        def wait_seg(g, slot):
            pltpu.make_async_copy(src_hbm.at[wid, pl.ds(g * SB, SB)],
                                  src_l.at[slot], semis).wait()
            pltpu.make_async_copy(dst_hbm.at[wid, pl.ds(g * SB, SB)],
                                  dst_l.at[slot], semid).wait()

        def start_gather(j, buf, sem):
            g = j // SB
            pltpu.async_copy(hp_hbm.at[src_l.at[g % NSLOT, j - g * SB]],
                             buf, sem)

        pltpu.sync_copy(src_hbm.at[wid, pl.ds(0, SB)], src_l.at[0])
        pltpu.sync_copy(dst_hbm.at[wid, pl.ds(0, SB)], dst_l.at[0])
        if nseg > 1:
            load_seg_async(1, 1 % NSLOT)
        if nseg > 2:
            load_seg_async(2, 2 % NSLOT)
        start_gather(0, buf0, sem0)
        start_gather(1, buf1, sem1)
        pltpu.sync_copy(zeros_hbm, acc.at[pl.ds(sid * rows_pt, rows_pt)])
        plsc.subcore_barrier()

        @pl.loop(0, NCH, step=2)
        def _(jj):
            @pl.when(jnp.logical_and(jj % SB == SB - 2, jj < NCH - SB))
            def _():
                g_next = jj // SB + 1
                wait_seg(g_next, g_next % NSLOT)

                @pl.when(jj < NCH - 3 * SB)
                def _():
                    load_seg_async(g_next + 2, (g_next + 2) % NSLOT)

            for b, (buf, sem) in enumerate(((buf0, sem0), (buf1, sem1))):
                j = jj + b
                g = j // SB
                pltpu.make_async_copy(
                    hp_hbm.at[src_l.at[g % NSLOT, j - g * SB]], buf, sem
                ).wait()
                pltpu.sync_copy(buf, acc.at[dst_l.at[g % NSLOT, j - g * SB]],
                                add=True)

                @pl.when(j + 2 < NCH)
                def _():
                    start_gather(j + 2, buf, sem)

        plsc.subcore_barrier()
        pltpu.sync_copy(acc.at[pl.ds(sid * rows_pt, rows_pt)],
                        out_hbm.at[cid, pl.ds(sid * rows_pt, rows_pt)])

    return agg_kernel


def _dense0_body(x_ref, w0_ref, wr_ref, br_ref, da_ref, db_ref,
                 hp_ref, r_ref, dis_ref):
    deg = da_ref[...] + db_ref[...] + 1.0
    dis = lax.rsqrt(deg)
    x = x_ref[...]
    hp_ref[...] = jnp.dot(x, w0_ref[...], preferred_element_type=jnp.float32) * dis
    r_ref[...] = jnp.dot(x, wr_ref[...], preferred_element_type=jnp.float32) + br_ref[...]
    dis_ref[...] = dis


def _dense1_body(a0_ref, a1_ref, hp_ref, r_ref, dis_ref, b_ref,
                 w1_ref, wr_ref, br_ref, hp1_ref, r1_ref):
    dis = dis_ref[...]
    agg = a0_ref[0] + a1_ref[0] + hp_ref[...]
    x1 = jnp.maximum(dis * agg + b_ref[...] + r_ref[...], 0.0)
    hp1_ref[...] = jnp.dot(x1, w1_ref[...], preferred_element_type=jnp.float32) * dis
    r1_ref[...] = jnp.dot(x1, wr_ref[...], preferred_element_type=jnp.float32) + br_ref[...]


def _dense2_body(a0_ref, a1_ref, hp_ref, r_ref, dis_ref, b_ref, y_ref):
    dis = dis_ref[...]
    agg = a0_ref[0] + a1_ref[0] + hp_ref[...]
    y_ref[...] = jnp.maximum(dis * agg + b_ref[...] + r_ref[...], 0.0)


def kernel(x, edge_index, W0, b0, W1, b1, Wr, br):
    N, D = x.shape
    E = edge_index.shape[1]

    NP = ((N + 1 + 255) // 256) * 256
    rows_pt = NP // NS

    per_w = NW * K
    NCH = -(-(-(-E // per_w)) // SB) * SB
    E_pad = NCH * per_w
    src = edge_index[0]
    dst = edge_index[1]
    if E_pad != E:
        pad = E_pad - E
        src = jnp.concatenate([src, jnp.zeros((pad,), src.dtype)])
        dst = jnp.concatenate([dst, jnp.full((pad,), NP - 1, dst.dtype)])
    src3 = src.reshape(NW, NCH, K)
    dst3 = dst.reshape(NW, NCH, K)

    zeros_d = jnp.zeros((rows_pt, D), jnp.float32)

    EPW = -(-(-(-E // NW)) // 16) * 16
    dstd = edge_index[1]
    if EPW * NW != E:
        dstd = jnp.concatenate(
            [dstd, jnp.full((EPW * NW - E,), NP - 1, dstd.dtype)])
    dst2 = dstd.reshape(NW, EPW)

    deg_out = _make_deg_kernel(NP, EPW)(dst2, jnp.zeros((NP,), jnp.float32))
    degA = deg_out[0, :N].reshape(N, 1)
    degB = deg_out[1, :N].reshape(N, 1)

    BN = 2000 if N % 2000 == 0 else (400 if N % 400 == 0 else (8 if N % 8 == 0 else N))
    grid = (N // BN,)
    row_spec = pl.BlockSpec((BN, D), lambda i: (i, 0))
    col_spec = pl.BlockSpec((BN, 1), lambda i: (i, 0))
    full_spec = pl.BlockSpec((D, D), lambda i: (0, 0))
    bias_spec = pl.BlockSpec((1, D), lambda i: (0, 0))
    accA_spec = pl.BlockSpec((1, BN, D), lambda i: (0, i, 0))
    accB_spec = pl.BlockSpec((1, BN, D), lambda i: (1, i, 0))

    br2 = br.reshape(1, D)
    b02 = b0.reshape(1, D)
    b12 = b1.reshape(1, D)

    hp0, r0, dis = pl.pallas_call(
        _dense0_body,
        grid=grid,
        in_specs=[row_spec, full_spec, full_spec, bias_spec, col_spec, col_spec],
        out_specs=[row_spec, row_spec, col_spec],
        out_shape=[
            jax.ShapeDtypeStruct((N, D), jnp.float32),
            jax.ShapeDtypeStruct((N, D), jnp.float32),
            jax.ShapeDtypeStruct((N, 1), jnp.float32),
        ],
    )(x, W0, Wr, br2, degA, degB)

    agg_call = _make_agg_kernel(N, D, NP, NCH)

    acc0 = agg_call(hp0, src3, dst3, zeros_d)

    hp1, r1 = pl.pallas_call(
        _dense1_body,
        grid=grid,
        in_specs=[accA_spec, accB_spec, row_spec, row_spec, col_spec,
                  bias_spec, full_spec, full_spec, bias_spec],
        out_specs=[row_spec, row_spec],
        out_shape=[
            jax.ShapeDtypeStruct((N, D), jnp.float32),
            jax.ShapeDtypeStruct((N, D), jnp.float32),
        ],
    )(acc0, acc0, hp0, r0, dis, b02, W1, Wr, br2)

    acc1 = agg_call(hp1, src3, dst3, zeros_d)

    y = pl.pallas_call(
        _dense2_body,
        grid=grid,
        in_specs=[accA_spec, accB_spec, row_spec, row_spec, col_spec, bias_spec],
        out_specs=row_spec,
        out_shape=jax.ShapeDtypeStruct((N, D), jnp.float32),
    )(acc1, acc1, hp1, r1, dis, b12)

    return y

# --- scband reference (transcript-rebuilt; emitter-appended) ---
"""Pipeline reference for scband-gcnconv-layer-3470333575821 (READ-ONLY COPY).

The authoritative reference and input builder live on the scoring server;
editing this copy changes nothing except your own understanding.
"""

import jax, jax.numpy as jnp
import numpy as np

N = 10000
E = 320000
D = 128


def _gcn_conv(x, src, dst, W, b):
    n = x.shape[0]
    # add self-loops
    loop = jnp.arange(n, dtype=src.dtype)
    s = jnp.concatenate([src, loop])
    d = jnp.concatenate([dst, loop])
    w = jnp.ones(s.shape[0], dtype=x.dtype)
    # symmetric degree normalization (deg computed over dst, PyG source_to_target flow)
    deg = jax.ops.segment_sum(w, d, num_segments=n)
    deg_inv_sqrt = jnp.where(deg > 0, jax.lax.rsqrt(jnp.maximum(deg, 1e-12)), 0.0)
    norm = deg_inv_sqrt[s] * w * deg_inv_sqrt[d]
    h = x @ W
    msg = h[s] * norm[:, None]
    out = jax.ops.segment_sum(msg, d, num_segments=n)
    return out + b


def setup_inputs(seed: int = 0) -> dict:
    key = jax.random.key(seed)
    ks = jax.random.split(key, 8)
    x = jax.random.normal(ks[0], (N, D), dtype=jnp.float32)
    edge_index = jax.random.randint(ks[1], (2, E), 0, N, dtype=jnp.int32)
    scale = 1.0 / np.sqrt(D)
    W0 = jax.random.uniform(ks[2], (D, D), dtype=jnp.float32, minval=-scale, maxval=scale)
    b0 = jnp.zeros((D,), dtype=jnp.float32)
    W1 = jax.random.uniform(ks[3], (D, D), dtype=jnp.float32, minval=-scale, maxval=scale)
    b1 = jnp.zeros((D,), dtype=jnp.float32)
    Wr = jax.random.uniform(ks[4], (D, D), dtype=jnp.float32, minval=-scale, maxval=scale)
    br = jax.random.uniform(ks[5], (D,), dtype=jnp.float32, minval=-scale, maxval=scale)
    return {"x": x, "edge_index": edge_index, "W0": W0, "b0": b0, "W1": W1, "b1": b1, "Wr": Wr, "br": br}


def reference(x, edge_index, W0, b0, W1, b1, Wr, br):
    src = edge_index[0]
    dst = edge_index[1]
    # layer 0
    x_res = x
    x = jax.nn.relu(_gcn_conv(x, src, dst, W0, b0) + (x_res @ Wr + br))
    # layer 1
    x_res = x
    x = jax.nn.relu(_gcn_conv(x, src, dst, W1, b1) + (x_res @ Wr + br))
    return x

if __name__ == "__main__":
    import jax
    _d = setup_inputs()
    print(jax.jit(kernel)(*tuple(_d.values())))

</pallas_src>

<mosaic_0001>
#map = affine_map<(d0, d1) -> (0, 0)>
#map1 = affine_map<(d0, d1) -> (0, 0, 0)>
module attributes {stable_mosaic.version = 14 : i64} {
  func.func @agg_kernel(%arg0: i32, %arg1: i32, %arg2: memref<10000x128xf32, #tpu.memory_space<hbm>>, %arg3: memref<32x80x125xi32, #tpu.memory_space<hbm>>, %arg4: memref<32x80x125xi32, #tpu.memory_space<hbm>>, %arg5: memref<640x128xf32, #tpu.memory_space<hbm>>, %arg6: memref<2x10240x128xf32, #tpu.memory_space<hbm>>, %arg7: memref<4x8x125xi32, #tpu.memory_space<vmem>>, %arg8: memref<4x8x125xi32, #tpu.memory_space<vmem>>, %arg9: memref<125x128xf32, #tpu.memory_space<vmem>>, %arg10: memref<125x128xf32, #tpu.memory_space<vmem>>, %arg11: memref<10240x128xf32, #tpu.memory_space<vmem_shared>>, %arg12: memref<!tpu.dma_semaphore, #tpu.memory_space<semaphore_mem>>, %arg13: memref<!tpu.dma_semaphore, #tpu.memory_space<semaphore_mem>>, %arg14: memref<!tpu.dma_semaphore, #tpu.memory_space<semaphore_mem>>, %arg15: memref<!tpu.dma_semaphore, #tpu.memory_space<semaphore_mem>>) attributes {dimension_semantics = [#tpu.dimension_semantics<core_parallel>, #tpu.dimension_semantics<subcore_parallel>], iteration_bounds = array<i64: 2, 16>, scalar_prefetch = 0 : i64, scratch_operands = 9 : i64, tpu.core_type = #tpu.core_type<sc_vector_subcore>, window_params = [{transform_indices = #map}, {transform_indices = #map1}, {transform_indices = #map1}, {transform_indices = #map}, {transform_indices = #map1}]} {
    %mul3A = arith.constant 2 : i32
    %mul3A_0 = arith.muli %arg1, %mul3A : i32
    %add3A = arith.addi %mul3A_0, %arg0 : i32
    %run_scoped3A = arith.constant 0 : i32
    "tpu.region"() ({
      %run_scoped3A_96 = tpu.sem_alloc : memref<!tpu.dma_semaphore, #tpu.memory_space<semaphore_mem>>
      %dma_start3A_97 = arith.constant 0 : i32
      %dma_start3A_98 = arith.constant 0 : i32
      %dma_start3A_99 = tpu.memref_slice %arg7[%run_scoped3A, %dma_start3A_97, %dma_start3A_98] : memref<4x8x125xi32, #tpu.memory_space<vmem>> -> memref<1x8x125xi32, #tpu.memory_space<vmem>>
      %dma_start3A_100 = tpu.memref_squeeze %dma_start3A_99 : memref<1x8x125xi32, #tpu.memory_space<vmem>> -> memref<8x125xi32, #tpu.memory_space<vmem>>
      %dma_start3A_101 = arith.constant 0 : i32
      %dma_start3A_102 = arith.constant 0 : i32
      %dma_start3A_103 = tpu.memref_slice %arg3[%add3A, %dma_start3A_101, %dma_start3A_102] : memref<32x80x125xi32, #tpu.memory_space<hbm>> -> memref<1x8x125xi32, #tpu.memory_space<hbm>>
      %dma_start3A_104 = tpu.memref_squeeze %dma_start3A_103 : memref<1x8x125xi32, #tpu.memory_space<hbm>> -> memref<8x125xi32, #tpu.memory_space<hbm>>
      %dma_start3A_105 = arith.constant 0 : i32
      %dma_start3A_106 = arith.constant 0 : i32
      %dma_start3A_107 = tpu.memref_slice %arg7[%run_scoped3A, %dma_start3A_105, %dma_start3A_106] : memref<4x8x125xi32, #tpu.memory_space<vmem>> -> memref<1x8x125xi32, #tpu.memory_space<vmem>>
      %dma_start3A_108 = tpu.memref_squeeze %dma_start3A_107 : memref<1x8x125xi32, #tpu.memory_space<vmem>> -> memref<8x125xi32, #tpu.memory_space<vmem>>
      %dma_start3A_109 = arith.constant 0 : i32
      %dma_start3A_110 = arith.constant 0 : i32
      %dma_start3A_111 = tpu.memref_slice %arg3[%add3A, %dma_start3A_109, %dma_start3A_110] : memref<32x80x125xi32, #tpu.memory_space<hbm>> -> memref<1x8x125xi32, #tpu.memory_space<hbm>>
      %dma_start3A_112 = tpu.memref_squeeze %dma_start3A_111 : memref<1x8x125xi32, #tpu.memory_space<hbm>> -> memref<8x125xi32, #tpu.memory_space<hbm>>
      tpu.enqueue_dma source(%dma_start3A_112 : memref<8x125xi32, #tpu.memory_space<hbm>>) target(%dma_start3A_108 : memref<8x125xi32, #tpu.memory_space<vmem>>) target_semaphore(%run_scoped3A_96 : memref<!tpu.dma_semaphore, #tpu.memory_space<semaphore_mem>>)
      %dma_wait3A = arith.constant 0 : i32
      %dma_wait3A_113 = arith.constant 0 : i32
      %dma_wait3A_114 = tpu.memref_slice %arg7[%run_scoped3A, %dma_wait3A, %dma_wait3A_113] : memref<4x8x125xi32, #tpu.memory_space<vmem>> -> memref<1x8x125xi32, #tpu.memory_space<vmem>>
      %dma_wait3A_115 = tpu.memref_squeeze %dma_wait3A_114 : memref<1x8x125xi32, #tpu.memory_space<vmem>> -> memref<8x125xi32, #tpu.memory_space<vmem>>
      %dma_wait3A_116 = arith.constant 0 : i32
      %dma_wait3A_117 = arith.constant 0 : i32
      %dma_wait3A_118 = tpu.memref_slice %arg3[%add3A, %dma_wait3A_116, %dma_wait3A_117] : memref<32x80x125xi32, #tpu.memory_space<hbm>> -> memref<1x8x125xi32, #tpu.memory_space<hbm>>
      %dma_wait3A_119 = tpu.memref_squeeze %dma_wait3A_118 : memref<1x8x125xi32, #tpu.memory_space<hbm>> -> memref<8x125xi32, #tpu.memory_space<hbm>>
      %dma_wait3A_120 = arith.constant 0 : i32
      %dma_wait3A_121 = arith.constant 0 : i32
      %dma_wait3A_122 = tpu.memref_slice %arg7[%run_scoped3A, %dma_wait3A_120, %dma_wait3A_121] : memref<4x8x125xi32, #tpu.memory_space<vmem>> -> memref<1x8x125xi32, #tpu.memory_space<vmem>>
      %dma_wait3A_123 = tpu.memref_squeeze %dma_wait3A_122 : memref<1x8x125xi32, #tpu.memory_space<vmem>> -> memref<8x125xi32, #tpu.memory_space<vmem>>
      %dma_wait3A_124 = arith.constant 0 : i32
      %dma_wait3A_125 = arith.constant 0 : i32
      %dma_wait3A_126 = tpu.memref_slice %arg3[%add3A, %dma_wait3A_124, %dma_wait3A_125] : memref<32x80x125xi32, #tpu.memory_space<hbm>> -> memref<1x8x125xi32, #tpu.memory_space<hbm>>
      %dma_wait3A_127 = tpu.memref_squeeze %dma_wait3A_126 : memref<1x8x125xi32, #tpu.memory_space<hbm>> -> memref<8x125xi32, #tpu.memory_space<hbm>>
      tpu.wait_dma2 semaphore(%run_scoped3A_96 : memref<!tpu.dma_semaphore, #tpu.memory_space<semaphore_mem>>) src(%dma_wait3A_127 : memref<8x125xi32, #tpu.memory_space<hbm>>) dst(%dma_wait3A_123 : memref<8x125xi32, #tpu.memory_space<vmem>>)
      tpu.yield
    }) : () -> ()
    %run_scoped3A_1 = arith.constant 0 : i32
    "tpu.region"() ({
      %run_scoped3A_96 = tpu.sem_alloc : memref<!tpu.dma_semaphore, #tpu.memory_space<semaphore_mem>>
      %dma_start3A_97 = arith.constant 0 : i32
      %dma_start3A_98 = arith.constant 0 : i32
      %dma_start3A_99 = tpu.memref_slice %arg8[%run_scoped3A_1, %dma_start3A_97, %dma_start3A_98] : memref<4x8x125xi32, #tpu.memory_space<vmem>> -> memref<1x8x125xi32, #tpu.memory_space<vmem>>
      %dma_start3A_100 = tpu.memref_squeeze %dma_start3A_99 : memref<1x8x125xi32, #tpu.memory_space<vmem>> -> memref<8x125xi32, #tpu.memory_space<vmem>>
      %dma_start3A_101 = arith.constant 0 : i32
      %dma_start3A_102 = arith.constant 0 : i32
      %dma_start3A_103 = tpu.memref_slice %arg4[%add3A, %dma_start3A_101, %dma_start3A_102] : memref<32x80x125xi32, #tpu.memory_space<hbm>> -> memref<1x8x125xi32, #tpu.memory_space<hbm>>
      %dma_start3A_104 = tpu.memref_squeeze %dma_start3A_103 : memref<1x8x125xi32, #tpu.memory_space<hbm>> -> memref<8x125xi32, #tpu.memory_space<hbm>>
      %dma_start3A_105 = arith.constant 0 : i32
      %dma_start3A_106 = arith.constant 0 : i32
      %dma_start3A_107 = tpu.memref_slice %arg8[%run_scoped3A_1, %dma_start3A_105, %dma_start3A_106] : memref<4x8x125xi32, #tpu.memory_space<vmem>> -> memref<1x8x125xi32, #tpu.memory_space<vmem>>
      %dma_start3A_108 = tpu.memref_squeeze %dma_start3A_107 : memref<1x8x125xi32, #tpu.memory_space<vmem>> -> memref<8x125xi32, #tpu.memory_space<vmem>>
      %dma_start3A_109 = arith.constant 0 : i32
      %dma_start3A_110 = arith.constant 0 : i32
      %dma_start3A_111 = tpu.memref_slice %arg4[%add3A, %dma_start3A_109, %dma_start3A_110] : memref<32x80x125xi32, #tpu.memory_space<hbm>> -> memref<1x8x125xi32, #tpu.memory_space<hbm>>
      %dma_start3A_112 = tpu.memref_squeeze %dma_start3A_111 : memref<1x8x125xi32, #tpu.memory_space<hbm>> -> memref<8x125xi32, #tpu.memory_space<hbm>>
      tpu.enqueue_dma source(%dma_start3A_112 : memref<8x125xi32, #tpu.memory_space<hbm>>) target(%dma_start3A_108 : memref<8x125xi32, #tpu.memory_space<vmem>>) target_semaphore(%run_scoped3A_96 : memref<!tpu.dma_semaphore, #tpu.memory_space<semaphore_mem>>)
      %dma_wait3A = arith.constant 0 : i32
      %dma_wait3A_113 = arith.constant 0 : i32
      %dma_wait3A_114 = tpu.memref_slice %arg8[%run_scoped3A_1, %dma_wait3A, %dma_wait3A_113] : memref<4x8x125xi32, #tpu.memory_space<vmem>> -> memref<1x8x125xi32, #tpu.memory_space<vmem>>
      %dma_wait3A_115 = tpu.memref_squeeze %dma_wait3A_114 : memref<1x8x125xi32, #tpu.memory_space<vmem>> -> memref<8x125xi32, #tpu.memory_space<vmem>>
      %dma_wait3A_116 = arith.constant 0 : i32
      %dma_wait3A_117 = arith.constant 0 : i32
      %dma_wait3A_118 = tpu.memref_slice %arg4[%add3A, %dma_wait3A_116, %dma_wait3A_117] : memref<32x80x125xi32, #tpu.memory_space<hbm>> -> memref<1x8x125xi32, #tpu.memory_space<hbm>>
      %dma_wait3A_119 = tpu.memref_squeeze %dma_wait3A_118 : memref<1x8x125xi32, #tpu.memory_space<hbm>> -> memref<8x125xi32, #tpu.memory_space<hbm>>
      %dma_wait3A_120 = arith.constant 0 : i32
      %dma_wait3A_121 = arith.constant 0 : i32
      %dma_wait3A_122 = tpu.memref_slice %arg8[%run_scoped3A_1, %dma_wait3A_120, %dma_wait3A_121] : memref<4x8x125xi32, #tpu.memory_space<vmem>> -> memref<1x8x125xi32, #tpu.memory_space<vmem>>
      %dma_wait3A_123 = tpu.memref_squeeze %dma_wait3A_122 : memref<1x8x125xi32, #tpu.memory_space<vmem>> -> memref<8x125xi32, #tpu.memory_space<vmem>>
      %dma_wait3A_124 = arith.constant 0 : i32
      %dma_wait3A_125 = arith.constant 0 : i32
      %dma_wait3A_126 = tpu.memref_slice %arg4[%add3A, %dma_wait3A_124, %dma_wait3A_125] : memref<32x80x125xi32, #tpu.memory_space<hbm>> -> memref<1x8x125xi32, #tpu.memory_space<hbm>>
      %dma_wait3A_127 = tpu.memref_squeeze %dma_wait3A_126 : memref<1x8x125xi32, #tpu.memory_space<hbm>> -> memref<8x125xi32, #tpu.memory_space<hbm>>
      tpu.wait_dma2 semaphore(%run_scoped3A_96 : memref<!tpu.dma_semaphore, #tpu.memory_space<semaphore_mem>>) src(%dma_wait3A_127 : memref<8x125xi32, #tpu.memory_space<hbm>>) dst(%dma_wait3A_123 : memref<8x125xi32, #tpu.memory_space<vmem>>)
      tpu.yield
    }) : () -> ()
    %dma_start3A = arith.constant 1 : i32
    %dma_start3A_2 = arith.constant 0 : i32
    %dma_start3A_3 = arith.constant 0 : i32
    %dma_start3A_4 = tpu.memref_slice %arg7[%dma_start3A, %dma_start3A_2, %dma_start3A_3] : memref<4x8x125xi32, #tpu.memory_space<vmem>> -> memref<1x8x125xi32, #tpu.memory_space<vmem>>
    %dma_start3A_5 = tpu.memref_squeeze %dma_start3A_4 : memref<1x8x125xi32, #tpu.memory_space<vmem>> -> memref<8x125xi32, #tpu.memory_space<vmem>>
    %dma_start3A_6 = arith.constant 8 : i32
    %dma_start3A_7 = arith.constant 0 : i32
    %dma_start3A_8 = tpu.memref_slice %arg3[%add3A, %dma_start3A_6, %dma_start3A_7] : memref<32x80x125xi32, #tpu.memory_space<hbm>> -> memref<1x8x125xi32, #tpu.memory_space<hbm>>
    %dma_start3A_9 = tpu.memref_squeeze %dma_start3A_8 : memref<1x8x125xi32, #tpu.memory_space<hbm>> -> memref<8x125xi32, #tpu.memory_space<hbm>>
    %dma_start3A_10 = arith.constant 0 : i32
    %dma_start3A_11 = arith.constant 0 : i32
    %dma_start3A_12 = tpu.memref_slice %arg7[%dma_start3A, %dma_start3A_10, %dma_start3A_11] : memref<4x8x125xi32, #tpu.memory_space<vmem>> -> memref<1x8x125xi32, #tpu.memory_space<vmem>>
    %dma_start3A_13 = tpu.memref_squeeze %dma_start3A_12 : memref<1x8x125xi32, #tpu.memory_space<vmem>> -> memref<8x125xi32, #tpu.memory_space<vmem>>
    %dma_start3A_14 = arith.constant 8 : i32
    %dma_start3A_15 = arith.constant 0 : i32
    %dma_start3A_16 = tpu.memref_slice %arg3[%add3A, %dma_start3A_14, %dma_start3A_15] : memref<32x80x125xi32, #tpu.memory_space<hbm>> -> memref<1x8x125xi32, #tpu.memory_space<hbm>>
    %dma_start3A_17 = tpu.memref_squeeze %dma_start3A_16 : memref<1x8x125xi32, #tpu.memory_space<hbm>> -> memref<8x125xi32, #tpu.memory_space<hbm>>
    tpu.enqueue_dma source(%dma_start3A_17 : memref<8x125xi32, #tpu.memory_space<hbm>>) target(%dma_start3A_13 : memref<8x125xi32, #tpu.memory_space<vmem>>) target_semaphore(%arg14 : memref<!tpu.dma_semaphore, #tpu.memory_space<semaphore_mem>>)
    %dma_start3A_18 = arith.constant 1 : i32
    %dma_start3A_19 = arith.constant 0 : i32
    %dma_start3A_20 = arith.constant 0 : i32
    %dma_start3A_21 = tpu.memref_slice %arg8[%dma_start3A_18, %dma_start3A_19, %dma_start3A_20] : memref<4x8x125xi32, #tpu.memory_space<vmem>> -> memref<1x8x125xi32, #tpu.memory_space<vmem>>
    %dma_start3A_22 = tpu.memref_squeeze %dma_start3A_21 : memref<1x8x125xi32, #tpu.memory_space<vmem>> -> memref<8x125xi32, #tpu.memory_space<vmem>>
    %dma_start3A_23 = arith.constant 8 : i32
    %dma_start3A_24 = arith.constant 0 : i32
    %dma_start3A_25 = tpu.memref_slice %arg4[%add3A, %dma_start3A_23, %dma_start3A_24] : memref<32x80x125xi32, #tpu.memory_space<hbm>> -> memref<1x8x125xi32, #tpu.memory_space<hbm>>
    %dma_start3A_26 = tpu.memref_squeeze %dma_start3A_25 : memref<1x8x125xi32, #tpu.memory_space<hbm>> -> memref<8x125xi32, #tpu.memory_space<hbm>>
    %dma_start3A_27 = arith.constant 0 : i32
    %dma_start3A_28 = arith.constant 0 : i32
    %dma_start3A_29 = tpu.memref_slice %arg8[%dma_start3A_18, %dma_start3A_27, %dma_start3A_28] : memref<4x8x125xi32, #tpu.memory_space<vmem>> -> memref<1x8x125xi32, #tpu.memory_space<vmem>>
    %dma_start3A_30 = tpu.memref_squeeze %dma_start3A_29 : memref<1x8x125xi32, #tpu.memory_space<vmem>> -> memref<8x125xi32, #tpu.memory_space<vmem>>
    %dma_start3A_31 = arith.constant 8 : i32
    %dma_start3A_32 = arith.constant 0 : i32
    %dma_start3A_33 = tpu.memref_slice %arg4[%add3A, %dma_start3A_31, %dma_start3A_32] : memref<32x80x125xi32, #tpu.memory_space<hbm>> -> memref<1x8x125xi32, #tpu.memory_space<hbm>>
    %dma_start3A_34 = tpu.memref_squeeze %dma_start3A_33 : memref<1x8x125xi32, #tpu.memory_space<hbm>> -> memref<8x125xi32, #tpu.memory_space<hbm>>
    tpu.enqueue_dma source(%dma_start3A_34 : memref<8x125xi32, #tpu.memory_space<hbm>>) target(%dma_start3A_30 : memref<8x125xi32, #tpu.memory_space<vmem>>) target_semaphore(%arg15 : memref<!tpu.dma_semaphore, #tpu.memory_space<semaphore_mem>>)
    %dma_start3A_35 = arith.constant 2 : i32
    %dma_start3A_36 = arith.constant 0 : i32
    %dma_start3A_37 = arith.constant 0 : i32
    %dma_start3A_38 = tpu.memref_slice %arg7[%dma_start3A_35, %dma_start3A_36, %dma_start3A_37] : memref<4x8x125xi32, #tpu.memory_space<vmem>> -> memref<1x8x125xi32, #tpu.memory_space<vmem>>
    %dma_start3A_39 = tpu.memref_squeeze %dma_start3A_38 : memref<1x8x125xi32, #tpu.memory_space<vmem>> -> memref<8x125xi32, #tpu.memory_space<vmem>>
    %dma_start3A_40 = arith.constant 16 : i32
    %dma_start3A_41 = arith.constant 0 : i32
    %dma_start3A_42 = tpu.memref_slice %arg3[%add3A, %dma_start3A_40, %dma_start3A_41] : memref<32x80x125xi32, #tpu.memory_space<hbm>> -> memref<1x8x125xi32, #tpu.memory_space<hbm>>
    %dma_start3A_43 = tpu.memref_squeeze %dma_start3A_42 : memref<1x8x125xi32, #tpu.memory_space<hbm>> -> memref<8x125xi32, #tpu.memory_space<hbm>>
    %dma_start3A_44 = arith.constant 0 : i32
    %dma_start3A_45 = arith.constant 0 : i32
    %dma_start3A_46 = tpu.memref_slice %arg7[%dma_start3A_35, %dma_start3A_44, %dma_start3A_45] : memref<4x8x125xi32, #tpu.memory_space<vmem>> -> memref<1x8x125xi32, #tpu.memory_space<vmem>>
    %dma_start3A_47 = tpu.memref_squeeze %dma_start3A_46 : memref<1x8x125xi32, #tpu.memory_space<vmem>> -> memref<8x125xi32, #tpu.memory_space<vmem>>
    %dma_start3A_48 = arith.constant 16 : i32
    %dma_start3A_49 = arith.constant 0 : i32
    %dma_start3A_50 = tpu.memref_slice %arg3[%add3A, %dma_start3A_48, %dma_start3A_49] : memref<32x80x125xi32, #tpu.memory_space<hbm>> -> memref<1x8x125xi32, #tpu.memory_space<hbm>>
    %dma_start3A_51 = tpu.memref_squeeze %dma_start3A_50 : memref<1x8x125xi32, #tpu.memory_space<hbm>> -> memref<8x125xi32, #tpu.memory_space<hbm>>
    tpu.enqueue_dma source(%dma_start3A_51 : memref<8x125xi32, #tpu.memory_space<hbm>>) target(%dma_start3A_47 : memref<8x125xi32, #tpu.memory_space<vmem>>) target_semaphore(%arg14 : memref<!tpu.dma_semaphore, #tpu.memory_space<semaphore_mem>>)
    %dma_start3A_52 = arith.constant 2 : i32
    %dma_start3A_53 = arith.constant 0 : i32
    %dma_start3A_54 = arith.constant 0 : i32
    %dma_start3A_55 = tpu.memref_slice %arg8[%dma_start3A_52, %dma_start3A_53, %dma_start3A_54] : memref<4x8x125xi32, #tpu.memory_space<vmem>> -> memref<1x8x125xi32, #tpu.memory_space<vmem>>
    %dma_start3A_56 = tpu.memref_squeeze %dma_start3A_55 : memref<1x8x125xi32, #tpu.memory_space<vmem>> -> memref<8x125xi32, #tpu.memory_space<vmem>>
    %dma_start3A_57 = arith.constant 16 : i32
    %dma_start3A_58 = arith.constant 0 : i32
    %dma_start3A_59 = tpu.memref_slice %arg4[%add3A, %dma_start3A_57, %dma_start3A_58] : memref<32x80x125xi32, #tpu.memory_space<hbm>> -> memref<1x8x125xi32, #tpu.memory_space<hbm>>
    %dma_start3A_60 = tpu.memref_squeeze %dma_start3A_59 : memref<1x8x125xi32, #tpu.memory_space<hbm>> -> memref<8x125xi32, #tpu.memory_space<hbm>>
    %dma_start3A_61 = arith.constant 0 : i32
    %dma_start3A_62 = arith.constant 0 : i32
    %dma_start3A_63 = tpu.memref_slice %arg8[%dma_start3A_52, %dma_start3A_61, %dma_start3A_62] : memref<4x8x125xi32, #tpu.memory_space<vmem>> -> memref<1x8x125xi32, #tpu.memory_space<vmem>>
    %dma_start3A_64 = tpu.memref_squeeze %dma_start3A_63 : memref<1x8x125xi32, #tpu.memory_space<vmem>> -> memref<8x125xi32, #tpu.memory_space<vmem>>
    %dma_start3A_65 = arith.constant 16 : i32
    %dma_start3A_66 = arith.constant 0 : i32
    %dma_start3A_67 = tpu.memref_slice %arg4[%add3A, %dma_start3A_65, %dma_start3A_66] : memref<32x80x125xi32, #tpu.memory_space<hbm>> -> memref<1x8x125xi32, #tpu.memory_space<hbm>>
    %dma_start3A_68 = tpu.memref_squeeze %dma_start3A_67 : memref<1x8x125xi32, #tpu.memory_space<hbm>> -> memref<8x125xi32, #tpu.memory_space<hbm>>
    tpu.enqueue_dma source(%dma_start3A_68 : memref<8x125xi32, #tpu.memory_space<hbm>>) target(%dma_start3A_64 : memref<8x125xi32, #tpu.memory_space<vmem>>) target_semaphore(%arg15 : memref<!tpu.dma_semaphore, #tpu.memory_space<semaphore_mem>>)
    %dma_start3A_69 = arith.constant 0 : i32
    %dma_start3A_70 = arith.constant 0 : i32
    %dma_start3A_71 = arith.constant 0 : i32
    %dma_start3A_72 = tpu.memref_slice %arg7[%dma_start3A_69, %dma_start3A_70, %dma_start3A_71] : memref<4x8x125xi32, #tpu.memory_space<vmem>> -> memref<1x1x125xi32, #tpu.memory_space<vmem>>
    %dma_start3A_73 = tpu.memref_squeeze %dma_start3A_72 : memref<1x1x125xi32, #tpu.memory_space<vmem>> -> memref<125xi32, #tpu.memory_space<vmem>>
    %dma_start3A_74 = arith.constant 0 : i32
    %dma_start3A_75 = arith.constant 0 : i32
    %dma_start3A_76 = tpu.memref_slice %arg2[%dma_start3A_74, %dma_start3A_75] : memref<10000x128xf32, #tpu.memory_space<hbm>> -> memref<10000x128xf32, #tpu.memory_space<hbm>>
    tpu.enqueue_indirect_dma source(%dma_start3A_76 : memref<10000x128xf32, #tpu.memory_space<hbm>>) target(%arg9 : memref<125x128xf32, #tpu.memory_space<vmem>>) offsets(%dma_start3A_73 : memref<125xi32, #tpu.memory_space<vmem>>) semaphore(%arg12 : memref<!tpu.dma_semaphore, #tpu.memory_space<semaphore_mem>>)
    %dma_start3A_77 = arith.constant 0 : i32
    %dma_start3A_78 = arith.constant 1 : i32
    %dma_start3A_79 = arith.constant 0 : i32
    %dma_start3A_80 = tpu.memref_slice %arg7[%dma_start3A_77, %dma_start3A_78, %dma_start3A_79] : memref<4x8x125xi32, #tpu.memory_space<vmem>> -> memref<1x1x125xi32, #tpu.memory_space<vmem>>
    %dma_start3A_81 = tpu.memref_squeeze %dma_start3A_80 : memref<1x1x125xi32, #tpu.memory_space<vmem>> -> memref<125xi32, #tpu.memory_space<vmem>>
    %dma_start3A_82 = arith.constant 0 : i32
    %dma_start3A_83 = arith.constant 0 : i32
    %dma_start3A_84 = tpu.memref_slice %arg2[%dma_start3A_82, %dma_start3A_83] : memref<10000x128xf32, #tpu.memory_space<hbm>> -> memref<10000x128xf32, #tpu.memory_space<hbm>>
    tpu.enqueue_indirect_dma source(%dma_start3A_84 : memref<10000x128xf32, #tpu.memory_space<hbm>>) target(%arg10 : memref<125x128xf32, #tpu.memory_space<vmem>>) offsets(%dma_start3A_81 : memref<125xi32, #tpu.memory_space<vmem>>) semaphore(%arg13 : memref<!tpu.dma_semaphore, #tpu.memory_space<semaphore_mem>>)
    %mul3A_85 = arith.constant 640 : i32
    %mul3A_86 = arith.muli %arg1, %mul3A_85 : i32
    "tpu.region"() ({
      %run_scoped3A_96 = tpu.sem_alloc : memref<!tpu.dma_semaphore, #tpu.memory_space<semaphore_mem>>
      %dma_start3A_97 = arith.constant 0 : i32
      %dma_start3A_98 = tpu.memref_slice %arg11[%mul3A_86, %dma_start3A_97] : memref<10240x128xf32, #tpu.memory_space<vmem_shared>> -> memref<640x128xf32, #tpu.memory_space<vmem_shared>>
      tpu.enqueue_dma source(%arg5 : memref<640x128xf32, #tpu.memory_space<hbm>>) target(%dma_start3A_98 : memref<640x128xf32, #tpu.memory_space<vmem_shared>>) target_semaphore(%run_scoped3A_96 : memref<!tpu.dma_semaphore, #tpu.memory_space<semaphore_mem>>)
      %dma_wait3A = arith.constant 0 : i32
      %dma_wait3A_99 = tpu.memref_slice %arg11[%mul3A_86, %dma_wait3A] : memref<10240x128xf32, #tpu.memory_space<vmem_shared>> -> memref<640x128xf32, #tpu.memory_space<vmem_shared>>
      tpu.wait_dma2 semaphore(%run_scoped3A_96 : memref<!tpu.dma_semaphore, #tpu.memory_space<semaphore_mem>>) src(%arg5 : memref<640x128xf32, #tpu.memory_space<hbm>>) dst(%dma_wait3A_99 : memref<640x128xf32, #tpu.memory_space<vmem_shared>>)
      tpu.yield
    }) : () -> ()
    %barrier3A = arith.constant 0 : index
    tpu.barrier barrier_id(%barrier3A)
    %scan3A = arith.constant 0 : i32
    %scan3A_87 = arith.constant 40 : i32
    %scan3A_88 = arith.addi %scan3A, %scan3A_87 : i32
    %scan3A_89 = arith.constant 1 : i32
    scf.for %scan3A_96 = %scan3A to %scan3A_88 step %scan3A_89  : i32 {
      %mul3A_97 = arith.constant 2 : i32
      %mul3A_98 = arith.muli %scan3A_96, %mul3A_97 : i32
      %add3A_99 = arith.constant 0 : i32
      %add3A_100 = arith.addi %add3A_99, %mul3A_98 : i32
      %jit3A = arith.constant 8 : i32
      %eq3A = arith.constant 0 : i32
      %eq3A_101 = arith.cmpi eq, %jit3A, %eq3A : i32
      %jit3A_102 = arith.constant 1 : i32
      %select_n3A = arith.select %eq3A_101, %jit3A_102, %jit3A : i32
      %rem3A = arith.remsi %add3A_100, %select_n3A : i32
      %ne3A = arith.constant 0 : i32
      %ne3A_103 = arith.cmpi ne, %rem3A, %ne3A : i32
      %lt3A = arith.constant 0 : i32
      %lt3A_104 = arith.cmpi slt, %rem3A, %lt3A : i32
      %lt3A_105 = arith.constant 0 : i32
      %lt3A_106 = arith.cmpi slt, %select_n3A, %lt3A_105 : i32
      %ne3A_107 = arith.xori %lt3A_104, %lt3A_106 : i1
      %and3A = arith.andi %ne3A_107, %ne3A_103 : i1
      %add3A_108 = arith.addi %rem3A, %select_n3A : i32
      %select_n3A_109 = arith.select %and3A, %add3A_108, %rem3A : i32
      %eq3A_110 = arith.constant 6 : i32
      %eq3A_111 = arith.cmpi eq, %select_n3A_109, %eq3A_110 : i32
      %lt3A_112 = arith.constant 72 : i32
      %lt3A_113 = arith.cmpi slt, %add3A_100, %lt3A_112 : i32
      %and3A_114 = arith.andi %eq3A_111, %lt3A_113 : i1
      %convert_element_type3A = arith.extui %and3A_114 : i1 to i32
      %cond3A = arith.constant 0 : i32
      %cond3A_115 = arith.cmpi ne, %convert_element_type3A, %cond3A : i32
      scf.if %cond3A_115 {
        %jit3A_266 = arith.constant 8 : i32
        %div3A_267 = arith.divsi %add3A_100, %jit3A_266 : i32
        %sign3A_268 = arith.constant 0 : i32
        %sign3A_269 = arith.cmpi sgt, %add3A_100, %sign3A_268 : i32
        %sign3A_270 = arith.extui %sign3A_269 : i1 to i32
        %sign3A_271 = arith.constant 0 : i32
        %sign3A_272 = arith.cmpi slt, %add3A_100, %sign3A_271 : i32
        %sign3A_273 = arith.extui %sign3A_272 : i1 to i32
        %sign3A_274 = arith.subi %sign3A_270, %sign3A_273 : i32
        %sign3A_275 = arith.constant 0 : i32
        %sign3A_276 = arith.cmpi sgt, %jit3A_266, %sign3A_275 : i32
        %sign3A_277 = arith.extui %sign3A_276 : i1 to i32
        %sign3A_278 = arith.constant 0 : i32
        %sign3A_279 = arith.cmpi slt, %jit3A_266, %sign3A_278 : i32
        %sign3A_280 = arith.extui %sign3A_279 : i1 to i32
        %sign3A_281 = arith.subi %sign3A_277, %sign3A_280 : i32
        %ne3A_282 = arith.cmpi ne, %sign3A_274, %sign3A_281 : i32
        %rem3A_283 = arith.remsi %add3A_100, %jit3A_266 : i32
        %ne3A_284 = arith.constant 0 : i32
        %ne3A_285 = arith.cmpi ne, %rem3A_283, %ne3A_284 : i32
        %and3A_286 = arith.andi %ne3A_282, %ne3A_285 : i1
        %sub3A_287 = arith.constant 1 : i32
        %sub3A_288 = arith.subi %div3A_267, %sub3A_287 : i32
        %select_n3A_289 = arith.select %and3A_286, %sub3A_288, %div3A_267 : i32
        %add3A_290 = arith.constant 1 : i32
        %add3A_291 = arith.addi %select_n3A_289, %add3A_290 : i32
        %jit3A_292 = arith.constant 4 : i32
        %eq3A_293 = arith.constant 0 : i32
        %eq3A_294 = arith.cmpi eq, %jit3A_292, %eq3A_293 : i32
        %jit3A_295 = arith.constant 1 : i32
        %select_n3A_296 = arith.select %eq3A_294, %jit3A_295, %jit3A_292 : i32
        %rem3A_297 = arith.remsi %add3A_291, %select_n3A_296 : i32
        %ne3A_298 = arith.constant 0 : i32
        %ne3A_299 = arith.cmpi ne, %rem3A_297, %ne3A_298 : i32
        %lt3A_300 = arith.constant 0 : i32
        %lt3A_301 = arith.cmpi slt, %rem3A_297, %lt3A_300 : i32
        %lt3A_302 = arith.constant 0 : i32
        %lt3A_303 = arith.cmpi slt, %select_n3A_296, %lt3A_302 : i32
        %ne3A_304 = arith.xori %lt3A_301, %lt3A_303 : i1
        %and3A_305 = arith.andi %ne3A_304, %ne3A_299 : i1
        %add3A_306 = arith.addi %rem3A_297, %select_n3A_296 : i32
        %select_n3A_307 = arith.select %and3A_305, %add3A_306, %rem3A_297 : i32
        %mul3A_308 = arith.constant 8 : i32
        %mul3A_309 = arith.muli %add3A_291, %mul3A_308 : i32
        %dma_wait3A_310 = arith.constant 0 : i32
        %dma_wait3A_311 = arith.constant 0 : i32
        %dma_wait3A_312 = tpu.memref_slice %arg7[%select_n3A_307, %dma_wait3A_310, %dma_wait3A_311] : memref<4x8x125xi32, #tpu.memory_space<vmem>> -> memref<1x8x125xi32, #tpu.memory_space<vmem>>
        %dma_wait3A_313 = tpu.memref_squeeze %dma_wait3A_312 : memref<1x8x125xi32, #tpu.memory_space<vmem>> -> memref<8x125xi32, #tpu.memory_space<vmem>>
        %dma_wait3A_314 = arith.constant 0 : i32
        %dma_wait3A_315 = tpu.memref_slice %arg3[%add3A, %mul3A_309, %dma_wait3A_314] : memref<32x80x125xi32, #tpu.memory_space<hbm>> -> memref<1x8x125xi32, #tpu.memory_space<hbm>>
        %dma_wait3A_316 = tpu.memref_squeeze %dma_wait3A_315 : memref<1x8x125xi32, #tpu.memory_space<hbm>> -> memref<8x125xi32, #tpu.memory_space<hbm>>
        %dma_wait3A_317 = arith.constant 0 : i32
        %dma_wait3A_318 = arith.constant 0 : i32
        %dma_wait3A_319 = tpu.memref_slice %arg7[%select_n3A_307, %dma_wait3A_317, %dma_wait3A_318] : memref<4x8x125xi32, #tpu.memory_space<vmem>> -> memref<1x8x125xi32, #tpu.memory_space<vmem>>
        %dma_wait3A_320 = tpu.memref_squeeze %dma_wait3A_319 : memref<1x8x125xi32, #tpu.memory_space<vmem>> -> memref<8x125xi32, #tpu.memory_space<vmem>>
        %dma_wait3A_321 = arith.constant 0 : i32
        %dma_wait3A_322 = tpu.memref_slice %arg3[%add3A, %mul3A_309, %dma_wait3A_321] : memref<32x80x125xi32, #tpu.memory_space<hbm>> -> memref<1x8x125xi32, #tpu.memory_space<hbm>>
        %dma_wait3A_323 = tpu.memref_squeeze %dma_wait3A_322 : memref<1x8x125xi32, #tpu.memory_space<hbm>> -> memref<8x125xi32, #tpu.memory_space<hbm>>
        tpu.wait_dma2 semaphore(%arg14 : memref<!tpu.dma_semaphore, #tpu.memory_space<semaphore_mem>>) src(%dma_wait3A_323 : memref<8x125xi32, #tpu.memory_space<hbm>>) dst(%dma_wait3A_320 : memref<8x125xi32, #tpu.memory_space<vmem>>)
        %mul3A_324 = arith.constant 8 : i32
        %mul3A_325 = arith.muli %add3A_291, %mul3A_324 : i32
        %dma_wait3A_326 = arith.constant 0 : i32
        %dma_wait3A_327 = arith.constant 0 : i32
        %dma_wait3A_328 = tpu.memref_slice %arg8[%select_n3A_307, %dma_wait3A_326, %dma_wait3A_327] : memref<4x8x125xi32, #tpu.memory_space<vmem>> -> memref<1x8x125xi32, #tpu.memory_space<vmem>>
        %dma_wait3A_329 = tpu.memref_squeeze %dma_wait3A_328 : memref<1x8x125xi32, #tpu.memory_space<vmem>> -> memref<8x125xi32, #tpu.memory_space<vmem>>
        %dma_wait3A_330 = arith.constant 0 : i32
        %dma_wait3A_331 = tpu.memref_slice %arg4[%add3A, %mul3A_325, %dma_wait3A_330] : memref<32x80x125xi32, #tpu.memory_space<hbm>> -> memref<1x8x125xi32, #tpu.memory_space<hbm>>
        %dma_wait3A_332 = tpu.memref_squeeze %dma_wait3A_331 : memref<1x8x125xi32, #tpu.memory_space<hbm>> -> memref<8x125xi32, #tpu.memory_space<hbm>>
        %dma_wait3A_333 = arith.constant 0 : i32
        %dma_wait3A_334 = arith.constant 0 : i32
        %dma_wait3A_335 = tpu.memref_slice %arg8[%select_n3A_307, %dma_wait3A_333, %dma_wait3A_334] : memref<4x8x125xi32, #tpu.memory_space<vmem>> -> memref<1x8x125xi32, #tpu.memory_space<vmem>>
        %dma_wait3A_336 = tpu.memref_squeeze %dma_wait3A_335 : memref<1x8x125xi32, #tpu.memory_space<vmem>> -> memref<8x125xi32, #tpu.memory_space<vmem>>
        %dma_wait3A_337 = arith.constant 0 : i32
        %dma_wait3A_338 = tpu.memref_slice %arg4[%add3A, %mul3A_325, %dma_wait3A_337] : memref<32x80x125xi32, #tpu.memory_space<hbm>> -> memref<1x8x125xi32, #tpu.memory_space<hbm>>
        %dma_wait3A_339 = tpu.memref_squeeze %dma_wait3A_338 : memref<1x8x125xi32, #tpu.memory_space<hbm>> -> memref<8x125xi32, #tpu.memory_space<hbm>>
        tpu.wait_dma2 semaphore(%arg15 : memref<!tpu.dma_semaphore, #tpu.memory_space<semaphore_mem>>) src(%dma_wait3A_339 : memref<8x125xi32, #tpu.memory_space<hbm>>) dst(%dma_wait3A_336 : memref<8x125xi32, #tpu.memory_space<vmem>>)
        %lt3A_340 = arith.constant 56 : i32
        %lt3A_341 = arith.cmpi slt, %add3A_100, %lt3A_340 : i32
        %convert_element_type3A_342 = arith.extui %lt3A_341 : i1 to i32
        %cond3A_343 = arith.constant 0 : i32
        %cond3A_344 = arith.cmpi ne, %convert_element_type3A_342, %cond3A_343 : i32
        scf.if %cond3A_344 {
          %add3A_345 = arith.constant 2 : i32
          %add3A_346 = arith.addi %add3A_291, %add3A_345 : i32
          %add3A_347 = arith.constant 2 : i32
          %add3A_348 = arith.addi %add3A_291, %add3A_347 : i32
          %jit3A_349 = arith.constant 4 : i32
          %eq3A_350 = arith.constant 0 : i32
          %eq3A_351 = arith.cmpi eq, %jit3A_349, %eq3A_350 : i32
          %jit3A_352 = arith.constant 1 : i32
          %select_n3A_353 = arith.select %eq3A_351, %jit3A_352, %jit3A_349 : i32
          %rem3A_354 = arith.remsi %add3A_348, %select_n3A_353 : i32
          %ne3A_355 = arith.constant 0 : i32
          %ne3A_356 = arith.cmpi ne, %rem3A_354, %ne3A_355 : i32
          %lt3A_357 = arith.constant 0 : i32
          %lt3A_358 = arith.cmpi slt, %rem3A_354, %lt3A_357 : i32
          %lt3A_359 = arith.constant 0 : i32
          %lt3A_360 = arith.cmpi slt, %select_n3A_353, %lt3A_359 : i32
          %ne3A_361 = arith.xori %lt3A_358, %lt3A_360 : i1
          %and3A_362 = arith.andi %ne3A_361, %ne3A_356 : i1
          %add3A_363 = arith.addi %rem3A_354, %select_n3A_353 : i32
          %select_n3A_364 = arith.select %and3A_362, %add3A_363, %rem3A_354 : i32
          %mul3A_365 = arith.constant 8 : i32
          %mul3A_366 = arith.muli %add3A_346, %mul3A_365 : i32
          %dma_start3A_367 = arith.constant 0 : i32
          %dma_start3A_368 = arith.constant 0 : i32
          %dma_start3A_369 = tpu.memref_slice %arg7[%select_n3A_364, %dma_start3A_367, %dma_start3A_368] : memref<4x8x125xi32, #tpu.memory_space<vmem>> -> memref<1x8x125xi32, #tpu.memory_space<vmem>>
          %dma_start3A_370 = tpu.memref_squeeze %dma_start3A_369 : memref<1x8x125xi32, #tpu.memory_space<vmem>> -> memref<8x125xi32, #tpu.memory_space<vmem>>
          %dma_start3A_371 = arith.constant 0 : i32
          %dma_start3A_372 = tpu.memref_slice %arg3[%add3A, %mul3A_366, %dma_start3A_371] : memref<32x80x125xi32, #tpu.memory_space<hbm>> -> memref<1x8x125xi32, #tpu.memory_space<hbm>>
          %dma_start3A_373 = tpu.memref_squeeze %dma_start3A_372 : memref<1x8x125xi32, #tpu.memory_space<hbm>> -> memref<8x125xi32, #tpu.memory_space<hbm>>
          %dma_start3A_374 = arith.constant 0 : i32
          %dma_start3A_375 = arith.constant 0 : i32
          %dma_start3A_376 = tpu.memref_slice %arg7[%select_n3A_364, %dma_start3A_374, %dma_start3A_375] : memref<4x8x125xi32, #tpu.memory_space<vmem>> -> memref<1x8x125xi32, #tpu.memory_space<vmem>>
          %dma_start3A_377 = tpu.memref_squeeze %dma_start3A_376 : memref<1x8x125xi32, #tpu.memory_space<vmem>> -> memref<8x125xi32, #tpu.memory_space<vmem>>
          %dma_start3A_378 = arith.constant 0 : i32
          %dma_start3A_379 = tpu.memref_slice %arg3[%add3A, %mul3A_366, %dma_start3A_378] : memref<32x80x125xi32, #tpu.memory_space<hbm>> -> memref<1x8x125xi32, #tpu.memory_space<hbm>>
          %dma_start3A_380 = tpu.memref_squeeze %dma_start3A_379 : memref<1x8x125xi32, #tpu.memory_space<hbm>> -> memref<8x125xi32, #tpu.memory_space<hbm>>
          tpu.enqueue_dma source(%dma_start3A_380 : memref<8x125xi32, #tpu.memory_space<hbm>>) target(%dma_start3A_377 : memref<8x125xi32, #tpu.memory_space<vmem>>) target_semaphore(%arg14 : memref<!tpu.dma_semaphore, #tpu.memory_space<semaphore_mem>>)
          %mul3A_381 = arith.constant 8 : i32
          %mul3A_382 = arith.muli %add3A_346, %mul3A_381 : i32
          %dma_start3A_383 = arith.constant 0 : i32
          %dma_start3A_384 = arith.constant 0 : i32
          %dma_start3A_385 = tpu.memref_slice %arg8[%select_n3A_364, %dma_start3A_383, %dma_start3A_384] : memref<4x8x125xi32, #tpu.memory_space<vmem>> -> memref<1x8x125xi32, #tpu.memory_space<vmem>>
          %dma_start3A_386 = tpu.memref_squeeze %dma_start3A_385 : memref<1x8x125xi32, #tpu.memory_space<vmem>> -> memref<8x125xi32, #tpu.memory_space<vmem>>
          %dma_start3A_387 = arith.constant 0 : i32
          %dma_start3A_388 = tpu.memref_slice %arg4[%add3A, %mul3A_382, %dma_start3A_387] : memref<32x80x125xi32, #tpu.memory_space<hbm>> -> memref<1x8x125xi32, #tpu.memory_space<hbm>>
          %dma_start3A_389 = tpu.memref_squeeze %dma_start3A_388 : memref<1x8x125xi32, #tpu.memory_space<hbm>> -> memref<8x125xi32, #tpu.memory_space<hbm>>
          %dma_start3A_390 = arith.constant 0 : i32
          %dma_start3A_391 = arith.constant 0 : i32
          %dma_start3A_392 = tpu.memref_slice %arg8[%select_n3A_364, %dma_start3A_390, %dma_start3A_391] : memref<4x8x125xi32, #tpu.memory_space<vmem>> -> memref<1x8x125xi32, #tpu.memory_space<vmem>>
          %dma_start3A_393 = tpu.memref_squeeze %dma_start3A_392 : memref<1x8x125xi32, #tpu.memory_space<vmem>> -> memref<8x125xi32, #tpu.memory_space<vmem>>
          %dma_start3A_394 = arith.constant 0 : i32
          %dma_start3A_395 = tpu.memref_slice %arg4[%add3A, %mul3A_382, %dma_start3A_394] : memref<32x80x125xi32, #tpu.memory_space<hbm>> -> memref<1x8x125xi32, #tpu.memory_space<hbm>>
          %dma_start3A_396 = tpu.memref_squeeze %dma_start3A_395 : memref<1x8x125xi32, #tpu.memory_space<hbm>> -> memref<8x125xi32, #tpu.memory_space<hbm>>
          tpu.enqueue_dma source(%dma_start3A_396 : memref<8x125xi32, #tpu.memory_space<hbm>>) target(%dma_start3A_393 : memref<8x125xi32, #tpu.memory_space<vmem>>) target_semaphore(%arg15 : memref<!tpu.dma_semaphore, #tpu.memory_space<semaphore_mem>>)
        } else {
        }
      } else {
      }
      %add3A_116 = arith.constant 0 : i32
      %add3A_117 = arith.addi %add3A_100, %add3A_116 : i32
      %jit3A_118 = arith.constant 8 : i32
      %div3A = arith.divsi %add3A_117, %jit3A_118 : i32
      %sign3A = arith.constant 0 : i32
      %sign3A_119 = arith.cmpi sgt, %add3A_117, %sign3A : i32
      %sign3A_120 = arith.extui %sign3A_119 : i1 to i32
      %sign3A_121 = arith.constant 0 : i32
      %sign3A_122 = arith.cmpi slt, %add3A_117, %sign3A_121 : i32
      %sign3A_123 = arith.extui %sign3A_122 : i1 to i32
      %sign3A_124 = arith.subi %sign3A_120, %sign3A_123 : i32
      %sign3A_125 = arith.constant 0 : i32
      %sign3A_126 = arith.cmpi sgt, %jit3A_118, %sign3A_125 : i32
      %sign3A_127 = arith.extui %sign3A_126 : i1 to i32
      %sign3A_128 = arith.constant 0 : i32
      %sign3A_129 = arith.cmpi slt, %jit3A_118, %sign3A_128 : i32
      %sign3A_130 = arith.extui %sign3A_129 : i1 to i32
      %sign3A_131 = arith.subi %sign3A_127, %sign3A_130 : i32
      %ne3A_132 = arith.cmpi ne, %sign3A_124, %sign3A_131 : i32
      %rem3A_133 = arith.remsi %add3A_117, %jit3A_118 : i32
      %ne3A_134 = arith.constant 0 : i32
      %ne3A_135 = arith.cmpi ne, %rem3A_133, %ne3A_134 : i32
      %and3A_136 = arith.andi %ne3A_132, %ne3A_135 : i1
      %sub3A = arith.constant 1 : i32
      %sub3A_137 = arith.subi %div3A, %sub3A : i32
      %select_n3A_138 = arith.select %and3A_136, %sub3A_137, %div3A : i32
      %jit3A_139 = arith.constant 4 : i32
      %eq3A_140 = arith.constant 0 : i32
      %eq3A_141 = arith.cmpi eq, %jit3A_139, %eq3A_140 : i32
      %jit3A_142 = arith.constant 1 : i32
      %select_n3A_143 = arith.select %eq3A_141, %jit3A_142, %jit3A_139 : i32
      %rem3A_144 = arith.remsi %select_n3A_138, %select_n3A_143 : i32
      %ne3A_145 = arith.constant 0 : i32
      %ne3A_146 = arith.cmpi ne, %rem3A_144, %ne3A_145 : i32
      %lt3A_147 = arith.constant 0 : i32
      %lt3A_148 = arith.cmpi slt, %rem3A_144, %lt3A_147 : i32
      %lt3A_149 = arith.constant 0 : i32
      %lt3A_150 = arith.cmpi slt, %select_n3A_143, %lt3A_149 : i32
      %ne3A_151 = arith.xori %lt3A_148, %lt3A_150 : i1
      %and3A_152 = arith.andi %ne3A_151, %ne3A_146 : i1
      %add3A_153 = arith.addi %rem3A_144, %select_n3A_143 : i32
      %select_n3A_154 = arith.select %and3A_152, %add3A_153, %rem3A_144 : i32
      %mul3A_155 = arith.constant 8 : i32
      %mul3A_156 = arith.muli %select_n3A_138, %mul3A_155 : i32
      %sub3A_157 = arith.subi %add3A_117, %mul3A_156 : i32
      %dma_wait3A = arith.constant 0 : i32
      %dma_wait3A_158 = tpu.memref_slice %arg7[%select_n3A_154, %sub3A_157, %dma_wait3A] : memref<4x8x125xi32, #tpu.memory_space<vmem>> -> memref<1x1x125xi32, #tpu.memory_space<vmem>>
      %dma_wait3A_159 = tpu.memref_squeeze %dma_wait3A_158 : memref<1x1x125xi32, #tpu.memory_space<vmem>> -> memref<125xi32, #tpu.memory_space<vmem>>
      %dma_wait3A_160 = arith.constant 0 : i32
      %dma_wait3A_161 = arith.constant 0 : i32
      %dma_wait3A_162 = tpu.memref_slice %arg2[%dma_wait3A_160, %dma_wait3A_161] : memref<10000x128xf32, #tpu.memory_space<hbm>> -> memref<10000x128xf32, #tpu.memory_space<hbm>>
      tpu.wait_indirect_dma semaphore(%arg12 : memref<!tpu.dma_semaphore, #tpu.memory_space<semaphore_mem>>) src(%dma_wait3A_162 : memref<10000x128xf32, #tpu.memory_space<hbm>>) dst(%arg9 : memref<125x128xf32, #tpu.memory_space<vmem>>)
      %jit3A_163 = arith.constant 4 : i32
      %eq3A_164 = arith.constant 0 : i32
      %eq3A_165 = arith.cmpi eq, %jit3A_163, %eq3A_164 : i32
      %jit3A_166 = arith.constant 1 : i32
      %select_n3A_167 = arith.select %eq3A_165, %jit3A_166, %jit3A_163 : i32
      %rem3A_168 = arith.remsi %select_n3A_138, %select_n3A_167 : i32
      %ne3A_169 = arith.constant 0 : i32
      %ne3A_170 = arith.cmpi ne, %rem3A_168, %ne3A_169 : i32
      %lt3A_171 = arith.constant 0 : i32
      %lt3A_172 = arith.cmpi slt, %rem3A_168, %lt3A_171 : i32
      %lt3A_173 = arith.constant 0 : i32
      %lt3A_174 = arith.cmpi slt, %select_n3A_167, %lt3A_173 : i32
      %ne3A_175 = arith.xori %lt3A_172, %lt3A_174 : i1
      %and3A_176 = arith.andi %ne3A_175, %ne3A_170 : i1
      %add3A_177 = arith.addi %rem3A_168, %select_n3A_167 : i32
      %select_n3A_178 = arith.select %and3A_176, %add3A_177, %rem3A_168 : i32
      %mul3A_179 = arith.constant 8 : i32
      %mul3A_180 = arith.muli %select_n3A_138, %mul3A_179 : i32
      %sub3A_181 = arith.subi %add3A_117, %mul3A_180 : i32
      "tpu.region"() ({
        %run_scoped3A_266 = tpu.sem_alloc : memref<!tpu.dma_semaphore, #tpu.memory_space<semaphore_mem>>
        %dma_start3A_267 = arith.constant 0 : i32
        %dma_start3A_268 = tpu.memref_slice %arg8[%select_n3A_178, %sub3A_181, %dma_start3A_267] : memref<4x8x125xi32, #tpu.memory_space<vmem>> -> memref<1x1x125xi32, #tpu.memory_space<vmem>>
        %dma_start3A_269 = tpu.memref_squeeze %dma_start3A_268 : memref<1x1x125xi32, #tpu.memory_space<vmem>> -> memref<125xi32, #tpu.memory_space<vmem>>
        %dma_start3A_270 = arith.constant 0 : i32
        %dma_start3A_271 = arith.constant 0 : i32
        %dma_start3A_272 = tpu.memref_slice %arg11[%dma_start3A_270, %dma_start3A_271] : memref<10240x128xf32, #tpu.memory_space<vmem_shared>> -> memref<10240x128xf32, #tpu.memory_space<vmem_shared>>
        tpu.enqueue_indirect_dma source(%arg9 : memref<125x128xf32, #tpu.memory_space<vmem>>) target(%dma_start3A_272 : memref<10240x128xf32, #tpu.memory_space<vmem_shared>>) offsets(%dma_start3A_269 : memref<125xi32, #tpu.memory_space<vmem>>) semaphore(%run_scoped3A_266 : memref<!tpu.dma_semaphore, #tpu.memory_space<semaphore_mem>>) {add = true}
        %dma_wait3A_273 = arith.constant 0 : i32
        %dma_wait3A_274 = tpu.memref_slice %arg8[%select_n3A_178, %sub3A_181, %dma_wait3A_273] : memref<4x8x125xi32, #tpu.memory_space<vmem>> -> memref<1x1x125xi32, #tpu.memory_space<vmem>>
        %dma_wait3A_275 = tpu.memref_squeeze %dma_wait3A_274 : memref<1x1x125xi32, #tpu.memory_space<vmem>> -> memref<125xi32, #tpu.memory_space<vmem>>
        %dma_wait3A_276 = arith.constant 0 : i32
        %dma_wait3A_277 = arith.constant 0 : i32
        %dma_wait3A_278 = tpu.memref_slice %arg11[%dma_wait3A_276, %dma_wait3A_277] : memref<10240x128xf32, #tpu.memory_space<vmem_shared>> -> memref<10240x128xf32, #tpu.memory_space<vmem_shared>>
        tpu.wait_indirect_dma semaphore(%run_scoped3A_266 : memref<!tpu.dma_semaphore, #tpu.memory_space<semaphore_mem>>) src(%arg9 : memref<125x128xf32, #tpu.memory_space<vmem>>) dst(%dma_wait3A_278 : memref<10240x128xf32, #tpu.memory_space<vmem_shared>>)
        tpu.yield
      }) : () -> ()
      %add3A_182 = arith.constant 2 : i32
      %add3A_183 = arith.addi %add3A_117, %add3A_182 : i32
      %lt3A_184 = arith.constant 80 : i32
      %lt3A_185 = arith.cmpi slt, %add3A_183, %lt3A_184 : i32
      %convert_element_type3A_186 = arith.extui %lt3A_185 : i1 to i32
      %cond3A_187 = arith.constant 0 : i32
      %cond3A_188 = arith.cmpi ne, %convert_element_type3A_186, %cond3A_187 : i32
      scf.if %cond3A_188 {
        %add3A_266 = arith.constant 2 : i32
        %add3A_267 = arith.addi %add3A_117, %add3A_266 : i32
        %jit3A_268 = arith.constant 8 : i32
        %div3A_269 = arith.divsi %add3A_267, %jit3A_268 : i32
        %sign3A_270 = arith.constant 0 : i32
        %sign3A_271 = arith.cmpi sgt, %add3A_267, %sign3A_270 : i32
        %sign3A_272 = arith.extui %sign3A_271 : i1 to i32
        %sign3A_273 = arith.constant 0 : i32
        %sign3A_274 = arith.cmpi slt, %add3A_267, %sign3A_273 : i32
        %sign3A_275 = arith.extui %sign3A_274 : i1 to i32
        %sign3A_276 = arith.subi %sign3A_272, %sign3A_275 : i32
        %sign3A_277 = arith.constant 0 : i32
        %sign3A_278 = arith.cmpi sgt, %jit3A_268, %sign3A_277 : i32
        %sign3A_279 = arith.extui %sign3A_278 : i1 to i32
        %sign3A_280 = arith.constant 0 : i32
        %sign3A_281 = arith.cmpi slt, %jit3A_268, %sign3A_280 : i32
        %sign3A_282 = arith.extui %sign3A_281 : i1 to i32
        %sign3A_283 = arith.subi %sign3A_279, %sign3A_282 : i32
        %ne3A_284 = arith.cmpi ne, %sign3A_276, %sign3A_283 : i32
        %rem3A_285 = arith.remsi %add3A_267, %jit3A_268 : i32
        %ne3A_286 = arith.constant 0 : i32
        %ne3A_287 = arith.cmpi ne, %rem3A_285, %ne3A_286 : i32
        %and3A_288 = arith.andi %ne3A_284, %ne3A_287 : i1
        %sub3A_289 = arith.constant 1 : i32
        %sub3A_290 = arith.subi %div3A_269, %sub3A_289 : i32
        %select_n3A_291 = arith.select %and3A_288, %sub3A_290, %div3A_269 : i32
        %jit3A_292 = arith.constant 4 : i32
        %eq3A_293 = arith.constant 0 : i32
        %eq3A_294 = arith.cmpi eq, %jit3A_292, %eq3A_293 : i32
        %jit3A_295 = arith.constant 1 : i32
        %select_n3A_296 = arith.select %eq3A_294, %jit3A_295, %jit3A_292 : i32
        %rem3A_297 = arith.remsi %select_n3A_291, %select_n3A_296 : i32
        %ne3A_298 = arith.constant 0 : i32
        %ne3A_299 = arith.cmpi ne, %rem3A_297, %ne3A_298 : i32
        %lt3A_300 = arith.constant 0 : i32
        %lt3A_301 = arith.cmpi slt, %rem3A_297, %lt3A_300 : i32
        %lt3A_302 = arith.constant 0 : i32
        %lt3A_303 = arith.cmpi slt, %select_n3A_296, %lt3A_302 : i32
        %ne3A_304 = arith.xori %lt3A_301, %lt3A_303 : i1
        %and3A_305 = arith.andi %ne3A_304, %ne3A_299 : i1
        %add3A_306 = arith.addi %rem3A_297, %select_n3A_296 : i32
        %select_n3A_307 = arith.select %and3A_305, %add3A_306, %rem3A_297 : i32
        %mul3A_308 = arith.constant 8 : i32
        %mul3A_309 = arith.muli %select_n3A_291, %mul3A_308 : i32
        %sub3A_310 = arith.subi %add3A_267, %mul3A_309 : i32
        %dma_start3A_311 = arith.constant 0 : i32
        %dma_start3A_312 = tpu.memref_slice %arg7[%select_n3A_307, %sub3A_310, %dma_start3A_311] : memref<4x8x125xi32, #tpu.memory_space<vmem>> -> memref<1x1x125xi32, #tpu.memory_space<vmem>>
        %dma_start3A_313 = tpu.memref_squeeze %dma_start3A_312 : memref<1x1x125xi32, #tpu.memory_space<vmem>> -> memref<125xi32, #tpu.memory_space<vmem>>
        %dma_start3A_314 = arith.constant 0 : i32
        %dma_start3A_315 = arith.constant 0 : i32
        %dma_start3A_316 = tpu.memref_slice %arg2[%dma_start3A_314, %dma_start3A_315] : memref<10000x128xf32, #tpu.memory_space<hbm>> -> memref<10000x128xf32, #tpu.memory_space<hbm>>
        tpu.enqueue_indirect_dma source(%dma_start3A_316 : memref<10000x128xf32, #tpu.memory_space<hbm>>) target(%arg9 : memref<125x128xf32, #tpu.memory_space<vmem>>) offsets(%dma_start3A_313 : memref<125xi32, #tpu.memory_space<vmem>>) semaphore(%arg12 : memref<!tpu.dma_semaphore, #tpu.memory_space<semaphore_mem>>)
      } else {
      }
      %add3A_189 = arith.constant 1 : i32
      %add3A_190 = arith.addi %add3A_100, %add3A_189 : i32
      %jit3A_191 = arith.constant 8 : i32
      %div3A_192 = arith.divsi %add3A_190, %jit3A_191 : i32
      %sign3A_193 = arith.constant 0 : i32
      %sign3A_194 = arith.cmpi sgt, %add3A_190, %sign3A_193 : i32
      %sign3A_195 = arith.extui %sign3A_194 : i1 to i32
      %sign3A_196 = arith.constant 0 : i32
      %sign3A_197 = arith.cmpi slt, %add3A_190, %sign3A_196 : i32
      %sign3A_198 = arith.extui %sign3A_197 : i1 to i32
      %sign3A_199 = arith.subi %sign3A_195, %sign3A_198 : i32
      %sign3A_200 = arith.constant 0 : i32
      %sign3A_201 = arith.cmpi sgt, %jit3A_191, %sign3A_200 : i32
      %sign3A_202 = arith.extui %sign3A_201 : i1 to i32
      %sign3A_203 = arith.constant 0 : i32
      %sign3A_204 = arith.cmpi slt, %jit3A_191, %sign3A_203 : i32
      %sign3A_205 = arith.extui %sign3A_204 : i1 to i32
      %sign3A_206 = arith.subi %sign3A_202, %sign3A_205 : i32
      %ne3A_207 = arith.cmpi ne, %sign3A_199, %sign3A_206 : i32
      %rem3A_208 = arith.remsi %add3A_190, %jit3A_191 : i32
      %ne3A_209 = arith.constant 0 : i32
      %ne3A_210 = arith.cmpi ne, %rem3A_208, %ne3A_209 : i32
      %and3A_211 = arith.andi %ne3A_207, %ne3A_210 : i1
      %sub3A_212 = arith.constant 1 : i32
      %sub3A_213 = arith.subi %div3A_192, %sub3A_212 : i32
      %select_n3A_214 = arith.select %and3A_211, %sub3A_213, %div3A_192 : i32
      %jit3A_215 = arith.constant 4 : i32
      %eq3A_216 = arith.constant 0 : i32
      %eq3A_217 = arith.cmpi eq, %jit3A_215, %eq3A_216 : i32
      %jit3A_218 = arith.constant 1 : i32
      %select_n3A_219 = arith.select %eq3A_217, %jit3A_218, %jit3A_215 : i32
      %rem3A_220 = arith.remsi %select_n3A_214, %select_n3A_219 : i32
      %ne3A_221 = arith.constant 0 : i32
      %ne3A_222 = arith.cmpi ne, %rem3A_220, %ne3A_221 : i32
      %lt3A_223 = arith.constant 0 : i32
      %lt3A_224 = arith.cmpi slt, %rem3A_220, %lt3A_223 : i32
      %lt3A_225 = arith.constant 0 : i32
      %lt3A_226 = arith.cmpi slt, %select_n3A_219, %lt3A_225 : i32
      %ne3A_227 = arith.xori %lt3A_224, %lt3A_226 : i1
      %and3A_228 = arith.andi %ne3A_227, %ne3A_222 : i1
      %add3A_229 = arith.addi %rem3A_220, %select_n3A_219 : i32
      %select_n3A_230 = arith.select %and3A_228, %add3A_229, %rem3A_220 : i32
      %mul3A_231 = arith.constant 8 : i32
      %mul3A_232 = arith.muli %select_n3A_214, %mul3A_231 : i32
      %sub3A_233 = arith.subi %add3A_190, %mul3A_232 : i32
      %dma_wait3A_234 = arith.constant 0 : i32
      %dma_wait3A_235 = tpu.memref_slice %arg7[%select_n3A_230, %sub3A_233, %dma_wait3A_234] : memref<4x8x125xi32, #tpu.memory_space<vmem>> -> memref<1x1x125xi32, #tpu.memory_space<vmem>>
      %dma_wait3A_236 = tpu.memref_squeeze %dma_wait3A_235 : memref<1x1x125xi32, #tpu.memory_space<vmem>> -> memref<125xi32, #tpu.memory_space<vmem>>
      %dma_wait3A_237 = arith.constant 0 : i32
      %dma_wait3A_238 = arith.constant 0 : i32
      %dma_wait3A_239 = tpu.memref_slice %arg2[%dma_wait3A_237, %dma_wait3A_238] : memref<10000x128xf32, #tpu.memory_space<hbm>> -> memref<10000x128xf32, #tpu.memory_space<hbm>>
      tpu.wait_indirect_dma semaphore(%arg13 : memref<!tpu.dma_semaphore, #tpu.memory_space<semaphore_mem>>) src(%dma_wait3A_239 : memref<10000x128xf32, #tpu.memory_space<hbm>>) dst(%arg10 : memref<125x128xf32, #tpu.memory_space<vmem>>)
      %jit3A_240 = arith.constant 4 : i32
      %eq3A_241 = arith.constant 0 : i32
      %eq3A_242 = arith.cmpi eq, %jit3A_240, %eq3A_241 : i32
      %jit3A_243 = arith.constant 1 : i32
      %select_n3A_244 = arith.select %eq3A_242, %jit3A_243, %jit3A_240 : i32
      %rem3A_245 = arith.remsi %select_n3A_214, %select_n3A_244 : i32
      %ne3A_246 = arith.constant 0 : i32
      %ne3A_247 = arith.cmpi ne, %rem3A_245, %ne3A_246 : i32
      %lt3A_248 = arith.constant 0 : i32
      %lt3A_249 = arith.cmpi slt, %rem3A_245, %lt3A_248 : i32
      %lt3A_250 = arith.constant 0 : i32
      %lt3A_251 = arith.cmpi slt, %select_n3A_244, %lt3A_250 : i32
      %ne3A_252 = arith.xori %lt3A_249, %lt3A_251 : i1
      %and3A_253 = arith.andi %ne3A_252, %ne3A_247 : i1
      %add3A_254 = arith.addi %rem3A_245, %select_n3A_244 : i32
      %select_n3A_255 = arith.select %and3A_253, %add3A_254, %rem3A_245 : i32
      %mul3A_256 = arith.constant 8 : i32
      %mul3A_257 = arith.muli %select_n3A_214, %mul3A_256 : i32
      %sub3A_258 = arith.subi %add3A_190, %mul3A_257 : i32
      "tpu.region"() ({
        %run_scoped3A_266 = tpu.sem_alloc : memref<!tpu.dma_semaphore, #tpu.memory_space<semaphore_mem>>
        %dma_start3A_267 = arith.constant 0 : i32
        %dma_start3A_268 = tpu.memref_slice %arg8[%select_n3A_255, %sub3A_258, %dma_start3A_267] : memref<4x8x125xi32, #tpu.memory_space<vmem>> -> memref<1x1x125xi32, #tpu.memory_space<vmem>>
        %dma_start3A_269 = tpu.memref_squeeze %dma_start3A_268 : memref<1x1x125xi32, #tpu.memory_space<vmem>> -> memref<125xi32, #tpu.memory_space<vmem>>
        %dma_start3A_270 = arith.constant 0 : i32
        %dma_start3A_271 = arith.constant 0 : i32
        %dma_start3A_272 = tpu.memref_slice %arg11[%dma_start3A_270, %dma_start3A_271] : memref<10240x128xf32, #tpu.memory_space<vmem_shared>> -> memref<10240x128xf32, #tpu.memory_space<vmem_shared>>
        tpu.enqueue_indirect_dma source(%arg10 : memref<125x128xf32, #tpu.memory_space<vmem>>) target(%dma_start3A_272 : memref<10240x128xf32, #tpu.memory_space<vmem_shared>>) offsets(%dma_start3A_269 : memref<125xi32, #tpu.memory_space<vmem>>) semaphore(%run_scoped3A_266 : memref<!tpu.dma_semaphore, #tpu.memory_space<semaphore_mem>>) {add = true}
        %dma_wait3A_273 = arith.constant 0 : i32
        %dma_wait3A_274 = tpu.memref_slice %arg8[%select_n3A_255, %sub3A_258, %dma_wait3A_273] : memref<4x8x125xi32, #tpu.memory_space<vmem>> -> memref<1x1x125xi32, #tpu.memory_space<vmem>>
        %dma_wait3A_275 = tpu.memref_squeeze %dma_wait3A_274 : memref<1x1x125xi32, #tpu.memory_space<vmem>> -> memref<125xi32, #tpu.memory_space<vmem>>
        %dma_wait3A_276 = arith.constant 0 : i32
        %dma_wait3A_277 = arith.constant 0 : i32
        %dma_wait3A_278 = tpu.memref_slice %arg11[%dma_wait3A_276, %dma_wait3A_277] : memref<10240x128xf32, #tpu.memory_space<vmem_shared>> -> memref<10240x128xf32, #tpu.memory_space<vmem_shared>>
        tpu.wait_indirect_dma semaphore(%run_scoped3A_266 : memref<!tpu.dma_semaphore, #tpu.memory_space<semaphore_mem>>) src(%arg10 : memref<125x128xf32, #tpu.memory_space<vmem>>) dst(%dma_wait3A_278 : memref<10240x128xf32, #tpu.memory_space<vmem_shared>>)
        tpu.yield
      }) : () -> ()
      %add3A_259 = arith.constant 2 : i32
      %add3A_260 = arith.addi %add3A_190, %add3A_259 : i32
      %lt3A_261 = arith.constant 80 : i32
      %lt3A_262 = arith.cmpi slt, %add3A_260, %lt3A_261 : i32
      %convert_element_type3A_263 = arith.extui %lt3A_262 : i1 to i32
      %cond3A_264 = arith.constant 0 : i32
      %cond3A_265 = arith.cmpi ne, %convert_element_type3A_263, %cond3A_264 : i32
      scf.if %cond3A_265 {
        %add3A_266 = arith.constant 2 : i32
        %add3A_267 = arith.addi %add3A_190, %add3A_266 : i32
        %jit3A_268 = arith.constant 8 : i32
        %div3A_269 = arith.divsi %add3A_267, %jit3A_268 : i32
        %sign3A_270 = arith.constant 0 : i32
        %sign3A_271 = arith.cmpi sgt, %add3A_267, %sign3A_270 : i32
        %sign3A_272 = arith.extui %sign3A_271 : i1 to i32
        %sign3A_273 = arith.constant 0 : i32
        %sign3A_274 = arith.cmpi slt, %add3A_267, %sign3A_273 : i32
        %sign3A_275 = arith.extui %sign3A_274 : i1 to i32
        %sign3A_276 = arith.subi %sign3A_272, %sign3A_275 : i32
        %sign3A_277 = arith.constant 0 : i32
        %sign3A_278 = arith.cmpi sgt, %jit3A_268, %sign3A_277 : i32
        %sign3A_279 = arith.extui %sign3A_278 : i1 to i32
        %sign3A_280 = arith.constant 0 : i32
        %sign3A_281 = arith.cmpi slt, %jit3A_268, %sign3A_280 : i32
        %sign3A_282 = arith.extui %sign3A_281 : i1 to i32
        %sign3A_283 = arith.subi %sign3A_279, %sign3A_282 : i32
        %ne3A_284 = arith.cmpi ne, %sign3A_276, %sign3A_283 : i32
        %rem3A_285 = arith.remsi %add3A_267, %jit3A_268 : i32
        %ne3A_286 = arith.constant 0 : i32
        %ne3A_287 = arith.cmpi ne, %rem3A_285, %ne3A_286 : i32
        %and3A_288 = arith.andi %ne3A_284, %ne3A_287 : i1
        %sub3A_289 = arith.constant 1 : i32
        %sub3A_290 = arith.subi %div3A_269, %sub3A_289 : i32
        %select_n3A_291 = arith.select %and3A_288, %sub3A_290, %div3A_269 : i32
        %jit3A_292 = arith.constant 4 : i32
        %eq3A_293 = arith.constant 0 : i32
        %eq3A_294 = arith.cmpi eq, %jit3A_292, %eq3A_293 : i32
        %jit3A_295 = arith.constant 1 : i32
        %select_n3A_296 = arith.select %eq3A_294, %jit3A_295, %jit3A_292 : i32
        %rem3A_297 = arith.remsi %select_n3A_291, %select_n3A_296 : i32
        %ne3A_298 = arith.constant 0 : i32
        %ne3A_299 = arith.cmpi ne, %rem3A_297, %ne3A_298 : i32
        %lt3A_300 = arith.constant 0 : i32
        %lt3A_301 = arith.cmpi slt, %rem3A_297, %lt3A_300 : i32
        %lt3A_302 = arith.constant 0 : i32
        %lt3A_303 = arith.cmpi slt, %select_n3A_296, %lt3A_302 : i32
        %ne3A_304 = arith.xori %lt3A_301, %lt3A_303 : i1
        %and3A_305 = arith.andi %ne3A_304, %ne3A_299 : i1
        %add3A_306 = arith.addi %rem3A_297, %select_n3A_296 : i32
        %select_n3A_307 = arith.select %and3A_305, %add3A_306, %rem3A_297 : i32
        %mul3A_308 = arith.constant 8 : i32
        %mul3A_309 = arith.muli %select_n3A_291, %mul3A_308 : i32
        %sub3A_310 = arith.subi %add3A_267, %mul3A_309 : i32
        %dma_start3A_311 = arith.constant 0 : i32
        %dma_start3A_312 = tpu.memref_slice %arg7[%select_n3A_307, %sub3A_310, %dma_start3A_311] : memref<4x8x125xi32, #tpu.memory_space<vmem>> -> memref<1x1x125xi32, #tpu.memory_space<vmem>>
        %dma_start3A_313 = tpu.memref_squeeze %dma_start3A_312 : memref<1x1x125xi32, #tpu.memory_space<vmem>> -> memref<125xi32, #tpu.memory_space<vmem>>
        %dma_start3A_314 = arith.constant 0 : i32
        %dma_start3A_315 = arith.constant 0 : i32
        %dma_start3A_316 = tpu.memref_slice %arg2[%dma_start3A_314, %dma_start3A_315] : memref<10000x128xf32, #tpu.memory_space<hbm>> -> memref<10000x128xf32, #tpu.memory_space<hbm>>
        tpu.enqueue_indirect_dma source(%dma_start3A_316 : memref<10000x128xf32, #tpu.memory_space<hbm>>) target(%arg10 : memref<125x128xf32, #tpu.memory_space<vmem>>) offsets(%dma_start3A_313 : memref<125xi32, #tpu.memory_space<vmem>>) semaphore(%arg13 : memref<!tpu.dma_semaphore, #tpu.memory_space<semaphore_mem>>)
      } else {
      }
    }
    %scan3A_90 = arith.constant 40 : i32
    %barrier3A_91 = arith.constant 0 : index
    tpu.barrier barrier_id(%barrier3A_91)
    %mul3A_92 = arith.constant 640 : i32
    %mul3A_93 = arith.muli %arg1, %mul3A_92 : i32
    %mul3A_94 = arith.constant 640 : i32
    %mul3A_95 = arith.muli %arg1, %mul3A_94 : i32
    "tpu.region"() ({
      %run_scoped3A_96 = tpu.sem_alloc : memref<!tpu.dma_semaphore, #tpu.memory_space<semaphore_mem>>
      %dma_start3A_97 = arith.constant 0 : i32
      %dma_start3A_98 = tpu.memref_slice %arg6[%arg0, %mul3A_95, %dma_start3A_97] : memref<2x10240x128xf32, #tpu.memory_space<hbm>> -> memref<1x640x128xf32, #tpu.memory_space<hbm>>
      %dma_start3A_99 = tpu.memref_squeeze %dma_start3A_98 : memref<1x640x128xf32, #tpu.memory_space<hbm>> -> memref<640x128xf32, #tpu.memory_space<hbm>>
      %dma_start3A_100 = arith.constant 0 : i32
      %dma_start3A_101 = tpu.memref_slice %arg11[%mul3A_93, %dma_start3A_100] : memref<10240x128xf32, #tpu.memory_space<vmem_shared>> -> memref<640x128xf32, #tpu.memory_space<vmem_shared>>
      tpu.enqueue_dma source(%dma_start3A_101 : memref<640x128xf32, #tpu.memory_space<vmem_shared>>) target(%dma_start3A_99 : memref<640x128xf32, #tpu.memory_space<hbm>>) target_semaphore(%run_scoped3A_96 : memref<!tpu.dma_semaphore, #tpu.memory_space<semaphore_mem>>)
      %dma_wait3A = arith.constant 0 : i32
      %dma_wait3A_102 = tpu.memref_slice %arg6[%arg0, %mul3A_95, %dma_wait3A] : memref<2x10240x128xf32, #tpu.memory_space<hbm>> -> memref<1x640x128xf32, #tpu.memory_space<hbm>>
      %dma_wait3A_103 = tpu.memref_squeeze %dma_wait3A_102 : memref<1x640x128xf32, #tpu.memory_space<hbm>> -> memref<640x128xf32, #tpu.memory_space<hbm>>
      %dma_wait3A_104 = arith.constant 0 : i32
      %dma_wait3A_105 = tpu.memref_slice %arg11[%mul3A_93, %dma_wait3A_104] : memref<10240x128xf32, #tpu.memory_space<vmem_shared>> -> memref<640x128xf32, #tpu.memory_space<vmem_shared>>
      tpu.wait_dma2 semaphore(%run_scoped3A_96 : memref<!tpu.dma_semaphore, #tpu.memory_space<semaphore_mem>>) src(%dma_wait3A_105 : memref<640x128xf32, #tpu.memory_space<vmem_shared>>) dst(%dma_wait3A_103 : memref<640x128xf32, #tpu.memory_space<hbm>>)
      tpu.yield
    }) : () -> ()
    return
  }
}

#map = affine_map<(d0, d1) -> (0, 0)>
#map1 = affine_map<(d0, d1) -> (0)>
module attributes {stable_mosaic.version = 14 : i64} {
  func.func @deg_kernel(%arg0: i32, %arg1: i32, %arg2: memref<32x10000xi32, #tpu.memory_space<hbm>>, %arg3: memref<10240xf32, #tpu.memory_space<hbm>>, %arg4: memref<2x10240xf32, #tpu.memory_space<hbm>>, %arg5: memref<10000xi32, #tpu.memory_space<vmem>>, %arg6: memref<10240xf32, #tpu.memory_space<vmem>>, %arg7: memref<16x640xf32, #tpu.memory_space<vmem>>, %arg8: memref<640xf32, #tpu.memory_space<vmem>>, %arg9: memref<16x10240xf32, #tpu.memory_space<vmem_shared>>) attributes {dimension_semantics = [#tpu.dimension_semantics<core_parallel>, #tpu.dimension_semantics<subcore_parallel>], iteration_bounds = array<i64: 2, 16>, scalar_prefetch = 0 : i64, scratch_operands = 5 : i64, tpu.core_type = #tpu.core_type<sc_vector_subcore>, window_params = [{transform_indices = #map}, {transform_indices = #map1}, {transform_indices = #map}]} {
    %mul3A = arith.constant 2 : i32
    %mul3A_0 = arith.muli %arg1, %mul3A : i32
    %add3A = arith.addi %mul3A_0, %arg0 : i32
    "tpu.region"() ({
      %run_scoped3A = tpu.sem_alloc : memref<!tpu.dma_semaphore, #tpu.memory_space<semaphore_mem>>
      %dma_start3A = arith.constant 0 : i32
      %dma_start3A_15 = tpu.memref_slice %arg2[%add3A, %dma_start3A] : memref<32x10000xi32, #tpu.memory_space<hbm>> -> memref<1x10000xi32, #tpu.memory_space<hbm>>
      %dma_start3A_16 = tpu.memref_squeeze %dma_start3A_15 : memref<1x10000xi32, #tpu.memory_space<hbm>> -> memref<10000xi32, #tpu.memory_space<hbm>>
      %dma_start3A_17 = arith.constant 0 : i32
      %dma_start3A_18 = tpu.memref_slice %arg2[%add3A, %dma_start3A_17] : memref<32x10000xi32, #tpu.memory_space<hbm>> -> memref<1x10000xi32, #tpu.memory_space<hbm>>
      %dma_start3A_19 = tpu.memref_squeeze %dma_start3A_18 : memref<1x10000xi32, #tpu.memory_space<hbm>> -> memref<10000xi32, #tpu.memory_space<hbm>>
      tpu.enqueue_dma source(%dma_start3A_19 : memref<10000xi32, #tpu.memory_space<hbm>>) target(%arg5 : memref<10000xi32, #tpu.memory_space<vmem>>) target_semaphore(%run_scoped3A : memref<!tpu.dma_semaphore, #tpu.memory_space<semaphore_mem>>)
      %dma_wait3A = arith.constant 0 : i32
      %dma_wait3A_20 = tpu.memref_slice %arg2[%add3A, %dma_wait3A] : memref<32x10000xi32, #tpu.memory_space<hbm>> -> memref<1x10000xi32, #tpu.memory_space<hbm>>
      %dma_wait3A_21 = tpu.memref_squeeze %dma_wait3A_20 : memref<1x10000xi32, #tpu.memory_space<hbm>> -> memref<10000xi32, #tpu.memory_space<hbm>>
      %dma_wait3A_22 = arith.constant 0 : i32
      %dma_wait3A_23 = tpu.memref_slice %arg2[%add3A, %dma_wait3A_22] : memref<32x10000xi32, #tpu.memory_space<hbm>> -> memref<1x10000xi32, #tpu.memory_space<hbm>>
      %dma_wait3A_24 = tpu.memref_squeeze %dma_wait3A_23 : memref<1x10000xi32, #tpu.memory_space<hbm>> -> memref<10000xi32, #tpu.memory_space<hbm>>
      tpu.wait_dma2 semaphore(%run_scoped3A : memref<!tpu.dma_semaphore, #tpu.memory_space<semaphore_mem>>) src(%dma_wait3A_24 : memref<10000xi32, #tpu.memory_space<hbm>>) dst(%arg5 : memref<10000xi32, #tpu.memory_space<vmem>>)
      tpu.yield
    }) : () -> ()
    "tpu.region"() ({
      %run_scoped3A = tpu.sem_alloc : memref<!tpu.dma_semaphore, #tpu.memory_space<semaphore_mem>>
      tpu.enqueue_dma source(%arg3 : memref<10240xf32, #tpu.memory_space<hbm>>) target(%arg6 : memref<10240xf32, #tpu.memory_space<vmem>>) target_semaphore(%run_scoped3A : memref<!tpu.dma_semaphore, #tpu.memory_space<semaphore_mem>>)
      tpu.wait_dma2 semaphore(%run_scoped3A : memref<!tpu.dma_semaphore, #tpu.memory_space<semaphore_mem>>) src(%arg3 : memref<10240xf32, #tpu.memory_space<hbm>>) dst(%arg6 : memref<10240xf32, #tpu.memory_space<vmem>>)
      tpu.yield
    }) : () -> ()
    %broadcast_in_dim3A = arith.constant 1.000000e+00 : f32
    %broadcast_in_dim3A_1 = vector.broadcast %broadcast_in_dim3A : f32 to vector<16xf32>
    %scan3A = arith.constant 0 : i32
    %scan3A_2 = arith.constant 625 : i32
    %scan3A_3 = arith.addi %scan3A, %scan3A_2 : i32
    %scan3A_4 = arith.constant 1 : i32
    scf.for %scan3A_15 = %scan3A to %scan3A_3 step %scan3A_4  : i32 {
      %mul3A_16 = arith.constant 1 : i32
      %mul3A_17 = arith.muli %scan3A_15, %mul3A_16 : i32
      %add3A_18 = arith.constant 0 : i32
      %add3A_19 = arith.addi %add3A_18, %mul3A_17 : i32
      %mul3A_20 = arith.constant 16 : i32
      %mul3A_21 = arith.muli %add3A_19, %mul3A_20 : i32
      %get3A = arith.index_cast %mul3A_21 : i32 to index
      %get3A_22 = tpu.vector_load %arg5[%get3A] {strides = array<i32>} : memref<10000xi32, #tpu.memory_space<vmem>>, vector<16xi32>,
      tpu.vector_store_idx %arg6[%get3A_22], %broadcast_in_dim3A_1 {add = true} : memref<10240xf32, #tpu.memory_space<vmem>>[vector<16xi32>], vector<16xf32>,
    }
    %scan3A_5 = arith.constant 625 : i32
    "tpu.region"() ({
      %run_scoped3A = tpu.sem_alloc : memref<!tpu.dma_semaphore, #tpu.memory_space<semaphore_mem>>
      %dma_start3A = arith.constant 0 : i32
      %dma_start3A_15 = tpu.memref_slice %arg9[%arg1, %dma_start3A] : memref<16x10240xf32, #tpu.memory_space<vmem_shared>> -> memref<1x10240xf32, #tpu.memory_space<vmem_shared>>
      %dma_start3A_16 = tpu.memref_squeeze %dma_start3A_15 : memref<1x10240xf32, #tpu.memory_space<vmem_shared>> -> memref<10240xf32, #tpu.memory_space<vmem_shared>>
      %dma_start3A_17 = arith.constant 0 : i32
      %dma_start3A_18 = tpu.memref_slice %arg9[%arg1, %dma_start3A_17] : memref<16x10240xf32, #tpu.memory_space<vmem_shared>> -> memref<1x10240xf32, #tpu.memory_space<vmem_shared>>
      %dma_start3A_19 = tpu.memref_squeeze %dma_start3A_18 : memref<1x10240xf32, #tpu.memory_space<vmem_shared>> -> memref<10240xf32, #tpu.memory_space<vmem_shared>>
      tpu.enqueue_dma source(%arg6 : memref<10240xf32, #tpu.memory_space<vmem>>) target(%dma_start3A_19 : memref<10240xf32, #tpu.memory_space<vmem_shared>>) target_semaphore(%run_scoped3A : memref<!tpu.dma_semaphore, #tpu.memory_space<semaphore_mem>>)
      %dma_wait3A = arith.constant 0 : i32
      %dma_wait3A_20 = tpu.memref_slice %arg9[%arg1, %dma_wait3A] : memref<16x10240xf32, #tpu.memory_space<vmem_shared>> -> memref<1x10240xf32, #tpu.memory_space<vmem_shared>>
      %dma_wait3A_21 = tpu.memref_squeeze %dma_wait3A_20 : memref<1x10240xf32, #tpu.memory_space<vmem_shared>> -> memref<10240xf32, #tpu.memory_space<vmem_shared>>
      %dma_wait3A_22 = arith.constant 0 : i32
      %dma_wait3A_23 = tpu.memref_slice %arg9[%arg1, %dma_wait3A_22] : memref<16x10240xf32, #tpu.memory_space<vmem_shared>> -> memref<1x10240xf32, #tpu.memory_space<vmem_shared>>
      %dma_wait3A_24 = tpu.memref_squeeze %dma_wait3A_23 : memref<1x10240xf32, #tpu.memory_space<vmem_shared>> -> memref<10240xf32, #tpu.memory_space<vmem_shared>>
      tpu.wait_dma2 semaphore(%run_scoped3A : memref<!tpu.dma_semaphore, #tpu.memory_space<semaphore_mem>>) src(%arg6 : memref<10240xf32, #tpu.memory_space<vmem>>) dst(%dma_wait3A_24 : memref<10240xf32, #tpu.memory_space<vmem_shared>>)
      tpu.yield
    }) : () -> ()
    %barrier3A = arith.constant 0 : index
    tpu.barrier barrier_id(%barrier3A)
    %mul3A_6 = arith.constant 640 : i32
    %mul3A_7 = arith.muli %arg1, %mul3A_6 : i32
    "tpu.region"() ({
      %run_scoped3A = tpu.sem_alloc : memref<!tpu.dma_semaphore, #tpu.memory_space<semaphore_mem>>
      %dma_start3A = arith.constant 0 : i32
      %dma_start3A_15 = tpu.memref_slice %arg9[%dma_start3A, %mul3A_7] : memref<16x10240xf32, #tpu.memory_space<vmem_shared>> -> memref<16x640xf32, #tpu.memory_space<vmem_shared>>
      %dma_start3A_16 = arith.constant 0 : i32
      %dma_start3A_17 = tpu.memref_slice %arg9[%dma_start3A_16, %mul3A_7] : memref<16x10240xf32, #tpu.memory_space<vmem_shared>> -> memref<16x640xf32, #tpu.memory_space<vmem_shared>>
      tpu.enqueue_dma source(%dma_start3A_17 : memref<16x640xf32, #tpu.memory_space<vmem_shared>>) target(%arg7 : memref<16x640xf32, #tpu.memory_space<vmem>>) target_semaphore(%run_scoped3A : memref<!tpu.dma_semaphore, #tpu.memory_space<semaphore_mem>>)
      %dma_wait3A = arith.constant 0 : i32
      %dma_wait3A_18 = tpu.memref_slice %arg9[%dma_wait3A, %mul3A_7] : memref<16x10240xf32, #tpu.memory_space<vmem_shared>> -> memref<16x640xf32, #tpu.memory_space<vmem_shared>>
      %dma_wait3A_19 = arith.constant 0 : i32
      %dma_wait3A_20 = tpu.memref_slice %arg9[%dma_wait3A_19, %mul3A_7] : memref<16x10240xf32, #tpu.memory_space<vmem_shared>> -> memref<16x640xf32, #tpu.memory_space<vmem_shared>>
      tpu.wait_dma2 semaphore(%run_scoped3A : memref<!tpu.dma_semaphore, #tpu.memory_space<semaphore_mem>>) src(%dma_wait3A_20 : memref<16x640xf32, #tpu.memory_space<vmem_shared>>) dst(%arg7 : memref<16x640xf32, #tpu.memory_space<vmem>>)
      tpu.yield
    }) : () -> ()
    %scan3A_8 = arith.constant 0 : i32
    %scan3A_9 = arith.constant 40 : i32
    %scan3A_10 = arith.addi %scan3A_8, %scan3A_9 : i32
    %scan3A_11 = arith.constant 1 : i32
    scf.for %scan3A_15 = %scan3A_8 to %scan3A_10 step %scan3A_11  : i32 {
      %mul3A_16 = arith.constant 1 : i32
      %mul3A_17 = arith.muli %scan3A_15, %mul3A_16 : i32
      %add3A_18 = arith.constant 0 : i32
      %add3A_19 = arith.addi %add3A_18, %mul3A_17 : i32
      %broadcast_in_dim3A_20 = arith.constant 0.000000e+00 : f32
      %broadcast_in_dim3A_21 = vector.broadcast %broadcast_in_dim3A_20 : f32 to vector<16xf32>
      %mul3A_22 = arith.constant 16 : i32
      %mul3A_23 = arith.muli %add3A_19, %mul3A_22 : i32
      %get3A = arith.constant 0 : i32
      %get3A_24 = arith.index_cast %get3A : i32 to index
      %get3A_25 = arith.index_cast %mul3A_23 : i32 to index
      %get3A_26 = tpu.vector_load %arg7[%get3A_24, %get3A_25] {strides = array<i32>} : memref<16x640xf32, #tpu.memory_space<vmem>>, vector<16xf32>,
      %add3A_27 = arith.addf %broadcast_in_dim3A_21, %get3A_26 : vector<16xf32>
      %mul3A_28 = arith.constant 16 : i32
      %mul3A_29 = arith.muli %add3A_19, %mul3A_28 : i32
      %get3A_30 = arith.constant 1 : i32
      %get3A_31 = arith.index_cast %get3A_30 : i32 to index
      %get3A_32 = arith.index_cast %mul3A_29 : i32 to index
      %get3A_33 = tpu.vector_load %arg7[%get3A_31, %get3A_32] {strides = array<i32>} : memref<16x640xf32, #tpu.memory_space<vmem>>, vector<16xf32>,
      %add3A_34 = arith.addf %add3A_27, %get3A_33 : vector<16xf32>
      %mul3A_35 = arith.constant 16 : i32
      %mul3A_36 = arith.muli %add3A_19, %mul3A_35 : i32
      %get3A_37 = arith.constant 2 : i32
      %get3A_38 = arith.index_cast %get3A_37 : i32 to index
      %get3A_39 = arith.index_cast %mul3A_36 : i32 to index
      %get3A_40 = tpu.vector_load %arg7[%get3A_38, %get3A_39] {strides = array<i32>} : memref<16x640xf32, #tpu.memory_space<vmem>>, vector<16xf32>,
      %add3A_41 = arith.addf %add3A_34, %get3A_40 : vector<16xf32>
      %mul3A_42 = arith.constant 16 : i32
      %mul3A_43 = arith.muli %add3A_19, %mul3A_42 : i32
      %get3A_44 = arith.constant 3 : i32
      %get3A_45 = arith.index_cast %get3A_44 : i32 to index
      %get3A_46 = arith.index_cast %mul3A_43 : i32 to index
      %get3A_47 = tpu.vector_load %arg7[%get3A_45, %get3A_46] {strides = array<i32>} : memref<16x640xf32, #tpu.memory_space<vmem>>, vector<16xf32>,
      %add3A_48 = arith.addf %add3A_41, %get3A_47 : vector<16xf32>
      %mul3A_49 = arith.constant 16 : i32
      %mul3A_50 = arith.muli %add3A_19, %mul3A_49 : i32
      %get3A_51 = arith.constant 4 : i32
      %get3A_52 = arith.index_cast %get3A_51 : i32 to index
      %get3A_53 = arith.index_cast %mul3A_50 : i32 to index
      %get3A_54 = tpu.vector_load %arg7[%get3A_52, %get3A_53] {strides = array<i32>} : memref<16x640xf32, #tpu.memory_space<vmem>>, vector<16xf32>,
      %add3A_55 = arith.addf %add3A_48, %get3A_54 : vector<16xf32>
      %mul3A_56 = arith.constant 16 : i32
      %mul3A_57 = arith.muli %add3A_19, %mul3A_56 : i32
      %get3A_58 = arith.constant 5 : i32
      %get3A_59 = arith.index_cast %get3A_58 : i32 to index
      %get3A_60 = arith.index_cast %mul3A_57 : i32 to index
      %get3A_61 = tpu.vector_load %arg7[%get3A_59, %get3A_60] {strides = array<i32>} : memref<16x640xf32, #tpu.memory_space<vmem>>, vector<16xf32>,
      %add3A_62 = arith.addf %add3A_55, %get3A_61 : vector<16xf32>
      %mul3A_63 = arith.constant 16 : i32
      %mul3A_64 = arith.muli %add3A_19, %mul3A_63 : i32
      %get3A_65 = arith.constant 6 : i32
      %get3A_66 = arith.index_cast %get3A_65 : i32 to index
      %get3A_67 = arith.index_cast %mul3A_64 : i32 to index
      %get3A_68 = tpu.vector_load %arg7[%get3A_66, %get3A_67] {strides = array<i32>} : memref<16x640xf32, #tpu.memory_space<vmem>>, vector<16xf32>,
      %add3A_69 = arith.addf %add3A_62, %get3A_68 : vector<16xf32>
      %mul3A_70 = arith.constant 16 : i32
      %mul3A_71 = arith.muli %add3A_19, %mul3A_70 : i32
      %get3A_72 = arith.constant 7 : i32
      %get3A_73 = arith.index_cast %get3A_72 : i32 to index
      %get3A_74 = arith.index_cast %mul3A_71 : i32 to index
      %get3A_75 = tpu.vector_load %arg7[%get3A_73, %get3A_74] {strides = array<i32>} : memref<16x640xf32, #tpu.memory_space<vmem>>, vector<16xf32>,
      %add3A_76 = arith.addf %add3A_69, %get3A_75 : vector<16xf32>
      %mul3A_77 = arith.constant 16 : i32
      %mul3A_78 = arith.muli %add3A_19, %mul3A_77 : i32
      %get3A_79 = arith.constant 8 : i32
      %get3A_80 = arith.index_cast %get3A_79 : i32 to index
      %get3A_81 = arith.index_cast %mul3A_78 : i32 to index
      %get3A_82 = tpu.vector_load %arg7[%get3A_80, %get3A_81] {strides = array<i32>} : memref<16x640xf32, #tpu.memory_space<vmem>>, vector<16xf32>,
      %add3A_83 = arith.addf %add3A_76, %get3A_82 : vector<16xf32>
      %mul3A_84 = arith.constant 16 : i32
      %mul3A_85 = arith.muli %add3A_19, %mul3A_84 : i32
      %get3A_86 = arith.constant 9 : i32
      %get3A_87 = arith.index_cast %get3A_86 : i32 to index
      %get3A_88 = arith.index_cast %mul3A_85 : i32 to index
      %get3A_89 = tpu.vector_load %arg7[%get3A_87, %get3A_88] {strides = array<i32>} : memref<16x640xf32, #tpu.memory_space<vmem>>, vector<16xf32>,
      %add3A_90 = arith.addf %add3A_83, %get3A_89 : vector<16xf32>
      %mul3A_91 = arith.constant 16 : i32
      %mul3A_92 = arith.muli %add3A_19, %mul3A_91 : i32
      %get3A_93 = arith.constant 10 : i32
      %get3A_94 = arith.index_cast %get3A_93 : i32 to index
      %get3A_95 = arith.index_cast %mul3A_92 : i32 to index
      %get3A_96 = tpu.vector_load %arg7[%get3A_94, %get3A_95] {strides = array<i32>} : memref<16x640xf32, #tpu.memory_space<vmem>>, vector<16xf32>,
      %add3A_97 = arith.addf %add3A_90, %get3A_96 : vector<16xf32>
      %mul3A_98 = arith.constant 16 : i32
      %mul3A_99 = arith.muli %add3A_19, %mul3A_98 : i32
      %get3A_100 = arith.constant 11 : i32
      %get3A_101 = arith.index_cast %get3A_100 : i32 to index
      %get3A_102 = arith.index_cast %mul3A_99 : i32 to index
      %get3A_103 = tpu.vector_load %arg7[%get3A_101, %get3A_102] {strides = array<i32>} : memref<16x640xf32, #tpu.memory_space<vmem>>, vector<16xf32>,
      %add3A_104 = arith.addf %add3A_97, %get3A_103 : vector<16xf32>
      %mul3A_105 = arith.constant 16 : i32
      %mul3A_106 = arith.muli %add3A_19, %mul3A_105 : i32
      %get3A_107 = arith.constant 12 : i32
      %get3A_108 = arith.index_cast %get3A_107 : i32 to index
      %get3A_109 = arith.index_cast %mul3A_106 : i32 to index
      %get3A_110 = tpu.vector_load %arg7[%get3A_108, %get3A_109] {strides = array<i32>} : memref<16x640xf32, #tpu.memory_space<vmem>>, vector<16xf32>,
      %add3A_111 = arith.addf %add3A_104, %get3A_110 : vector<16xf32>
      %mul3A_112 = arith.constant 16 : i32
      %mul3A_113 = arith.muli %add3A_19, %mul3A_112 : i32
      %get3A_114 = arith.constant 13 : i32
      %get3A_115 = arith.index_cast %get3A_114 : i32 to index
      %get3A_116 = arith.index_cast %mul3A_113 : i32 to index
      %get3A_117 = tpu.vector_load %arg7[%get3A_115, %get3A_116] {strides = array<i32>} : memref<16x640xf32, #tpu.memory_space<vmem>>, vector<16xf32>,
      %add3A_118 = arith.addf %add3A_111, %get3A_117 : vector<16xf32>
      %mul3A_119 = arith.constant 16 : i32
      %mul3A_120 = arith.muli %add3A_19, %mul3A_119 : i32
      %get3A_121 = arith.constant 14 : i32
      %get3A_122 = arith.index_cast %get3A_121 : i32 to index
      %get3A_123 = arith.index_cast %mul3A_120 : i32 to index
      %get3A_124 = tpu.vector_load %arg7[%get3A_122, %get3A_123] {strides = array<i32>} : memref<16x640xf32, #tpu.memory_space<vmem>>, vector<16xf32>,
      %add3A_125 = arith.addf %add3A_118, %get3A_124 : vector<16xf32>
      %mul3A_126 = arith.constant 16 : i32
      %mul3A_127 = arith.muli %add3A_19, %mul3A_126 : i32
      %get3A_128 = arith.constant 15 : i32
      %get3A_129 = arith.index_cast %get3A_128 : i32 to index
      %get3A_130 = arith.index_cast %mul3A_127 : i32 to index
      %get3A_131 = tpu.vector_load %arg7[%get3A_129, %get3A_130] {strides = array<i32>} : memref<16x640xf32, #tpu.memory_space<vmem>>, vector<16xf32>,
      %add3A_132 = arith.addf %add3A_125, %get3A_131 : vector<16xf32>
      %mul3A_133 = arith.constant 16 : i32
      %mul3A_134 = arith.muli %add3A_19, %mul3A_133 : i32
      %swap3A = arith.index_cast %mul3A_134 : i32 to index
      %swap3A_135 = tpu.vector_load %arg8[%swap3A] {strides = array<i32>} : memref<640xf32, #tpu.memory_space<vmem>>, vector<16xf32>,
      tpu.vector_store %arg8[%swap3A], %add3A_132 {strides = array<i32>} : memref<640xf32, #tpu.memory_space<vmem>>, vector<16xf32>,
    }
    %scan3A_12 = arith.constant 40 : i32
    %mul3A_13 = arith.constant 640 : i32
    %mul3A_14 = arith.muli %arg1, %mul3A_13 : i32
    "tpu.region"() ({
      %run_scoped3A = tpu.sem_alloc : memref<!tpu.dma_semaphore, #tpu.memory_space<semaphore_mem>>
      %dma_start3A = tpu.memref_slice %arg4[%arg0, %mul3A_14] : memref<2x10240xf32, #tpu.memory_space<hbm>> -> memref<1x640xf32, #tpu.memory_space<hbm>>
      %dma_start3A_15 = tpu.memref_squeeze %dma_start3A : memref<1x640xf32, #tpu.memory_space<hbm>> -> memref<640xf32, #tpu.memory_space<hbm>>
      %dma_start3A_16 = tpu.memref_slice %arg4[%arg0, %mul3A_14] : memref<2x10240xf32, #tpu.memory_space<hbm>> -> memref<1x640xf32, #tpu.memory_space<hbm>>
      %dma_start3A_17 = tpu.memref_squeeze %dma_start3A_16 : memref<1x640xf32, #tpu.memory_space<hbm>> -> memref<640xf32, #tpu.memory_space<hbm>>
      tpu.enqueue_dma source(%arg8 : memref<640xf32, #tpu.memory_space<vmem>>) target(%dma_start3A_17 : memref<640xf32, #tpu.memory_space<hbm>>) target_semaphore(%run_scoped3A : memref<!tpu.dma_semaphore, #tpu.memory_space<semaphore_mem>>)
      %dma_wait3A = tpu.memref_slice %arg4[%arg0, %mul3A_14] : memref<2x10240xf32, #tpu.memory_space<hbm>> -> memref<1x640xf32, #tpu.memory_space<hbm>>
      %dma_wait3A_18 = tpu.memref_squeeze %dma_wait3A : memref<1x640xf32, #tpu.memory_space<hbm>> -> memref<640xf32, #tpu.memory_space<hbm>>
      %dma_wait3A_19 = tpu.memref_slice %arg4[%arg0, %mul3A_14] : memref<2x10240xf32, #tpu.memory_space<hbm>> -> memref<1x640xf32, #tpu.memory_space<hbm>>
      %dma_wait3A_20 = tpu.memref_squeeze %dma_wait3A_19 : memref<1x640xf32, #tpu.memory_space<hbm>> -> memref<640xf32, #tpu.memory_space<hbm>>
      tpu.wait_dma2 semaphore(%run_scoped3A : memref<!tpu.dma_semaphore, #tpu.memory_space<semaphore_mem>>) src(%arg8 : memref<640xf32, #tpu.memory_space<vmem>>) dst(%dma_wait3A_20 : memref<640xf32, #tpu.memory_space<hbm>>)
      tpu.yield
    }) : () -> ()
    return
  }
}

#map = affine_map<(d0, d1) -> (0, 0)>
#map1 = affine_map<(d0, d1) -> (0, 0, 0)>
module attributes {stable_mosaic.version = 14 : i64} {
  func.func @agg_kernel(%arg0: i32, %arg1: i32, %arg2: memref<10000x128xf32, #tpu.memory_space<hbm>>, %arg3: memref<32x80x125xi32, #tpu.memory_space<hbm>>, %arg4: memref<32x80x125xi32, #tpu.memory_space<hbm>>, %arg5: memref<640x128xf32, #tpu.memory_space<hbm>>, %arg6: memref<2x10240x128xf32, #tpu.memory_space<hbm>>, %arg7: memref<4x8x125xi32, #tpu.memory_space<vmem>>, %arg8: memref<4x8x125xi32, #tpu.memory_space<vmem>>, %arg9: memref<125x128xf32, #tpu.memory_space<vmem>>, %arg10: memref<125x128xf32, #tpu.memory_space<vmem>>, %arg11: memref<10240x128xf32, #tpu.memory_space<vmem_shared>>, %arg12: memref<!tpu.dma_semaphore, #tpu.memory_space<semaphore_mem>>, %arg13: memref<!tpu.dma_semaphore, #tpu.memory_space<semaphore_mem>>, %arg14: memref<!tpu.dma_semaphore, #tpu.memory_space<semaphore_mem>>, %arg15: memref<!tpu.dma_semaphore, #tpu.memory_space<semaphore_mem>>) attributes {dimension_semantics = [#tpu.dimension_semantics<core_parallel>, #tpu.dimension_semantics<subcore_parallel>], iteration_bounds = array<i64: 2, 16>, scalar_prefetch = 0 : i64, scratch_operands = 9 : i64, tpu.core_type = #tpu.core_type<sc_vector_subcore>, window_params = [{transform_indices = #map}, {transform_indices = #map1}, {transform_indices = #map1}, {transform_indices = #map}, {transform_indices = #map1}]} {
    %mul3A = arith.constant 2 : i32
    %mul3A_0 = arith.muli %arg1, %mul3A : i32
    %add3A = arith.addi %mul3A_0, %arg0 : i32
    %run_scoped3A = arith.constant 0 : i32
    "tpu.region"() ({
      %run_scoped3A_96 = tpu.sem_alloc : memref<!tpu.dma_semaphore, #tpu.memory_space<semaphore_mem>>
      %dma_start3A_97 = arith.constant 0 : i32
      %dma_start3A_98 = arith.constant 0 : i32
      %dma_start3A_99 = tpu.memref_slice %arg7[%run_scoped3A, %dma_start3A_97, %dma_start3A_98] : memref<4x8x125xi32, #tpu.memory_space<vmem>> -> memref<1x8x125xi32, #tpu.memory_space<vmem>>
      %dma_start3A_100 = tpu.memref_squeeze %dma_start3A_99 : memref<1x8x125xi32, #tpu.memory_space<vmem>> -> memref<8x125xi32, #tpu.memory_space<vmem>>
      %dma_start3A_101 = arith.constant 0 : i32
      %dma_start3A_102 = arith.constant 0 : i32
      %dma_start3A_103 = tpu.memref_slice %arg3[%add3A, %dma_start3A_101, %dma_start3A_102] : memref<32x80x125xi32, #tpu.memory_space<hbm>> -> memref<1x8x125xi32, #tpu.memory_space<hbm>>
      %dma_start3A_104 = tpu.memref_squeeze %dma_start3A_103 : memref<1x8x125xi32, #tpu.memory_space<hbm>> -> memref<8x125xi32, #tpu.memory_space<hbm>>
      %dma_start3A_105 = arith.constant 0 : i32
      %dma_start3A_106 = arith.constant 0 : i32
      %dma_start3A_107 = tpu.memref_slice %arg7[%run_scoped3A, %dma_start3A_105, %dma_start3A_106] : memref<4x8x125xi32, #tpu.memory_space<vmem>> -> memref<1x8x125xi32, #tpu.memory_space<vmem>>
      %dma_start3A_108 = tpu.memref_squeeze %dma_start3A_107 : memref<1x8x125xi32, #tpu.memory_space<vmem>> -> memref<8x125xi32, #tpu.memory_space<vmem>>
      %dma_start3A_109 = arith.constant 0 : i32
      %dma_start3A_110 = arith.constant 0 : i32
      %dma_start3A_111 = tpu.memref_slice %arg3[%add3A, %dma_start3A_109, %dma_start3A_110] : memref<32x80x125xi32, #tpu.memory_space<hbm>> -> memref<1x8x125xi32, #tpu.memory_space<hbm>>
      %dma_start3A_112 = tpu.memref_squeeze %dma_start3A_111 : memref<1x8x125xi32, #tpu.memory_space<hbm>> -> memref<8x125xi32, #tpu.memory_space<hbm>>
      tpu.enqueue_dma source(%dma_start3A_112 : memref<8x125xi32, #tpu.memory_space<hbm>>) target(%dma_start3A_108 : memref<8x125xi32, #tpu.memory_space<vmem>>) target_semaphore(%run_scoped3A_96 : memref<!tpu.dma_semaphore, #tpu.memory_space<semaphore_mem>>)
      %dma_wait3A = arith.constant 0 : i32
      %dma_wait3A_113 = arith.constant 0 : i32
      %dma_wait3A_114 = tpu.memref_slice %arg7[%run_scoped3A, %dma_wait3A, %dma_wait3A_113] : memref<4x8x125xi32, #tpu.memory_space<vmem>> -> memref<1x8x125xi32, #tpu.memory_space<vmem>>
      %dma_wait3A_115 = tpu.memref_squeeze %dma_wait3A_114 : memref<1x8x125xi32, #tpu.memory_space<vmem>> -> memref<8x125xi32, #tpu.memory_space<vmem>>
      %dma_wait3A_116 = arith.constant 0 : i32
      %dma_wait3A_117 = arith.constant 0 : i32
      %dma_wait3A_118 = tpu.memref_slice %arg3[%add3A, %dma_wait3A_116, %dma_wait3A_117] : memref<32x80x125xi32, #tpu.memory_space<hbm>> -> memref<1x8x125xi32, #tpu.memory_space<hbm>>
      %dma_wait3A_119 = tpu.memref_squeeze %dma_wait3A_118 : memref<1x8x125xi32, #tpu.memory_space<hbm>> -> memref<8x125xi32, #tpu.memory_space<hbm>>
      %dma_wait3A_120 = arith.constant 0 : i32
      %dma_wait3A_121 = arith.constant 0 : i32
      %dma_wait3A_122 = tpu.memref_slice %arg7[%run_scoped3A, %dma_wait3A_120, %dma_wait3A_121] : memref<4x8x125xi32, #tpu.memory_space<vmem>> -> memref<1x8x125xi32, #tpu.memory_space<vmem>>
      %dma_wait3A_123 = tpu.memref_squeeze %dma_wait3A_122 : memref<1x8x125xi32, #tpu.memory_space<vmem>> -> memref<8x125xi32, #tpu.memory_space<vmem>>
      %dma_wait3A_124 = arith.constant 0 : i32
      %dma_wait3A_125 = arith.constant 0 : i32
      %dma_wait3A_126 = tpu.memref_slice %arg3[%add3A, %dma_wait3A_124, %dma_wait3A_125] : memref<32x80x125xi32, #tpu.memory_space<hbm>> -> memref<1x8x125xi32, #tpu.memory_space<hbm>>
      %dma_wait3A_127 = tpu.memref_squeeze %dma_wait3A_126 : memref<1x8x125xi32, #tpu.memory_space<hbm>> -> memref<8x125xi32, #tpu.memory_space<hbm>>
      tpu.wait_dma2 semaphore(%run_scoped3A_96 : memref<!tpu.dma_semaphore, #tpu.memory_space<semaphore_mem>>) src(%dma_wait3A_127 : memref<8x125xi32, #tpu.memory_space<hbm>>) dst(%dma_wait3A_123 : memref<8x125xi32, #tpu.memory_space<vmem>>)
      tpu.yield
    }) : () -> ()
    %run_scoped3A_1 = arith.constant 0 : i32
    "tpu.region"() ({
      %run_scoped3A_96 = tpu.sem_alloc : memref<!tpu.dma_semaphore, #tpu.memory_space<semaphore_mem>>
      %dma_start3A_97 = arith.constant 0 : i32
      %dma_start3A_98 = arith.constant 0 : i32
      %dma_start3A_99 = tpu.memref_slice %arg8[%run_scoped3A_1, %dma_start3A_97, %dma_start3A_98] : memref<4x8x125xi32, #tpu.memory_space<vmem>> -> memref<1x8x125xi32, #tpu.memory_space<vmem>>
      %dma_start3A_100 = tpu.memref_squeeze %dma_start3A_99 : memref<1x8x125xi32, #tpu.memory_space<vmem>> -> memref<8x125xi32, #tpu.memory_space<vmem>>
      %dma_start3A_101 = arith.constant 0 : i32
      %dma_start3A_102 = arith.constant 0 : i32
      %dma_start3A_103 = tpu.memref_slice %arg4[%add3A, %dma_start3A_101, %dma_start3A_102] : memref<32x80x125xi32, #tpu.memory_space<hbm>> -> memref<1x8x125xi32, #tpu.memory_space<hbm>>
      %dma_start3A_104 = tpu.memref_squeeze %dma_start3A_103 : memref<1x8x125xi32, #tpu.memory_space<hbm>> -> memref<8x125xi32, #tpu.memory_space<hbm>>
      %dma_start3A_105 = arith.constant 0 : i32
      %dma_start3A_106 = arith.constant 0 : i32
      %dma_start3A_107 = tpu.memref_slice %arg8[%run_scoped3A_1, %dma_start3A_105, %dma_start3A_106] : memref<4x8x125xi32, #tpu.memory_space<vmem>> -> memref<1x8x125xi32, #tpu.memory_space<vmem>>
      %dma_start3A_108 = tpu.memref_squeeze %dma_start3A_107 : memref<1x8x125xi32, #tpu.memory_space<vmem>> -> memref<8x125xi32, #tpu.memory_space<vmem>>
      %dma_start3A_109 = arith.constant 0 : i32
      %dma_start3A_110 = arith.constant 0 : i32
      %dma_start3A_111 = tpu.memref_slice %arg4[%add3A, %dma_start3A_109, %dma_start3A_110] : memref<32x80x125xi32, #tpu.memory_space<hbm>> -> memref<1x8x125xi32, #tpu.memory_space<hbm>>
      %dma_start3A_112 = tpu.memref_squeeze %dma_start3A_111 : memref<1x8x125xi32, #tpu.memory_space<hbm>> -> memref<8x125xi32, #tpu.memory_space<hbm>>
      tpu.enqueue_dma source(%dma_start3A_112 : memref<8x125xi32, #tpu.memory_space<hbm>>) target(%dma_start3A_108 : memref<8x125xi32, #tpu.memory_space<vmem>>) target_semaphore(%run_scoped3A_96 : memref<!tpu.dma_semaphore, #tpu.memory_space<semaphore_mem>>)
      %dma_wait3A = arith.constant 0 : i32
      %dma_wait3A_113 = arith.constant 0 : i32
      %dma_wait3A_114 = tpu.memref_slice %arg8[%run_scoped3A_1, %dma_wait3A, %dma_wait3A_113] : memref<4x8x125xi32, #tpu.memory_space<vmem>> -> memref<1x8x125xi32, #tpu.memory_space<vmem>>
      %dma_wait3A_115 = tpu.memref_squeeze %dma_wait3A_114 : memref<1x8x125xi32, #tpu.memory_space<vmem>> -> memref<8x125xi32, #tpu.memory_space<vmem>>
      %dma_wait3A_116 = arith.constant 0 : i32
      %dma_wait3A_117 = arith.constant 0 : i32
      %dma_wait3A_118 = tpu.memref_slice %arg4[%add3A, %dma_wait3A_116, %dma_wait3A_117] : memref<32x80x125xi32, #tpu.memory_space<hbm>> -> memref<1x8x125xi32, #tpu.memory_space<hbm>>
      %dma_wait3A_119 = tpu.memref_squeeze %dma_wait3A_118 : memref<1x8x125xi32, #tpu.memory_space<hbm>> -> memref<8x125xi32, #tpu.memory_space<hbm>>
      %dma_wait3A_120 = arith.constant 0 : i32
      %dma_wait3A_121 = arith.constant 0 : i32
      %dma_wait3A_122 = tpu.memref_slice %arg8[%run_scoped3A_1, %dma_wait3A_120, %dma_wait3A_121] : memref<4x8x125xi32, #tpu.memory_space<vmem>> -> memref<1x8x125xi32, #tpu.memory_space<vmem>>
      %dma_wait3A_123 = tpu.memref_squeeze %dma_wait3A_122 : memref<1x8x125xi32, #tpu.memory_space<vmem>> -> memref<8x125xi32, #tpu.memory_space<vmem>>
      %dma_wait3A_124 = arith.constant 0 : i32
      %dma_wait3A_125 = arith.constant 0 : i32
      %dma_wait3A_126 = tpu.memref_slice %arg4[%add3A, %dma_wait3A_124, %dma_wait3A_125] : memref<32x80x125xi32, #tpu.memory_space<hbm>> -> memref<1x8x125xi32, #tpu.memory_space<hbm>>
      %dma_wait3A_127 = tpu.memref_squeeze %dma_wait3A_126 : memref<1x8x125xi32, #tpu.memory_space<hbm>> -> memref<8x125xi32, #tpu.memory_space<hbm>>
      tpu.wait_dma2 semaphore(%run_scoped3A_96 : memref<!tpu.dma_semaphore, #tpu.memory_space<semaphore_mem>>) src(%dma_wait3A_127 : memref<8x125xi32, #tpu.memory_space<hbm>>) dst(%dma_wait3A_123 : memref<8x125xi32, #tpu.memory_space<vmem>>)
      tpu.yield
    }) : () -> ()
    %dma_start3A = arith.constant 1 : i32
    %dma_start3A_2 = arith.constant 0 : i32
    %dma_start3A_3 = arith.constant 0 : i32
    %dma_start3A_4 = tpu.memref_slice %arg7[%dma_start3A, %dma_start3A_2, %dma_start3A_3] : memref<4x8x125xi32, #tpu.memory_space<vmem>> -> memref<1x8x125xi32, #tpu.memory_space<vmem>>
    %dma_start3A_5 = tpu.memref_squeeze %dma_start3A_4 : memref<1x8x125xi32, #tpu.memory_space<vmem>> -> memref<8x125xi32, #tpu.memory_space<vmem>>
    %dma_start3A_6 = arith.constant 8 : i32
    %dma_start3A_7 = arith.constant 0 : i32
    %dma_start3A_8 = tpu.memref_slice %arg3[%add3A, %dma_start3A_6, %dma_start3A_7] : memref<32x80x125xi32, #tpu.memory_space<hbm>> -> memref<1x8x125xi32, #tpu.memory_space<hbm>>
    %dma_start3A_9 = tpu.memref_squeeze %dma_start3A_8 : memref<1x8x125xi32, #tpu.memory_space<hbm>> -> memref<8x125xi32, #tpu.memory_space<hbm>>
    %dma_start3A_10 = arith.constant 0 : i32
    %dma_start3A_11 = arith.constant 0 : i32
    %dma_start3A_12 = tpu.memref_slice %arg7[%dma_start3A, %dma_start3A_10, %dma_start3A_11] : memref<4x8x125xi32, #tpu.memory_space<vmem>> -> memref<1x8x125xi32, #tpu.memory_space<vmem>>
    %dma_start3A_13 = tpu.memref_squeeze %dma_start3A_12 : memref<1x8x125xi32, #tpu.memory_space<vmem>> -> memref<8x125xi32, #tpu.memory_space<vmem>>
    %dma_start3A_14 = arith.constant 8 : i32
    %dma_start3A_15 = arith.constant 0 : i32
    %dma_start3A_16 = tpu.memref_slice %arg3[%add3A, %dma_start3A_14, %dma_start3A_15] : memref<32x80x125xi32, #tpu.memory_space<hbm>> -> memref<1x8x125xi32, #tpu.memory_space<hbm>>
    %dma_start3A_17 = tpu.memref_squeeze %dma_start3A_16 : memref<1x8x125xi32, #tpu.memory_space<hbm>> -> memref<8x125xi32, #tpu.memory_space<hbm>>
    tpu.enqueue_dma source(%dma_start3A_17 : memref<8x125xi32, #tpu.memory_space<hbm>>) target(%dma_start3A_13 : memref<8x125xi32, #tpu.memory_space<vmem>>) target_semaphore(%arg14 : memref<!tpu.dma_semaphore, #tpu.memory_space<semaphore_mem>>)
    %dma_start3A_18 = arith.constant 1 : i32
    %dma_start3A_19 = arith.constant 0 : i32
    %dma_start3A_20 = arith.constant 0 : i32
    %dma_start3A_21 = tpu.memref_slice %arg8[%dma_start3A_18, %dma_start3A_19, %dma_start3A_20] : memref<4x8x125xi32, #tpu.memory_space<vmem>> -> memref<1x8x125xi32, #tpu.memory_space<vmem>>
    %dma_start3A_22 = tpu.memref_squeeze %dma_start3A_21 : memref<1x8x125xi32, #tpu.memory_space<vmem>> -> memref<8x125xi32, #tpu.memory_space<vmem>>
    %dma_start3A_23 = arith.constant 8 : i32
    %dma_start3A_24 = arith.constant 0 : i32
    %dma_start3A_25 = tpu.memref_slice %arg4[%add3A, %dma_start3A_23, %dma_start3A_24] : memref<32x80x125xi32, #tpu.memory_space<hbm>> -> memref<1x8x125xi32, #tpu.memory_space<hbm>>
    %dma_start3A_26 = tpu.memref_squeeze %dma_start3A_25 : memref<1x8x125xi32, #tpu.memory_space<hbm>> -> memref<8x125xi32, #tpu.memory_space<hbm>>
    %dma_start3A_27 = arith.constant 0 : i32
    %dma_start3A_28 = arith.constant 0 : i32
    %dma_start3A_29 = tpu.memref_slice %arg8[%dma_start3A_18, %dma_start3A_27, %dma_start3A_28] : memref<4x8x125xi32, #tpu.memory_space<vmem>> -> memref<1x8x125xi32, #tpu.memory_space<vmem>>
    %dma_start3A_30 = tpu.memref_squeeze %dma_start3A_29 : memref<1x8x125xi32, #tpu.memory_space<vmem>> -> memref<8x125xi32, #tpu.memory_space<vmem>>
    %dma_start3A_31 = arith.constant 8 : i32
    %dma_start3A_32 = arith.constant 0 : i32
    %dma_start3A_33 = tpu.memref_slice %arg4[%add3A, %dma_start3A_31, %dma_start3A_32] : memref<32x80x125xi32, #tpu.memory_space<hbm>> -> memref<1x8x125xi32, #tpu.memory_space<hbm>>
    %dma_start3A_34 = tpu.memref_squeeze %dma_start3A_33 : memref<1x8x125xi32, #tpu.memory_space<hbm>> -> memref<8x125xi32, #tpu.memory_space<hbm>>
    tpu.enqueue_dma source(%dma_start3A_34 : memref<8x125xi32, #tpu.memory_space<hbm>>) target(%dma_start3A_30 : memref<8x125xi32, #tpu.memory_space<vmem>>) target_semaphore(%arg15 : memref<!tpu.dma_semaphore, #tpu.memory_space<semaphore_mem>>)
    %dma_start3A_35 = arith.constant 2 : i32
    %dma_start3A_36 = arith.constant 0 : i32
    %dma_start3A_37 = arith.constant 0 : i32
    %dma_start3A_38 = tpu.memref_slice %arg7[%dma_start3A_35, %dma_start3A_36, %dma_start3A_37] : memref<4x8x125xi32, #tpu.memory_space<vmem>> -> memref<1x8x125xi32, #tpu.memory_space<vmem>>
    %dma_start3A_39 = tpu.memref_squeeze %dma_start3A_38 : memref<1x8x125xi32, #tpu.memory_space<vmem>> -> memref<8x125xi32, #tpu.memory_space<vmem>>
    %dma_start3A_40 = arith.constant 16 : i32
    %dma_start3A_41 = arith.constant 0 : i32
    %dma_start3A_42 = tpu.memref_slice %arg3[%add3A, %dma_start3A_40, %dma_start3A_41] : memref<32x80x125xi32, #tpu.memory_space<hbm>> -> memref<1x8x125xi32, #tpu.memory_space<hbm>>
    %dma_start3A_43 = tpu.memref_squeeze %dma_start3A_42 : memref<1x8x125xi32, #tpu.memory_space<hbm>> -> memref<8x125xi32, #tpu.memory_space<hbm>>
    %dma_start3A_44 = arith.constant 0 : i32
    %dma_start3A_45 = arith.constant 0 : i32
    %dma_start3A_46 = tpu.memref_slice %arg7[%dma_start3A_35, %dma_start3A_44, %dma_start3A_45] : memref<4x8x125xi32, #tpu.memory_space<vmem>> -> memref<1x8x125xi32, #tpu.memory_space<vmem>>
    %dma_start3A_47 = tpu.memref_squeeze %dma_start3A_46 : memref<1x8x125xi32, #tpu.memory_space<vmem>> -> memref<8x125xi32, #tpu.memory_space<vmem>>
    %dma_start3A_48 = arith.constant 16 : i32
    %dma_start3A_49 = arith.constant 0 : i32
    %dma_start3A_50 = tpu.memref_slice %arg3[%add3A, %dma_start3A_48, %dma_start3A_49] : memref<32x80x125xi32, #tpu.memory_space<hbm>> -> memref<1x8x125xi32, #tpu.memory_space<hbm>>
    %dma_start3A_51 = tpu.memref_squeeze %dma_start3A_50 : memref<1x8x125xi32, #tpu.memory_space<hbm>> -> memref<8x125xi32, #tpu.memory_space<hbm>>
    tpu.enqueue_dma source(%dma_start3A_51 : memref<8x125xi32, #tpu.memory_space<hbm>>) target(%dma_start3A_47 : memref<8x125xi32, #tpu.memory_space<vmem>>) target_semaphore(%arg14 : memref<!tpu.dma_semaphore, #tpu.memory_space<semaphore_mem>>)
    %dma_start3A_52 = arith.constant 2 : i32
    %dma_start3A_53 = arith.constant 0 : i32
    %dma_start3A_54 = arith.constant 0 : i32
    %dma_start3A_55 = tpu.memref_slice %arg8[%dma_start3A_52, %dma_start3A_53, %dma_start3A_54] : memref<4x8x125xi32, #tpu.memory_space<vmem>> -> memref<1x8x125xi32, #tpu.memory_space<vmem>>
    %dma_start3A_56 = tpu.memref_squeeze %dma_start3A_55 : memref<1x8x125xi32, #tpu.memory_space<vmem>> -> memref<8x125xi32, #tpu.memory_space<vmem>>
    %dma_start3A_57 = arith.constant 16 : i32
    %dma_start3A_58 = arith.constant 0 : i32
    %dma_start3A_59 = tpu.memref_slice %arg4[%add3A, %dma_start3A_57, %dma_start3A_58] : memref<32x80x125xi32, #tpu.memory_space<hbm>> -> memref<1x8x125xi32, #tpu.memory_space<hbm>>
    %dma_start3A_60 = tpu.memref_squeeze %dma_start3A_59 : memref<1x8x125xi32, #tpu.memory_space<hbm>> -> memref<8x125xi32, #tpu.memory_space<hbm>>
    %dma_start3A_61 = arith.constant 0 : i32
    %dma_start3A_62 = arith.constant 0 : i32
    %dma_start3A_63 = tpu.memref_slice %arg8[%dma_start3A_52, %dma_start3A_61, %dma_start3A_62] : memref<4x8x125xi32, #tpu.memory_space<vmem>> -> memref<1x8x125xi32, #tpu.memory_space<vmem>>
    %dma_start3A_64 = tpu.memref_squeeze %dma_start3A_63 : memref<1x8x125xi32, #tpu.memory_space<vmem>> -> memref<8x125xi32, #tpu.memory_space<vmem>>
    %dma_start3A_65 = arith.constant 16 : i32
    %dma_start3A_66 = arith.constant 0 : i32
    %dma_start3A_67 = tpu.memref_slice %arg4[%add3A, %dma_start3A_65, %dma_start3A_66] : memref<32x80x125xi32, #tpu.memory_space<hbm>> -> memref<1x8x125xi32, #tpu.memory_space<hbm>>
    %dma_start3A_68 = tpu.memref_squeeze %dma_start3A_67 : memref<1x8x125xi32, #tpu.memory_space<hbm>> -> memref<8x125xi32, #tpu.memory_space<hbm>>
    tpu.enqueue_dma source(%dma_start3A_68 : memref<8x125xi32, #tpu.memory_space<hbm>>) target(%dma_start3A_64 : memref<8x125xi32, #tpu.memory_space<vmem>>) target_semaphore(%arg15 : memref<!tpu.dma_semaphore, #tpu.memory_space<semaphore_mem>>)
    %dma_start3A_69 = arith.constant 0 : i32
    %dma_start3A_70 = arith.constant 0 : i32
    %dma_start3A_71 = arith.constant 0 : i32
    %dma_start3A_72 = tpu.memref_slice %arg7[%dma_start3A_69, %dma_start3A_70, %dma_start3A_71] : memref<4x8x125xi32, #tpu.memory_space<vmem>> -> memref<1x1x125xi32, #tpu.memory_space<vmem>>
    %dma_start3A_73 = tpu.memref_squeeze %dma_start3A_72 : memref<1x1x125xi32, #tpu.memory_space<vmem>> -> memref<125xi32, #tpu.memory_space<vmem>>
    %dma_start3A_74 = arith.constant 0 : i32
    %dma_start3A_75 = arith.constant 0 : i32
    %dma_start3A_76 = tpu.memref_slice %arg2[%dma_start3A_74, %dma_start3A_75] : memref<10000x128xf32, #tpu.memory_space<hbm>> -> memref<10000x128xf32, #tpu.memory_space<hbm>>
    tpu.enqueue_indirect_dma source(%dma_start3A_76 : memref<10000x128xf32, #tpu.memory_space<hbm>>) target(%arg9 : memref<125x128xf32, #tpu.memory_space<vmem>>) offsets(%dma_start3A_73 : memref<125xi32, #tpu.memory_space<vmem>>) semaphore(%arg12 : memref<!tpu.dma_semaphore, #tpu.memory_space<semaphore_mem>>)
    %dma_start3A_77 = arith.constant 0 : i32
    %dma_start3A_78 = arith.constant 1 : i32
    %dma_start3A_79 = arith.constant 0 : i32
    %dma_start3A_80 = tpu.memref_slice %arg7[%dma_start3A_77, %dma_start3A_78, %dma_start3A_79] : memref<4x8x125xi32, #tpu.memory_space<vmem>> -> memref<1x1x125xi32, #tpu.memory_space<vmem>>
    %dma_start3A_81 = tpu.memref_squeeze %dma_start3A_80 : memref<1x1x125xi32, #tpu.memory_space<vmem>> -> memref<125xi32, #tpu.memory_space<vmem>>
    %dma_start3A_82 = arith.constant 0 : i32
    %dma_start3A_83 = arith.constant 0 : i32
    %dma_start3A_84 = tpu.memref_slice %arg2[%dma_start3A_82, %dma_start3A_83] : memref<10000x128xf32, #tpu.memory_space<hbm>> -> memref<10000x128xf32, #tpu.memory_space<hbm>>
    tpu.enqueue_indirect_dma source(%dma_start3A_84 : memref<10000x128xf32, #tpu.memory_space<hbm>>) target(%arg10 : memref<125x128xf32, #tpu.memory_space<vmem>>) offsets(%dma_start3A_81 : memref<125xi32, #tpu.memory_space<vmem>>) semaphore(%arg13 : memref<!tpu.dma_semaphore, #tpu.memory_space<semaphore_mem>>)
    %mul3A_85 = arith.constant 640 : i32
    %mul3A_86 = arith.muli %arg1, %mul3A_85 : i32
    "tpu.region"() ({
      %run_scoped3A_96 = tpu.sem_alloc : memref<!tpu.dma_semaphore, #tpu.memory_space<semaphore_mem>>
      %dma_start3A_97 = arith.constant 0 : i32
      %dma_start3A_98 = tpu.memref_slice %arg11[%mul3A_86, %dma_start3A_97] : memref<10240x128xf32, #tpu.memory_space<vmem_shared>> -> memref<640x128xf32, #tpu.memory_space<vmem_shared>>
      tpu.enqueue_dma source(%arg5 : memref<640x128xf32, #tpu.memory_space<hbm>>) target(%dma_start3A_98 : memref<640x128xf32, #tpu.memory_space<vmem_shared>>) target_semaphore(%run_scoped3A_96 : memref<!tpu.dma_semaphore, #tpu.memory_space<semaphore_mem>>)
      %dma_wait3A = arith.constant 0 : i32
      %dma_wait3A_99 = tpu.memref_slice %arg11[%mul3A_86, %dma_wait3A] : memref<10240x128xf32, #tpu.memory_space<vmem_shared>> -> memref<640x128xf32, #tpu.memory_space<vmem_shared>>
      tpu.wait_dma2 semaphore(%run_scoped3A_96 : memref<!tpu.dma_semaphore, #tpu.memory_space<semaphore_mem>>) src(%arg5 : memref<640x128xf32, #tpu.memory_space<hbm>>) dst(%dma_wait3A_99 : memref<640x128xf32, #tpu.memory_space<vmem_shared>>)
      tpu.yield
    }) : () -> ()
    %barrier3A = arith.constant 0 : index
    tpu.barrier barrier_id(%barrier3A)
    %scan3A = arith.constant 0 : i32
    %scan3A_87 = arith.constant 40 : i32
    %scan3A_88 = arith.addi %scan3A, %scan3A_87 : i32
    %scan3A_89 = arith.constant 1 : i32
    scf.for %scan3A_96 = %scan3A to %scan3A_88 step %scan3A_89  : i32 {
      %mul3A_97 = arith.constant 2 : i32
      %mul3A_98 = arith.muli %scan3A_96, %mul3A_97 : i32
      %add3A_99 = arith.constant 0 : i32
      %add3A_100 = arith.addi %add3A_99, %mul3A_98 : i32
      %jit3A = arith.constant 8 : i32
      %eq3A = arith.constant 0 : i32
      %eq3A_101 = arith.cmpi eq, %jit3A, %eq3A : i32
      %jit3A_102 = arith.constant 1 : i32
      %select_n3A = arith.select %eq3A_101, %jit3A_102, %jit3A : i32
      %rem3A = arith.remsi %add3A_100, %select_n3A : i32
      %ne3A = arith.constant 0 : i32
      %ne3A_103 = arith.cmpi ne, %rem3A, %ne3A : i32
      %lt3A = arith.constant 0 : i32
      %lt3A_104 = arith.cmpi slt, %rem3A, %lt3A : i32
      %lt3A_105 = arith.constant 0 : i32
      %lt3A_106 = arith.cmpi slt, %select_n3A, %lt3A_105 : i32
      %ne3A_107 = arith.xori %lt3A_104, %lt3A_106 : i1
      %and3A = arith.andi %ne3A_107, %ne3A_103 : i1
      %add3A_108 = arith.addi %rem3A, %select_n3A : i32
      %select_n3A_109 = arith.select %and3A, %add3A_108, %rem3A : i32
      %eq3A_110 = arith.constant 6 : i32
      %eq3A_111 = arith.cmpi eq, %select_n3A_109, %eq3A_110 : i32
      %lt3A_112 = arith.constant 72 : i32
      %lt3A_113 = arith.cmpi slt, %add3A_100, %lt3A_112 : i32
      %and3A_114 = arith.andi %eq3A_111, %lt3A_113 : i1
      %convert_element_type3A = arith.extui %and3A_114 : i1 to i32
      %cond3A = arith.constant 0 : i32
      %cond3A_115 = arith.cmpi ne, %convert_element_type3A, %cond3A : i32
      scf.if %cond3A_115 {
        %jit3A_266 = arith.constant 8 : i32
        %div3A_267 = arith.divsi %add3A_100, %jit3A_266 : i32
        %sign3A_268 = arith.constant 0 : i32
        %sign3A_269 = arith.cmpi sgt, %add3A_100, %sign3A_268 : i32
        %sign3A_270 = arith.extui %sign3A_269 : i1 to i32
        %sign3A_271 = arith.constant 0 : i32
        %sign3A_272 = arith.cmpi slt, %add3A_100, %sign3A_271 : i32
        %sign3A_273 = arith.extui %sign3A_272 : i1 to i32
        %sign3A_274 = arith.subi %sign3A_270, %sign3A_273 : i32
        %sign3A_275 = arith.constant 0 : i32
        %sign3A_276 = arith.cmpi sgt, %jit3A_266, %sign3A_275 : i32
        %sign3A_277 = arith.extui %sign3A_276 : i1 to i32
        %sign3A_278 = arith.constant 0 : i32
        %sign3A_279 = arith.cmpi slt, %jit3A_266, %sign3A_278 : i32
        %sign3A_280 = arith.extui %sign3A_279 : i1 to i32
        %sign3A_281 = arith.subi %sign3A_277, %sign3A_280 : i32
        %ne3A_282 = arith.cmpi ne, %sign3A_274, %sign3A_281 : i32
        %rem3A_283 = arith.remsi %add3A_100, %jit3A_266 : i32
        %ne3A_284 = arith.constant 0 : i32
        %ne3A_285 = arith.cmpi ne, %rem3A_283, %ne3A_284 : i32
        %and3A_286 = arith.andi %ne3A_282, %ne3A_285 : i1
        %sub3A_287 = arith.constant 1 : i32
        %sub3A_288 = arith.subi %div3A_267, %sub3A_287 : i32
        %select_n3A_289 = arith.select %and3A_286, %sub3A_288, %div3A_267 : i32
        %add3A_290 = arith.constant 1 : i32
        %add3A_291 = arith.addi %select_n3A_289, %add3A_290 : i32
        %jit3A_292 = arith.constant 4 : i32
        %eq3A_293 = arith.constant 0 : i32
        %eq3A_294 = arith.cmpi eq, %jit3A_292, %eq3A_293 : i32
        %jit3A_295 = arith.constant 1 : i32
        %select_n3A_296 = arith.select %eq3A_294, %jit3A_295, %jit3A_292 : i32
        %rem3A_297 = arith.remsi %add3A_291, %select_n3A_296 : i32
        %ne3A_298 = arith.constant 0 : i32
        %ne3A_299 = arith.cmpi ne, %rem3A_297, %ne3A_298 : i32
        %lt3A_300 = arith.constant 0 : i32
        %lt3A_301 = arith.cmpi slt, %rem3A_297, %lt3A_300 : i32
        %lt3A_302 = arith.constant 0 : i32
        %lt3A_303 = arith.cmpi slt, %select_n3A_296, %lt3A_302 : i32
        %ne3A_304 = arith.xori %lt3A_301, %lt3A_303 : i1
        %and3A_305 = arith.andi %ne3A_304, %ne3A_299 : i1
        %add3A_306 = arith.addi %rem3A_297, %select_n3A_296 : i32
        %select_n3A_307 = arith.select %and3A_305, %add3A_306, %rem3A_297 : i32
        %mul3A_308 = arith.constant 8 : i32
        %mul3A_309 = arith.muli %add3A_291, %mul3A_308 : i32
        %dma_wait3A_310 = arith.constant 0 : i32
        %dma_wait3A_311 = arith.constant 0 : i32
        %dma_wait3A_312 = tpu.memref_slice %arg7[%select_n3A_307, %dma_wait3A_310, %dma_wait3A_311] : memref<4x8x125xi32, #tpu.memory_space<vmem>> -> memref<1x8x125xi32, #tpu.memory_space<vmem>>
        %dma_wait3A_313 = tpu.memref_squeeze %dma_wait3A_312 : memref<1x8x125xi32, #tpu.memory_space<vmem>> -> memref<8x125xi32, #tpu.memory_space<vmem>>
        %dma_wait3A_314 = arith.constant 0 : i32
        %dma_wait3A_315 = tpu.memref_slice %arg3[%add3A, %mul3A_309, %dma_wait3A_314] : memref<32x80x125xi32, #tpu.memory_space<hbm>> -> memref<1x8x125xi32, #tpu.memory_space<hbm>>
        %dma_wait3A_316 = tpu.memref_squeeze %dma_wait3A_315 : memref<1x8x125xi32, #tpu.memory_space<hbm>> -> memref<8x125xi32, #tpu.memory_space<hbm>>
        %dma_wait3A_317 = arith.constant 0 : i32
        %dma_wait3A_318 = arith.constant 0 : i32
        %dma_wait3A_319 = tpu.memref_slice %arg7[%select_n3A_307, %dma_wait3A_317, %dma_wait3A_318] : memref<4x8x125xi32, #tpu.memory_space<vmem>> -> memref<1x8x125xi32, #tpu.memory_space<vmem>>
        %dma_wait3A_320 = tpu.memref_squeeze %dma_wait3A_319 : memref<1x8x125xi32, #tpu.memory_space<vmem>> -> memref<8x125xi32, #tpu.memory_space<vmem>>
        %dma_wait3A_321 = arith.constant 0 : i32
        %dma_wait3A_322 = tpu.memref_slice %arg3[%add3A, %mul3A_309, %dma_wait3A_321] : memref<32x80x125xi32, #tpu.memory_space<hbm>> -> memref<1x8x125xi32, #tpu.memory_space<hbm>>
        %dma_wait3A_323 = tpu.memref_squeeze %dma_wait3A_322 : memref<1x8x125xi32, #tpu.memory_space<hbm>> -> memref<8x125xi32, #tpu.memory_space<hbm>>
        tpu.wait_dma2 semaphore(%arg14 : memref<!tpu.dma_semaphore, #tpu.memory_space<semaphore_mem>>) src(%dma_wait3A_323 : memref<8x125xi32, #tpu.memory_space<hbm>>) dst(%dma_wait3A_320 : memref<8x125xi32, #tpu.memory_space<vmem>>)
        %mul3A_324 = arith.constant 8 : i32
        %mul3A_325 = arith.muli %add3A_291, %mul3A_324 : i32
        %dma_wait3A_326 = arith.constant 0 : i32
        %dma_wait3A_327 = arith.constant 0 : i32
        %dma_wait3A_328 = tpu.memref_slice %arg8[%select_n3A_307, %dma_wait3A_326, %dma_wait3A_327] : memref<4x8x125xi32, #tpu.memory_space<vmem>> -> memref<1x8x125xi32, #tpu.memory_space<vmem>>
        %dma_wait3A_329 = tpu.memref_squeeze %dma_wait3A_328 : memref<1x8x125xi32, #tpu.memory_space<vmem>> -> memref<8x125xi32, #tpu.memory_space<vmem>>
        %dma_wait3A_330 = arith.constant 0 : i32
        %dma_wait3A_331 = tpu.memref_slice %arg4[%add3A, %mul3A_325, %dma_wait3A_330] : memref<32x80x125xi32, #tpu.memory_space<hbm>> -> memref<1x8x125xi32, #tpu.memory_space<hbm>>
        %dma_wait3A_332 = tpu.memref_squeeze %dma_wait3A_331 : memref<1x8x125xi32, #tpu.memory_space<hbm>> -> memref<8x125xi32, #tpu.memory_space<hbm>>
        %dma_wait3A_333 = arith.constant 0 : i32
        %dma_wait3A_334 = arith.constant 0 : i32
        %dma_wait3A_335 = tpu.memref_slice %arg8[%select_n3A_307, %dma_wait3A_333, %dma_wait3A_334] : memref<4x8x125xi32, #tpu.memory_space<vmem>> -> memref<1x8x125xi32, #tpu.memory_space<vmem>>
        %dma_wait3A_336 = tpu.memref_squeeze %dma_wait3A_335 : memref<1x8x125xi32, #tpu.memory_space<vmem>> -> memref<8x125xi32, #tpu.memory_space<vmem>>
        %dma_wait3A_337 = arith.constant 0 : i32
        %dma_wait3A_338 = tpu.memref_slice %arg4[%add3A, %mul3A_325, %dma_wait3A_337] : memref<32x80x125xi32, #tpu.memory_space<hbm>> -> memref<1x8x125xi32, #tpu.memory_space<hbm>>
        %dma_wait3A_339 = tpu.memref_squeeze %dma_wait3A_338 : memref<1x8x125xi32, #tpu.memory_space<hbm>> -> memref<8x125xi32, #tpu.memory_space<hbm>>
        tpu.wait_dma2 semaphore(%arg15 : memref<!tpu.dma_semaphore, #tpu.memory_space<semaphore_mem>>) src(%dma_wait3A_339 : memref<8x125xi32, #tpu.memory_space<hbm>>) dst(%dma_wait3A_336 : memref<8x125xi32, #tpu.memory_space<vmem>>)
        %lt3A_340 = arith.constant 56 : i32
        %lt3A_341 = arith.cmpi slt, %add3A_100, %lt3A_340 : i32
        %convert_element_type3A_342 = arith.extui %lt3A_341 : i1 to i32
        %cond3A_343 = arith.constant 0 : i32
        %cond3A_344 = arith.cmpi ne, %convert_element_type3A_342, %cond3A_343 : i32
        scf.if %cond3A_344 {
          %add3A_345 = arith.constant 2 : i32
          %add3A_346 = arith.addi %add3A_291, %add3A_345 : i32
          %add3A_347 = arith.constant 2 : i32
          %add3A_348 = arith.addi %add3A_291, %add3A_347 : i32
          %jit3A_349 = arith.constant 4 : i32
          %eq3A_350 = arith.constant 0 : i32
          %eq3A_351 = arith.cmpi eq, %jit3A_349, %eq3A_350 : i32
          %jit3A_352 = arith.constant 1 : i32
          %select_n3A_353 = arith.select %eq3A_351, %jit3A_352, %jit3A_349 : i32
          %rem3A_354 = arith.remsi %add3A_348, %select_n3A_353 : i32
          %ne3A_355 = arith.constant 0 : i32
          %ne3A_356 = arith.cmpi ne, %rem3A_354, %ne3A_355 : i32
          %lt3A_357 = arith.constant 0 : i32
          %lt3A_358 = arith.cmpi slt, %rem3A_354, %lt3A_357 : i32
          %lt3A_359 = arith.constant 0 : i32
          %lt3A_360 = arith.cmpi slt, %select_n3A_353, %lt3A_359 : i32
          %ne3A_361 = arith.xori %lt3A_358, %lt3A_360 : i1
          %and3A_362 = arith.andi %ne3A_361, %ne3A_356 : i1
          %add3A_363 = arith.addi %rem3A_354, %select_n3A_353 : i32
          %select_n3A_364 = arith.select %and3A_362, %add3A_363, %rem3A_354 : i32
          %mul3A_365 = arith.constant 8 : i32
          %mul3A_366 = arith.muli %add3A_346, %mul3A_365 : i32
          %dma_start3A_367 = arith.constant 0 : i32
          %dma_start3A_368 = arith.constant 0 : i32
          %dma_start3A_369 = tpu.memref_slice %arg7[%select_n3A_364, %dma_start3A_367, %dma_start3A_368] : memref<4x8x125xi32, #tpu.memory_space<vmem>> -> memref<1x8x125xi32, #tpu.memory_space<vmem>>
          %dma_start3A_370 = tpu.memref_squeeze %dma_start3A_369 : memref<1x8x125xi32, #tpu.memory_space<vmem>> -> memref<8x125xi32, #tpu.memory_space<vmem>>
          %dma_start3A_371 = arith.constant 0 : i32
          %dma_start3A_372 = tpu.memref_slice %arg3[%add3A, %mul3A_366, %dma_start3A_371] : memref<32x80x125xi32, #tpu.memory_space<hbm>> -> memref<1x8x125xi32, #tpu.memory_space<hbm>>
          %dma_start3A_373 = tpu.memref_squeeze %dma_start3A_372 : memref<1x8x125xi32, #tpu.memory_space<hbm>> -> memref<8x125xi32, #tpu.memory_space<hbm>>
          %dma_start3A_374 = arith.constant 0 : i32
          %dma_start3A_375 = arith.constant 0 : i32
          %dma_start3A_376 = tpu.memref_slice %arg7[%select_n3A_364, %dma_start3A_374, %dma_start3A_375] : memref<4x8x125xi32, #tpu.memory_space<vmem>> -> memref<1x8x125xi32, #tpu.memory_space<vmem>>
          %dma_start3A_377 = tpu.memref_squeeze %dma_start3A_376 : memref<1x8x125xi32, #tpu.memory_space<vmem>> -> memref<8x125xi32, #tpu.memory_space<vmem>>
          %dma_start3A_378 = arith.constant 0 : i32
          %dma_start3A_379 = tpu.memref_slice %arg3[%add3A, %mul3A_366, %dma_start3A_378] : memref<32x80x125xi32, #tpu.memory_space<hbm>> -> memref<1x8x125xi32, #tpu.memory_space<hbm>>
          %dma_start3A_380 = tpu.memref_squeeze %dma_start3A_379 : memref<1x8x125xi32, #tpu.memory_space<hbm>> -> memref<8x125xi32, #tpu.memory_space<hbm>>
          tpu.enqueue_dma source(%dma_start3A_380 : memref<8x125xi32, #tpu.memory_space<hbm>>) target(%dma_start3A_377 : memref<8x125xi32, #tpu.memory_space<vmem>>) target_semaphore(%arg14 : memref<!tpu.dma_semaphore, #tpu.memory_space<semaphore_mem>>)
          %mul3A_381 = arith.constant 8 : i32
          %mul3A_382 = arith.muli %add3A_346, %mul3A_381 : i32
          %dma_start3A_383 = arith.constant 0 : i32
          %dma_start3A_384 = arith.constant 0 : i32
          %dma_start3A_385 = tpu.memref_slice %arg8[%select_n3A_364, %dma_start3A_383, %dma_start3A_384] : memref<4x8x125xi32, #tpu.memory_space<vmem>> -> memref<1x8x125xi32, #tpu.memory_space<vmem>>
          %dma_start3A_386 = tpu.memref_squeeze %dma_start3A_385 : memref<1x8x125xi32, #tpu.memory_space<vmem>> -> memref<8x125xi32, #tpu.memory_space<vmem>>
          %dma_start3A_387 = arith.constant 0 : i32
          %dma_start3A_388 = tpu.memref_slice %arg4[%add3A, %mul3A_382, %dma_start3A_387] : memref<32x80x125xi32, #tpu.memory_space<hbm>> -> memref<1x8x125xi32, #tpu.memory_space<hbm>>
          %dma_start3A_389 = tpu.memref_squeeze %dma_start3A_388 : memref<1x8x125xi32, #tpu.memory_space<hbm>> -> memref<8x125xi32, #tpu.memory_space<hbm>>
          %dma_start3A_390 = arith.constant 0 : i32
          %dma_start3A_391 = arith.constant 0 : i32
          %dma_start3A_392 = tpu.memref_slice %arg8[%select_n3A_364, %dma_start3A_390, %dma_start3A_391] : memref<4x8x125xi32, #tpu.memory_space<vmem>> -> memref<1x8x125xi32, #tpu.memory_space<vmem>>
          %dma_start3A_393 = tpu.memref_squeeze %dma_start3A_392 : memref<1x8x125xi32, #tpu.memory_space<vmem>> -> memref<8x125xi32, #tpu.memory_space<vmem>>
          %dma_start3A_394 = arith.constant 0 : i32
          %dma_start3A_395 = tpu.memref_slice %arg4[%add3A, %mul3A_382, %dma_start3A_394] : memref<32x80x125xi32, #tpu.memory_space<hbm>> -> memref<1x8x125xi32, #tpu.memory_space<hbm>>
          %dma_start3A_396 = tpu.memref_squeeze %dma_start3A_395 : memref<1x8x125xi32, #tpu.memory_space<hbm>> -> memref<8x125xi32, #tpu.memory_space<hbm>>
          tpu.enqueue_dma source(%dma_start3A_396 : memref<8x125xi32, #tpu.memory_space<hbm>>) target(%dma_start3A_393 : memref<8x125xi32, #tpu.memory_space<vmem>>) target_semaphore(%arg15 : memref<!tpu.dma_semaphore, #tpu.memory_space<semaphore_mem>>)
        } else {
        }
      } else {
      }
      %add3A_116 = arith.constant 0 : i32
      %add3A_117 = arith.addi %add3A_100, %add3A_116 : i32
      %jit3A_118 = arith.constant 8 : i32
      %div3A = arith.divsi %add3A_117, %jit3A_118 : i32
      %sign3A = arith.constant 0 : i32
      %sign3A_119 = arith.cmpi sgt, %add3A_117, %sign3A : i32
      %sign3A_120 = arith.extui %sign3A_119 : i1 to i32
      %sign3A_121 = arith.constant 0 : i32
      %sign3A_122 = arith.cmpi slt, %add3A_117, %sign3A_121 : i32
      %sign3A_123 = arith.extui %sign3A_122 : i1 to i32
      %sign3A_124 = arith.subi %sign3A_120, %sign3A_123 : i32
      %sign3A_125 = arith.constant 0 : i32
      %sign3A_126 = arith.cmpi sgt, %jit3A_118, %sign3A_125 : i32
      %sign3A_127 = arith.extui %sign3A_126 : i1 to i32
      %sign3A_128 = arith.constant 0 : i32
      %sign3A_129 = arith.cmpi slt, %jit3A_118, %sign3A_128 : i32
      %sign3A_130 = arith.extui %sign3A_129 : i1 to i32
      %sign3A_131 = arith.subi %sign3A_127, %sign3A_130 : i32
      %ne3A_132 = arith.cmpi ne, %sign3A_124, %sign3A_131 : i32
      %rem3A_133 = arith.remsi %add3A_117, %jit3A_118 : i32
      %ne3A_134 = arith.constant 0 : i32
      %ne3A_135 = arith.cmpi ne, %rem3A_133, %ne3A_134 : i32
      %and3A_136 = arith.andi %ne3A_132, %ne3A_135 : i1
      %sub3A = arith.constant 1 : i32
      %sub3A_137 = arith.subi %div3A, %sub3A : i32
      %select_n3A_138 = arith.select %and3A_136, %sub3A_137, %div3A : i32
      %jit3A_139 = arith.constant 4 : i32
      %eq3A_140 = arith.constant 0 : i32
      %eq3A_141 = arith.cmpi eq, %jit3A_139, %eq3A_140 : i32
      %jit3A_142 = arith.constant 1 : i32
      %select_n3A_143 = arith.select %eq3A_141, %jit3A_142, %jit3A_139 : i32
      %rem3A_144 = arith.remsi %select_n3A_138, %select_n3A_143 : i32
      %ne3A_145 = arith.constant 0 : i32
      %ne3A_146 = arith.cmpi ne, %rem3A_144, %ne3A_145 : i32
      %lt3A_147 = arith.constant 0 : i32
      %lt3A_148 = arith.cmpi slt, %rem3A_144, %lt3A_147 : i32
      %lt3A_149 = arith.constant 0 : i32
      %lt3A_150 = arith.cmpi slt, %select_n3A_143, %lt3A_149 : i32
      %ne3A_151 = arith.xori %lt3A_148, %lt3A_150 : i1
      %and3A_152 = arith.andi %ne3A_151, %ne3A_146 : i1
      %add3A_153 = arith.addi %rem3A_144, %select_n3A_143 : i32
      %select_n3A_154 = arith.select %and3A_152, %add3A_153, %rem3A_144 : i32
      %mul3A_155 = arith.constant 8 : i32
      %mul3A_156 = arith.muli %select_n3A_138, %mul3A_155 : i32
      %sub3A_157 = arith.subi %add3A_117, %mul3A_156 : i32
      %dma_wait3A = arith.constant 0 : i32
      %dma_wait3A_158 = tpu.memref_slice %arg7[%select_n3A_154, %sub3A_157, %dma_wait3A] : memref<4x8x125xi32, #tpu.memory_space<vmem>> -> memref<1x1x125xi32, #tpu.memory_space<vmem>>
      %dma_wait3A_159 = tpu.memref_squeeze %dma_wait3A_158 : memref<1x1x125xi32, #tpu.memory_space<vmem>> -> memref<125xi32, #tpu.memory_space<vmem>>
      %dma_wait3A_160 = arith.constant 0 : i32
      %dma_wait3A_161 = arith.constant 0 : i32
      %dma_wait3A_162 = tpu.memref_slice %arg2[%dma_wait3A_160, %dma_wait3A_161] : memref<10000x128xf32, #tpu.memory_space<hbm>> -> memref<10000x128xf32, #tpu.memory_space<hbm>>
      tpu.wait_indirect_dma semaphore(%arg12 : memref<!tpu.dma_semaphore, #tpu.memory_space<semaphore_mem>>) src(%dma_wait3A_162 : memref<10000x128xf32, #tpu.memory_space<hbm>>) dst(%arg9 : memref<125x128xf32, #tpu.memory_space<vmem>>)
      %jit3A_163 = arith.constant 4 : i32
      %eq3A_164 = arith.constant 0 : i32
      %eq3A_165 = arith.cmpi eq, %jit3A_163, %eq3A_164 : i32
      %jit3A_166 = arith.constant 1 : i32
      %select_n3A_167 = arith.select %eq3A_165, %jit3A_166, %jit3A_163 : i32
      %rem3A_168 = arith.remsi %select_n3A_138, %select_n3A_167 : i32
      %ne3A_169 = arith.constant 0 : i32
      %ne3A_170 = arith.cmpi ne, %rem3A_168, %ne3A_169 : i32
      %lt3A_171 = arith.constant 0 : i32
      %lt3A_172 = arith.cmpi slt, %rem3A_168, %lt3A_171 : i32
      %lt3A_173 = arith.constant 0 : i32
      %lt3A_174 = arith.cmpi slt, %select_n3A_167, %lt3A_173 : i32
      %ne3A_175 = arith.xori %lt3A_172, %lt3A_174 : i1
      %and3A_176 = arith.andi %ne3A_175, %ne3A_170 : i1
      %add3A_177 = arith.addi %rem3A_168, %select_n3A_167 : i32
      %select_n3A_178 = arith.select %and3A_176, %add3A_177, %rem3A_168 : i32
      %mul3A_179 = arith.constant 8 : i32
      %mul3A_180 = arith.muli %select_n3A_138, %mul3A_179 : i32
      %sub3A_181 = arith.subi %add3A_117, %mul3A_180 : i32
      "tpu.region"() ({
        %run_scoped3A_266 = tpu.sem_alloc : memref<!tpu.dma_semaphore, #tpu.memory_space<semaphore_mem>>
        %dma_start3A_267 = arith.constant 0 : i32
        %dma_start3A_268 = tpu.memref_slice %arg8[%select_n3A_178, %sub3A_181, %dma_start3A_267] : memref<4x8x125xi32, #tpu.memory_space<vmem>> -> memref<1x1x125xi32, #tpu.memory_space<vmem>>
        %dma_start3A_269 = tpu.memref_squeeze %dma_start3A_268 : memref<1x1x125xi32, #tpu.memory_space<vmem>> -> memref<125xi32, #tpu.memory_space<vmem>>
        %dma_start3A_270 = arith.constant 0 : i32
        %dma_start3A_271 = arith.constant 0 : i32
        %dma_start3A_272 = tpu.memref_slice %arg11[%dma_start3A_270, %dma_start3A_271] : memref<10240x128xf32, #tpu.memory_space<vmem_shared>> -> memref<10240x128xf32, #tpu.memory_space<vmem_shared>>
        tpu.enqueue_indirect_dma source(%arg9 : memref<125x128xf32, #tpu.memory_space<vmem>>) target(%dma_start3A_272 : memref<10240x128xf32, #tpu.memory_space<vmem_shared>>) offsets(%dma_start3A_269 : memref<125xi32, #tpu.memory_space<vmem>>) semaphore(%run_scoped3A_266 : memref<!tpu.dma_semaphore, #tpu.memory_space<semaphore_mem>>) {add = true}
        %dma_wait3A_273 = arith.constant 0 : i32
        %dma_wait3A_274 = tpu.memref_slice %arg8[%select_n3A_178, %sub3A_181, %dma_wait3A_273] : memref<4x8x125xi32, #tpu.memory_space<vmem>> -> memref<1x1x125xi32, #tpu.memory_space<vmem>>
        %dma_wait3A_275 = tpu.memref_squeeze %dma_wait3A_274 : memref<1x1x125xi32, #tpu.memory_space<vmem>> -> memref<125xi32, #tpu.memory_space<vmem>>
        %dma_wait3A_276 = arith.constant 0 : i32
        %dma_wait3A_277 = arith.constant 0 : i32
        %dma_wait3A_278 = tpu.memref_slice %arg11[%dma_wait3A_276, %dma_wait3A_277] : memref<10240x128xf32, #tpu.memory_space<vmem_shared>> -> memref<10240x128xf32, #tpu.memory_space<vmem_shared>>
        tpu.wait_indirect_dma semaphore(%run_scoped3A_266 : memref<!tpu.dma_semaphore, #tpu.memory_space<semaphore_mem>>) src(%arg9 : memref<125x128xf32, #tpu.memory_space<vmem>>) dst(%dma_wait3A_278 : memref<10240x128xf32, #tpu.memory_space<vmem_shared>>)
        tpu.yield
      }) : () -> ()
      %add3A_182 = arith.constant 2 : i32
      %add3A_183 = arith.addi %add3A_117, %add3A_182 : i32
      %lt3A_184 = arith.constant 80 : i32
      %lt3A_185 = arith.cmpi slt, %add3A_183, %lt3A_184 : i32
      %convert_element_type3A_186 = arith.extui %lt3A_185 : i1 to i32
      %cond3A_187 = arith.constant 0 : i32
      %cond3A_188 = arith.cmpi ne, %convert_element_type3A_186, %cond3A_187 : i32
      scf.if %cond3A_188 {
        %add3A_266 = arith.constant 2 : i32
        %add3A_267 = arith.addi %add3A_117, %add3A_266 : i32
        %jit3A_268 = arith.constant 8 : i32
        %div3A_269 = arith.divsi %add3A_267, %jit3A_268 : i32
        %sign3A_270 = arith.constant 0 : i32
        %sign3A_271 = arith.cmpi sgt, %add3A_267, %sign3A_270 : i32
        %sign3A_272 = arith.extui %sign3A_271 : i1 to i32
        %sign3A_273 = arith.constant 0 : i32
        %sign3A_274 = arith.cmpi slt, %add3A_267, %sign3A_273 : i32
        %sign3A_275 = arith.extui %sign3A_274 : i1 to i32
        %sign3A_276 = arith.subi %sign3A_272, %sign3A_275 : i32
        %sign3A_277 = arith.constant 0 : i32
        %sign3A_278 = arith.cmpi sgt, %jit3A_268, %sign3A_277 : i32
        %sign3A_279 = arith.extui %sign3A_278 : i1 to i32
        %sign3A_280 = arith.constant 0 : i32
        %sign3A_281 = arith.cmpi slt, %jit3A_268, %sign3A_280 : i32
        %sign3A_282 = arith.extui %sign3A_281 : i1 to i32
        %sign3A_283 = arith.subi %sign3A_279, %sign3A_282 : i32
        %ne3A_284 = arith.cmpi ne, %sign3A_276, %sign3A_283 : i32
        %rem3A_285 = arith.remsi %add3A_267, %jit3A_268 : i32
        %ne3A_286 = arith.constant 0 : i32
        %ne3A_287 = arith.cmpi ne, %rem3A_285, %ne3A_286 : i32
        %and3A_288 = arith.andi %ne3A_284, %ne3A_287 : i1
        %sub3A_289 = arith.constant 1 : i32
        %sub3A_290 = arith.subi %div3A_269, %sub3A_289 : i32
        %select_n3A_291 = arith.select %and3A_288, %sub3A_290, %div3A_269 : i32
        %jit3A_292 = arith.constant 4 : i32
        %eq3A_293 = arith.constant 0 : i32
        %eq3A_294 = arith.cmpi eq, %jit3A_292, %eq3A_293 : i32
        %jit3A_295 = arith.constant 1 : i32
        %select_n3A_296 = arith.select %eq3A_294, %jit3A_295, %jit3A_292 : i32
        %rem3A_297 = arith.remsi %select_n3A_291, %select_n3A_296 : i32
        %ne3A_298 = arith.constant 0 : i32
        %ne3A_299 = arith.cmpi ne, %rem3A_297, %ne3A_298 : i32
        %lt3A_300 = arith.constant 0 : i32
        %lt3A_301 = arith.cmpi slt, %rem3A_297, %lt3A_300 : i32
        %lt3A_302 = arith.constant 0 : i32
        %lt3A_303 = arith.cmpi slt, %select_n3A_296, %lt3A_302 : i32
        %ne3A_304 = arith.xori %lt3A_301, %lt3A_303 : i1
        %and3A_305 = arith.andi %ne3A_304, %ne3A_299 : i1
        %add3A_306 = arith.addi %rem3A_297, %select_n3A_296 : i32
        %select_n3A_307 = arith.select %and3A_305, %add3A_306, %rem3A_297 : i32
        %mul3A_308 = arith.constant 8 : i32
        %mul3A_309 = arith.muli %select_n3A_291, %mul3A_308 : i32
        %sub3A_310 = arith.subi %add3A_267, %mul3A_309 : i32
        %dma_start3A_311 = arith.constant 0 : i32
        %dma_start3A_312 = tpu.memref_slice %arg7[%select_n3A_307, %sub3A_310, %dma_start3A_311] : memref<4x8x125xi32, #tpu.memory_space<vmem>> -> memref<1x1x125xi32, #tpu.memory_space<vmem>>
        %dma_start3A_313 = tpu.memref_squeeze %dma_start3A_312 : memref<1x1x125xi32, #tpu.memory_space<vmem>> -> memref<125xi32, #tpu.memory_space<vmem>>
        %dma_start3A_314 = arith.constant 0 : i32
        %dma_start3A_315 = arith.constant 0 : i32
        %dma_start3A_316 = tpu.memref_slice %arg2[%dma_start3A_314, %dma_start3A_315] : memref<10000x128xf32, #tpu.memory_space<hbm>> -> memref<10000x128xf32, #tpu.memory_space<hbm>>
        tpu.enqueue_indirect_dma source(%dma_start3A_316 : memref<10000x128xf32, #tpu.memory_space<hbm>>) target(%arg9 : memref<125x128xf32, #tpu.memory_space<vmem>>) offsets(%dma_start3A_313 : memref<125xi32, #tpu.memory_space<vmem>>) semaphore(%arg12 : memref<!tpu.dma_semaphore, #tpu.memory_space<semaphore_mem>>)
      } else {
      }
      %add3A_189 = arith.constant 1 : i32
      %add3A_190 = arith.addi %add3A_100, %add3A_189 : i32
      %jit3A_191 = arith.constant 8 : i32
      %div3A_192 = arith.divsi %add3A_190, %jit3A_191 : i32
      %sign3A_193 = arith.constant 0 : i32
      %sign3A_194 = arith.cmpi sgt, %add3A_190, %sign3A_193 : i32
      %sign3A_195 = arith.extui %sign3A_194 : i1 to i32
      %sign3A_196 = arith.constant 0 : i32
      %sign3A_197 = arith.cmpi slt, %add3A_190, %sign3A_196 : i32
      %sign3A_198 = arith.extui %sign3A_197 : i1 to i32
      %sign3A_199 = arith.subi %sign3A_195, %sign3A_198 : i32
      %sign3A_200 = arith.constant 0 : i32
      %sign3A_201 = arith.cmpi sgt, %jit3A_191, %sign3A_200 : i32
      %sign3A_202 = arith.extui %sign3A_201 : i1 to i32
      %sign3A_203 = arith.constant 0 : i32
      %sign3A_204 = arith.cmpi slt, %jit3A_191, %sign3A_203 : i32
      %sign3A_205 = arith.extui %sign3A_204 : i1 to i32
      %sign3A_206 = arith.subi %sign3A_202, %sign3A_205 : i32
      %ne3A_207 = arith.cmpi ne, %sign3A_199, %sign3A_206 : i32
      %rem3A_208 = arith.remsi %add3A_190, %jit3A_191 : i32
      %ne3A_209 = arith.constant 0 : i32
      %ne3A_210 = arith.cmpi ne, %rem3A_208, %ne3A_209 : i32
      %and3A_211 = arith.andi %ne3A_207, %ne3A_210 : i1
      %sub3A_212 = arith.constant 1 : i32
      %sub3A_213 = arith.subi %div3A_192, %sub3A_212 : i32
      %select_n3A_214 = arith.select %and3A_211, %sub3A_213, %div3A_192 : i32
      %jit3A_215 = arith.constant 4 : i32
      %eq3A_216 = arith.constant 0 : i32
      %eq3A_217 = arith.cmpi eq, %jit3A_215, %eq3A_216 : i32
      %jit3A_218 = arith.constant 1 : i32
      %select_n3A_219 = arith.select %eq3A_217, %jit3A_218, %jit3A_215 : i32
      %rem3A_220 = arith.remsi %select_n3A_214, %select_n3A_219 : i32
      %ne3A_221 = arith.constant 0 : i32
      %ne3A_222 = arith.cmpi ne, %rem3A_220, %ne3A_221 : i32
      %lt3A_223 = arith.constant 0 : i32
      %lt3A_224 = arith.cmpi slt, %rem3A_220, %lt3A_223 : i32
      %lt3A_225 = arith.constant 0 : i32
      %lt3A_226 = arith.cmpi slt, %select_n3A_219, %lt3A_225 : i32
      %ne3A_227 = arith.xori %lt3A_224, %lt3A_226 : i1
      %and3A_228 = arith.andi %ne3A_227, %ne3A_222 : i1
      %add3A_229 = arith.addi %rem3A_220, %select_n3A_219 : i32
      %select_n3A_230 = arith.select %and3A_228, %add3A_229, %rem3A_220 : i32
      %mul3A_231 = arith.constant 8 : i32
      %mul3A_232 = arith.muli %select_n3A_214, %mul3A_231 : i32
      %sub3A_233 = arith.subi %add3A_190, %mul3A_232 : i32
      %dma_wait3A_234 = arith.constant 0 : i32
      %dma_wait3A_235 = tpu.memref_slice %arg7[%select_n3A_230, %sub3A_233, %dma_wait3A_234] : memref<4x8x125xi32, #tpu.memory_space<vmem>> -> memref<1x1x125xi32, #tpu.memory_space<vmem>>
      %dma_wait3A_236 = tpu.memref_squeeze %dma_wait3A_235 : memref<1x1x125xi32, #tpu.memory_space<vmem>> -> memref<125xi32, #tpu.memory_space<vmem>>
      %dma_wait3A_237 = arith.constant 0 : i32
      %dma_wait3A_238 = arith.constant 0 : i32
      %dma_wait3A_239 = tpu.memref_slice %arg2[%dma_wait3A_237, %dma_wait3A_238] : memref<10000x128xf32, #tpu.memory_space<hbm>> -> memref<10000x128xf32, #tpu.memory_space<hbm>>
      tpu.wait_indirect_dma semaphore(%arg13 : memref<!tpu.dma_semaphore, #tpu.memory_space<semaphore_mem>>) src(%dma_wait3A_239 : memref<10000x128xf32, #tpu.memory_space<hbm>>) dst(%arg10 : memref<125x128xf32, #tpu.memory_space<vmem>>)
      %jit3A_240 = arith.constant 4 : i32
      %eq3A_241 = arith.constant 0 : i32
      %eq3A_242 = arith.cmpi eq, %jit3A_240, %eq3A_241 : i32
      %jit3A_243 = arith.constant 1 : i32
      %select_n3A_244 = arith.select %eq3A_242, %jit3A_243, %jit3A_240 : i32
      %rem3A_245 = arith.remsi %select_n3A_214, %select_n3A_244 : i32
      %ne3A_246 = arith.constant 0 : i32
      %ne3A_247 = arith.cmpi ne, %rem3A_245, %ne3A_246 : i32
      %lt3A_248 = arith.constant 0 : i32
      %lt3A_249 = arith.cmpi slt, %rem3A_245, %lt3A_248 : i32
      %lt3A_250 = arith.constant 0 : i32
      %lt3A_251 = arith.cmpi slt, %select_n3A_244, %lt3A_250 : i32
      %ne3A_252 = arith.xori %lt3A_249, %lt3A_251 : i1
      %and3A_253 = arith.andi %ne3A_252, %ne3A_247 : i1
      %add3A_254 = arith.addi %rem3A_245, %select_n3A_244 : i32
      %select_n3A_255 = arith.select %and3A_253, %add3A_254, %rem3A_245 : i32
      %mul3A_256 = arith.constant 8 : i32
      %mul3A_257 = arith.muli %select_n3A_214, %mul3A_256 : i32
      %sub3A_258 = arith.subi %add3A_190, %mul3A_257 : i32
      "tpu.region"() ({
        %run_scoped3A_266 = tpu.sem_alloc : memref<!tpu.dma_semaphore, #tpu.memory_space<semaphore_mem>>
        %dma_start3A_267 = arith.constant 0 : i32
        %dma_start3A_268 = tpu.memref_slice %arg8[%select_n3A_255, %sub3A_258, %dma_start3A_267] : memref<4x8x125xi32, #tpu.memory_space<vmem>> -> memref<1x1x125xi32, #tpu.memory_space<vmem>>
        %dma_start3A_269 = tpu.memref_squeeze %dma_start3A_268 : memref<1x1x125xi32, #tpu.memory_space<vmem>> -> memref<125xi32, #tpu.memory_space<vmem>>
        %dma_start3A_270 = arith.constant 0 : i32
        %dma_start3A_271 = arith.constant 0 : i32
        %dma_start3A_272 = tpu.memref_slice %arg11[%dma_start3A_270, %dma_start3A_271] : memref<10240x128xf32, #tpu.memory_space<vmem_shared>> -> memref<10240x128xf32, #tpu.memory_space<vmem_shared>>
        tpu.enqueue_indirect_dma source(%arg10 : memref<125x128xf32, #tpu.memory_space<vmem>>) target(%dma_start3A_272 : memref<10240x128xf32, #tpu.memory_space<vmem_shared>>) offsets(%dma_start3A_269 : memref<125xi32, #tpu.memory_space<vmem>>) semaphore(%run_scoped3A_266 : memref<!tpu.dma_semaphore, #tpu.memory_space<semaphore_mem>>) {add = true}
        %dma_wait3A_273 = arith.constant 0 : i32
        %dma_wait3A_274 = tpu.memref_slice %arg8[%select_n3A_255, %sub3A_258, %dma_wait3A_273] : memref<4x8x125xi32, #tpu.memory_space<vmem>> -> memref<1x1x125xi32, #tpu.memory_space<vmem>>
        %dma_wait3A_275 = tpu.memref_squeeze %dma_wait3A_274 : memref<1x1x125xi32, #tpu.memory_space<vmem>> -> memref<125xi32, #tpu.memory_space<vmem>>
        %dma_wait3A_276 = arith.constant 0 : i32
        %dma_wait3A_277 = arith.constant 0 : i32
        %dma_wait3A_278 = tpu.memref_slice %arg11[%dma_wait3A_276, %dma_wait3A_277] : memref<10240x128xf32, #tpu.memory_space<vmem_shared>> -> memref<10240x128xf32, #tpu.memory_space<vmem_shared>>
        tpu.wait_indirect_dma semaphore(%run_scoped3A_266 : memref<!tpu.dma_semaphore, #tpu.memory_space<semaphore_mem>>) src(%arg10 : memref<125x128xf32, #tpu.memory_space<vmem>>) dst(%dma_wait3A_278 : memref<10240x128xf32, #tpu.memory_space<vmem_shared>>)
        tpu.yield
      }) : () -> ()
      %add3A_259 = arith.constant 2 : i32
      %add3A_260 = arith.addi %add3A_190, %add3A_259 : i32
      %lt3A_261 = arith.constant 80 : i32
      %lt3A_262 = arith.cmpi slt, %add3A_260, %lt3A_261 : i32
      %convert_element_type3A_263 = arith.extui %lt3A_262 : i1 to i32
      %cond3A_264 = arith.constant 0 : i32
      %cond3A_265 = arith.cmpi ne, %convert_element_type3A_263, %cond3A_264 : i32
      scf.if %cond3A_265 {
        %add3A_266 = arith.constant 2 : i32
        %add3A_267 = arith.addi %add3A_190, %add3A_266 : i32
        %jit3A_268 = arith.constant 8 : i32
        %div3A_269 = arith.divsi %add3A_267, %jit3A_268 : i32
        %sign3A_270 = arith.constant 0 : i32
        %sign3A_271 = arith.cmpi sgt, %add3A_267, %sign3A_270 : i32
        %sign3A_272 = arith.extui %sign3A_271 : i1 to i32
        %sign3A_273 = arith.constant 0 : i32
        %sign3A_274 = arith.cmpi slt, %add3A_267, %sign3A_273 : i32
        %sign3A_275 = arith.extui %sign3A_274 : i1 to i32
        %sign3A_276 = arith.subi %sign3A_272, %sign3A_275 : i32
        %sign3A_277 = arith.constant 0 : i32
        %sign3A_278 = arith.cmpi sgt, %jit3A_268, %sign3A_277 : i32
        %sign3A_279 = arith.extui %sign3A_278 : i1 to i32
        %sign3A_280 = arith.constant 0 : i32
        %sign3A_281 = arith.cmpi slt, %jit3A_268, %sign3A_280 : i32
        %sign3A_282 = arith.extui %sign3A_281 : i1 to i32
        %sign3A_283 = arith.subi %sign3A_279, %sign3A_282 : i32
        %ne3A_284 = arith.cmpi ne, %sign3A_276, %sign3A_283 : i32
        %rem3A_285 = arith.remsi %add3A_267, %jit3A_268 : i32
        %ne3A_286 = arith.constant 0 : i32
        %ne3A_287 = arith.cmpi ne, %rem3A_285, %ne3A_286 : i32
        %and3A_288 = arith.andi %ne3A_284, %ne3A_287 : i1
        %sub3A_289 = arith.constant 1 : i32
        %sub3A_290 = arith.subi %div3A_269, %sub3A_289 : i32
        %select_n3A_291 = arith.select %and3A_288, %sub3A_290, %div3A_269 : i32
        %jit3A_292 = arith.constant 4 : i32
        %eq3A_293 = arith.constant 0 : i32
        %eq3A_294 = arith.cmpi eq, %jit3A_292, %eq3A_293 : i32
        %jit3A_295 = arith.constant 1 : i32
        %select_n3A_296 = arith.select %eq3A_294, %jit3A_295, %jit3A_292 : i32
        %rem3A_297 = arith.remsi %select_n3A_291, %select_n3A_296 : i32
        %ne3A_298 = arith.constant 0 : i32
        %ne3A_299 = arith.cmpi ne, %rem3A_297, %ne3A_298 : i32
        %lt3A_300 = arith.constant 0 : i32
        %lt3A_301 = arith.cmpi slt, %rem3A_297, %lt3A_300 : i32
        %lt3A_302 = arith.constant 0 : i32
        %lt3A_303 = arith.cmpi slt, %select_n3A_296, %lt3A_302 : i32
        %ne3A_304 = arith.xori %lt3A_301, %lt3A_303 : i1
        %and3A_305 = arith.andi %ne3A_304, %ne3A_299 : i1
        %add3A_306 = arith.addi %rem3A_297, %select_n3A_296 : i32
        %select_n3A_307 = arith.select %and3A_305, %add3A_306, %rem3A_297 : i32
        %mul3A_308 = arith.constant 8 : i32
        %mul3A_309 = arith.muli %select_n3A_291, %mul3A_308 : i32
        %sub3A_310 = arith.subi %add3A_267, %mul3A_309 : i32
        %dma_start3A_311 = arith.constant 0 : i32
        %dma_start3A_312 = tpu.memref_slice %arg7[%select_n3A_307, %sub3A_310, %dma_start3A_311] : memref<4x8x125xi32, #tpu.memory_space<vmem>> -> memref<1x1x125xi32, #tpu.memory_space<vmem>>
        %dma_start3A_313 = tpu.memref_squeeze %dma_start3A_312 : memref<1x1x125xi32, #tpu.memory_space<vmem>> -> memref<125xi32, #tpu.memory_space<vmem>>
        %dma_start3A_314 = arith.constant 0 : i32
        %dma_start3A_315 = arith.constant 0 : i32
        %dma_start3A_316 = tpu.memref_slice %arg2[%dma_start3A_314, %dma_start3A_315] : memref<10000x128xf32, #tpu.memory_space<hbm>> -> memref<10000x128xf32, #tpu.memory_space<hbm>>
        tpu.enqueue_indirect_dma source(%dma_start3A_316 : memref<10000x128xf32, #tpu.memory_space<hbm>>) target(%arg10 : memref<125x128xf32, #tpu.memory_space<vmem>>) offsets(%dma_start3A_313 : memref<125xi32, #tpu.memory_space<vmem>>) semaphore(%arg13 : memref<!tpu.dma_semaphore, #tpu.memory_space<semaphore_mem>>)
      } else {
      }
    }
    %scan3A_90 = arith.constant 40 : i32
    %barrier3A_91 = arith.constant 0 : index
    tpu.barrier barrier_id(%barrier3A_91)
    %mul3A_92 = arith.constant 640 : i32
    %mul3A_93 = arith.muli %arg1, %mul3A_92 : i32
    %mul3A_94 = arith.constant 640 : i32
    %mul3A_95 = arith.muli %arg1, %mul3A_94 : i32
    "tpu.region"() ({
      %run_scoped3A_96 = tpu.sem_alloc : memref<!tpu.dma_semaphore, #tpu.memory_space<semaphore_mem>>
      %dma_start3A_97 = arith.constant 0 : i32
      %dma_start3A_98 = tpu.memref_slice %arg6[%arg0, %mul3A_95, %dma_start3A_97] : memref<2x10240x128xf32, #tpu.memory_space<hbm>> -> memref<1x640x128xf32, #tpu.memory_space<hbm>>
      %dma_start3A_99 = tpu.memref_squeeze %dma_start3A_98 : memref<1x640x128xf32, #tpu.memory_space<hbm>> -> memref<640x128xf32, #tpu.memory_space<hbm>>
      %dma_start3A_100 = arith.constant 0 : i32
      %dma_start3A_101 = tpu.memref_slice %arg11[%mul3A_93, %dma_start3A_100] : memref<10240x128xf32, #tpu.memory_space<vmem_shared>> -> memref<640x128xf32, #tpu.memory_space<vmem_shared>>
      tpu.enqueue_dma source(%dma_start3A_101 : memref<640x128xf32, #tpu.memory_space<vmem_shared>>) target(%dma_start3A_99 : memref<640x128xf32, #tpu.memory_space<hbm>>) target_semaphore(%run_scoped3A_96 : memref<!tpu.dma_semaphore, #tpu.memory_space<semaphore_mem>>)
      %dma_wait3A = arith.constant 0 : i32
      %dma_wait3A_102 = tpu.memref_slice %arg6[%arg0, %mul3A_95, %dma_wait3A] : memref<2x10240x128xf32, #tpu.memory_space<hbm>> -> memref<1x640x128xf32, #tpu.memory_space<hbm>>
      %dma_wait3A_103 = tpu.memref_squeeze %dma_wait3A_102 : memref<1x640x128xf32, #tpu.memory_space<hbm>> -> memref<640x128xf32, #tpu.memory_space<hbm>>
      %dma_wait3A_104 = arith.constant 0 : i32
      %dma_wait3A_105 = tpu.memref_slice %arg11[%mul3A_93, %dma_wait3A_104] : memref<10240x128xf32, #tpu.memory_space<vmem_shared>> -> memref<640x128xf32, #tpu.memory_space<vmem_shared>>
      tpu.wait_dma2 semaphore(%run_scoped3A_96 : memref<!tpu.dma_semaphore, #tpu.memory_space<semaphore_mem>>) src(%dma_wait3A_105 : memref<640x128xf32, #tpu.memory_space<vmem_shared>>) dst(%dma_wait3A_103 : memref<640x128xf32, #tpu.memory_space<hbm>>)
      tpu.yield
    }) : () -> ()
    return
  }
}

module attributes {stable_mosaic.version = 14 : i64} {
  func.func @_dense0_body(%arg0: i32, %arg1: memref<2000x128xf32, #tpu.memory_space<vmem>>, %arg2: memref<128x128xf32, #tpu.memory_space<vmem>>, %arg3: memref<128x128xf32, #tpu.memory_space<vmem>>, %arg4: memref<1x128xf32, #tpu.memory_space<vmem>>, %arg5: memref<2000x1xf32, #tpu.memory_space<vmem>>, %arg6: memref<2000x1xf32, #tpu.memory_space<vmem>>, %arg7: memref<2000x128xf32, #tpu.memory_space<vmem>>, %arg8: memref<2000x128xf32, #tpu.memory_space<vmem>>, %arg9: memref<2000x1xf32, #tpu.memory_space<vmem>>) attributes {dimension_semantics = [#tpu.dimension_semantics<arbitrary>], iteration_bounds = array<i64: 5>, scalar_prefetch = 0 : i64, scratch_operands = 0 : i64, tpu.core_type = #tpu.core_type<tc>, window_params = [{transform_indices = @transform_0, window_bounds = array<i64: 2000, 128>}, {pipeline_mode = #tpu.pipeline_mode<synchronous>, transform_indices = @transform_1, window_bounds = array<i64: 128, 128>}, {pipeline_mode = #tpu.pipeline_mode<synchronous>, transform_indices = @transform_2, window_bounds = array<i64: 128, 128>}, {pipeline_mode = #tpu.pipeline_mode<synchronous>, transform_indices = @transform_3, window_bounds = array<i64: 1, 128>}, {transform_indices = @transform_4, window_bounds = array<i64: 2000, 1>}, {transform_indices = @transform_5, window_bounds = array<i64: 2000, 1>}, {transform_indices = @transform_6, window_bounds = array<i64: 2000, 128>}, {transform_indices = @transform_7, window_bounds = array<i64: 2000, 128>}, {transform_indices = @transform_8, window_bounds = array<i64: 2000, 1>}]} {
    %get3A = arith.constant 0 : index
    %get3A_0 = arith.constant 0 : index
    %get3A_1 = vector.load %arg5[%get3A, %get3A_0] : memref<2000x1xf32, #tpu.memory_space<vmem>>, vector<2000x1xf32>
    %get3A_2 = arith.constant 0 : index
    %get3A_3 = arith.constant 0 : index
    %get3A_4 = vector.load %arg6[%get3A_2, %get3A_3] : memref<2000x1xf32, #tpu.memory_space<vmem>>, vector<2000x1xf32>
    %add3A = arith.addf %get3A_1, %get3A_4 : vector<2000x1xf32>
    %add3A_5 = arith.constant 1.000000e+00 : f32
    %add3A_6 = vector.broadcast %add3A_5 : f32 to vector<2000x1xf32>
    %add3A_7 = arith.addf %add3A, %add3A_6 : vector<2000x1xf32>
    %rsqrt3A = math.rsqrt %add3A_7 : vector<2000x1xf32>
    %get3A_8 = arith.constant 0 : index
    %get3A_9 = arith.constant 0 : index
    %get3A_10 = vector.load %arg1[%get3A_8, %get3A_9] : memref<2000x128xf32, #tpu.memory_space<vmem>>, vector<2000x128xf32>
    %get3A_11 = arith.constant 0 : index
    %get3A_12 = arith.constant 0 : index
    %get3A_13 = vector.load %arg2[%get3A_11, %get3A_12] : memref<128x128xf32, #tpu.memory_space<vmem>>, vector<128x128xf32>
    %dot_general3A = arith.constant dense<0.000000e+00> : vector<2000x128xf32>
    %dot_general3A_14 = tpu.matmul %get3A_10, %get3A_13, %dot_general3A {dimension_numbers = #tpu.dot_dimension_numbers<[1], [0], [0], [1], [0, 0, 1, 1], [], []>, transpose_lhs_hint = false} : vector<2000x128xf32>, vector<128x128xf32>, vector<2000x128xf32> -> vector<2000x128xf32>
    %mul3A = vector.broadcast %rsqrt3A : vector<2000x1xf32> to vector<2000x128xf32>
    %mul3A_15 = arith.mulf %dot_general3A_14, %mul3A : vector<2000x128xf32>
    %swap3A = arith.constant 0 : index
    %swap3A_16 = arith.constant 0 : index
    %swap3A_17 = vector.load %arg7[%swap3A, %swap3A_16] : memref<2000x128xf32, #tpu.memory_space<vmem>>, vector<2000x128xf32>
    tpu.vector_store %arg7[%swap3A, %swap3A_16], %mul3A_15 {strides = array<i32>} : memref<2000x128xf32, #tpu.memory_space<vmem>>, vector<2000x128xf32>,
    %get3A_18 = arith.constant 0 : index
    %get3A_19 = arith.constant 0 : index
    %get3A_20 = vector.load %arg3[%get3A_18, %get3A_19] : memref<128x128xf32, #tpu.memory_space<vmem>>, vector<128x128xf32>
    %dot_general3A_21 = arith.constant dense<0.000000e+00> : vector<2000x128xf32>
    %dot_general3A_22 = tpu.matmul %get3A_10, %get3A_20, %dot_general3A_21 {dimension_numbers = #tpu.dot_dimension_numbers<[1], [0], [0], [1], [0, 0, 1, 1], [], []>, transpose_lhs_hint = false} : vector<2000x128xf32>, vector<128x128xf32>, vector<2000x128xf32> -> vector<2000x128xf32>
    %get3A_23 = arith.constant 0 : index
    %get3A_24 = arith.constant 0 : index
    %get3A_25 = vector.load %arg4[%get3A_23, %get3A_24] : memref<1x128xf32, #tpu.memory_space<vmem>>, vector<1x128xf32>
    %add3A_26 = vector.broadcast %get3A_25 : vector<1x128xf32> to vector<2000x128xf32>
    %add3A_27 = arith.addf %dot_general3A_22, %add3A_26 : vector<2000x128xf32>
    %swap3A_28 = arith.constant 0 : index
    %swap3A_29 = arith.constant 0 : index
    %swap3A_30 = vector.load %arg8[%swap3A_28, %swap3A_29] : memref<2000x128xf32, #tpu.memory_space<vmem>>, vector<2000x128xf32>
    tpu.vector_store %arg8[%swap3A_28, %swap3A_29], %add3A_27 {strides = array<i32>} : memref<2000x128xf32, #tpu.memory_space<vmem>>, vector<2000x128xf32>,
    %swap3A_31 = arith.constant 0 : index
    %swap3A_32 = arith.constant 0 : index
    %swap3A_33 = vector.load %arg9[%swap3A_31, %swap3A_32] : memref<2000x1xf32, #tpu.memory_space<vmem>>, vector<2000x1xf32>
    tpu.vector_store %arg9[%swap3A_31, %swap3A_32], %rsqrt3A {strides = array<i32>} : memref<2000x1xf32, #tpu.memory_space<vmem>>, vector<2000x1xf32>,
    return
  }
  func.func @transform_0(%arg0: i32) -> (i32, i32) {
    %c0_i32 = arith.constant 0 : i32
    %c0_i32_0 = arith.constant 0 : i32
    return %arg0, %c0_i32 : i32, i32
  }
  func.func @transform_1(%arg0: i32) -> (i32, i32) {
    %c0_i32 = arith.constant 0 : i32
    %c0_i32_0 = arith.constant 0 : i32
    %c0_i32_1 = arith.constant 0 : i32
    return %c0_i32, %c0_i32_0 : i32, i32
  }
  func.func @transform_2(%arg0: i32) -> (i32, i32) {
    %c0_i32 = arith.constant 0 : i32
    %c0_i32_0 = arith.constant 0 : i32
    %c0_i32_1 = arith.constant 0 : i32
    return %c0_i32, %c0_i32_0 : i32, i32
  }
  func.func @transform_3(%arg0: i32) -> (i32, i32) {
    %c0_i32 = arith.constant 0 : i32
    %c0_i32_0 = arith.constant 0 : i32
    %c0_i32_1 = arith.constant 0 : i32
    return %c0_i32, %c0_i32_0 : i32, i32
  }
  func.func @transform_4(%arg0: i32) -> (i32, i32) {
    %c0_i32 = arith.constant 0 : i32
    %c0_i32_0 = arith.constant 0 : i32
    return %arg0, %c0_i32 : i32, i32
  }
  func.func @transform_5(%arg0: i32) -> (i32, i32) {
    %c0_i32 = arith.constant 0 : i32
    %c0_i32_0 = arith.constant 0 : i32
    return %arg0, %c0_i32 : i32, i32
  }
  func.func @transform_6(%arg0: i32) -> (i32, i32) {
    %c0_i32 = arith.constant 0 : i32
    %c0_i32_0 = arith.constant 0 : i32
    return %arg0, %c0_i32 : i32, i32
  }
  func.func @transform_7(%arg0: i32) -> (i32, i32) {
    %c0_i32 = arith.constant 0 : i32
    %c0_i32_0 = arith.constant 0 : i32
    return %arg0, %c0_i32 : i32, i32
  }
  func.func @transform_8(%arg0: i32) -> (i32, i32) {
    %c0_i32 = arith.constant 0 : i32
    %c0_i32_0 = arith.constant 0 : i32
    return %arg0, %c0_i32 : i32, i32
  }
}

module attributes {stable_mosaic.version = 14 : i64} {
  func.func @_dense1_body(%arg0: i32, %arg1: memref<1x2000x128xf32, #tpu.memory_space<vmem>>, %arg2: memref<1x2000x128xf32, #tpu.memory_space<vmem>>, %arg3: memref<2000x128xf32, #tpu.memory_space<vmem>>, %arg4: memref<2000x128xf32, #tpu.memory_space<vmem>>, %arg5: memref<2000x1xf32, #tpu.memory_space<vmem>>, %arg6: memref<1x128xf32, #tpu.memory_space<vmem>>, %arg7: memref<128x128xf32, #tpu.memory_space<vmem>>, %arg8: memref<128x128xf32, #tpu.memory_space<vmem>>, %arg9: memref<1x128xf32, #tpu.memory_space<vmem>>, %arg10: memref<2000x128xf32, #tpu.memory_space<vmem>>, %arg11: memref<2000x128xf32, #tpu.memory_space<vmem>>) attributes {dimension_semantics = [#tpu.dimension_semantics<arbitrary>], iteration_bounds = array<i64: 5>, scalar_prefetch = 0 : i64, scratch_operands = 0 : i64, tpu.core_type = #tpu.core_type<tc>, window_params = [{transform_indices = @transform_0, window_bounds = array<i64: 1, 2000, 128>}, {transform_indices = @transform_1, window_bounds = array<i64: 1, 2000, 128>}, {transform_indices = @transform_2, window_bounds = array<i64: 2000, 128>}, {transform_indices = @transform_3, window_bounds = array<i64: 2000, 128>}, {transform_indices = @transform_4, window_bounds = array<i64: 2000, 1>}, {pipeline_mode = #tpu.pipeline_mode<synchronous>, transform_indices = @transform_5, window_bounds = array<i64: 1, 128>}, {pipeline_mode = #tpu.pipeline_mode<synchronous>, transform_indices = @transform_6, window_bounds = array<i64: 128, 128>}, {pipeline_mode = #tpu.pipeline_mode<synchronous>, transform_indices = @transform_7, window_bounds = array<i64: 128, 128>}, {pipeline_mode = #tpu.pipeline_mode<synchronous>, transform_indices = @transform_8, window_bounds = array<i64: 1, 128>}, {transform_indices = @transform_9, window_bounds = array<i64: 2000, 128>}, {transform_indices = @transform_10, window_bounds = array<i64: 2000, 128>}]} {
    %get3A = arith.constant 0 : index
    %get3A_0 = arith.constant 0 : index
    %get3A_1 = vector.load %arg5[%get3A, %get3A_0] : memref<2000x1xf32, #tpu.memory_space<vmem>>, vector<2000x1xf32>
    %get3A_2 = arith.constant 0 : index
    %get3A_3 = arith.constant 0 : index
    %get3A_4 = arith.constant 0 : index
    %get3A_5 = vector.load %arg1[%get3A_2, %get3A_3, %get3A_4] : memref<1x2000x128xf32, #tpu.memory_space<vmem>>, vector<1x2000x128xf32>
    %get3A_6 = vector.shape_cast %get3A_5 : vector<1x2000x128xf32> to vector<2000x128xf32>
    %get3A_7 = arith.constant 0 : index
    %get3A_8 = arith.constant 0 : index
    %get3A_9 = arith.constant 0 : index
    %get3A_10 = vector.load %arg2[%get3A_7, %get3A_8, %get3A_9] : memref<1x2000x128xf32, #tpu.memory_space<vmem>>, vector<1x2000x128xf32>
    %get3A_11 = vector.shape_cast %get3A_10 : vector<1x2000x128xf32> to vector<2000x128xf32>
    %add3A = arith.addf %get3A_6, %get3A_11 : vector<2000x128xf32>
    %get3A_12 = arith.constant 0 : index
    %get3A_13 = arith.constant 0 : index
    %get3A_14 = vector.load %arg3[%get3A_12, %get3A_13] : memref<2000x128xf32, #tpu.memory_space<vmem>>, vector<2000x128xf32>
    %add3A_15 = arith.addf %add3A, %get3A_14 : vector<2000x128xf32>
    %mul3A = vector.broadcast %get3A_1 : vector<2000x1xf32> to vector<2000x128xf32>
    %mul3A_16 = arith.mulf %mul3A, %add3A_15 : vector<2000x128xf32>
    %get3A_17 = arith.constant 0 : index
    %get3A_18 = arith.constant 0 : index
    %get3A_19 = vector.load %arg6[%get3A_17, %get3A_18] : memref<1x128xf32, #tpu.memory_space<vmem>>, vector<1x128xf32>
    %add3A_20 = vector.broadcast %get3A_19 : vector<1x128xf32> to vector<2000x128xf32>
    %add3A_21 = arith.addf %mul3A_16, %add3A_20 : vector<2000x128xf32>
    %get3A_22 = arith.constant 0 : index
    %get3A_23 = arith.constant 0 : index
    %get3A_24 = vector.load %arg4[%get3A_22, %get3A_23] : memref<2000x128xf32, #tpu.memory_space<vmem>>, vector<2000x128xf32>
    %add3A_25 = arith.addf %add3A_21, %get3A_24 : vector<2000x128xf32>
    %max3A = arith.constant 0.000000e+00 : f32
    %max3A_26 = vector.broadcast %max3A : f32 to vector<2000x128xf32>
    %max3A_27 = arith.maximumf %add3A_25, %max3A_26 : vector<2000x128xf32>
    %get3A_28 = arith.constant 0 : index
    %get3A_29 = arith.constant 0 : index
    %get3A_30 = vector.load %arg7[%get3A_28, %get3A_29] : memref<128x128xf32, #tpu.memory_space<vmem>>, vector<128x128xf32>
    %dot_general3A = arith.constant dense<0.000000e+00> : vector<2000x128xf32>
    %dot_general3A_31 = tpu.matmul %max3A_27, %get3A_30, %dot_general3A {dimension_numbers = #tpu.dot_dimension_numbers<[1], [0], [0], [1], [0, 0, 1, 1], [], []>, transpose_lhs_hint = false} : vector<2000x128xf32>, vector<128x128xf32>, vector<2000x128xf32> -> vector<2000x128xf32>
    %mul3A_32 = vector.broadcast %get3A_1 : vector<2000x1xf32> to vector<2000x128xf32>
    %mul3A_33 = arith.mulf %dot_general3A_31, %mul3A_32 : vector<2000x128xf32>
    %swap3A = arith.constant 0 : index
    %swap3A_34 = arith.constant 0 : index
    %swap3A_35 = vector.load %arg10[%swap3A, %swap3A_34] : memref<2000x128xf32, #tpu.memory_space<vmem>>, vector<2000x128xf32>
    tpu.vector_store %arg10[%swap3A, %swap3A_34], %mul3A_33 {strides = array<i32>} : memref<2000x128xf32, #tpu.memory_space<vmem>>, vector<2000x128xf32>,
    %get3A_36 = arith.constant 0 : index
    %get3A_37 = arith.constant 0 : index
    %get3A_38 = vector.load %arg8[%get3A_36, %get3A_37] : memref<128x128xf32, #tpu.memory_space<vmem>>, vector<128x128xf32>
    %dot_general3A_39 = arith.constant dense<0.000000e+00> : vector<2000x128xf32>
    %dot_general3A_40 = tpu.matmul %max3A_27, %get3A_38, %dot_general3A_39 {dimension_numbers = #tpu.dot_dimension_numbers<[1], [0], [0], [1], [0, 0, 1, 1], [], []>, transpose_lhs_hint = false} : vector<2000x128xf32>, vector<128x128xf32>, vector<2000x128xf32> -> vector<2000x128xf32>
    %get3A_41 = arith.constant 0 : index
    %get3A_42 = arith.constant 0 : index
    %get3A_43 = vector.load %arg9[%get3A_41, %get3A_42] : memref<1x128xf32, #tpu.memory_space<vmem>>, vector<1x128xf32>
    %add3A_44 = vector.broadcast %get3A_43 : vector<1x128xf32> to vector<2000x128xf32>
    %add3A_45 = arith.addf %dot_general3A_40, %add3A_44 : vector<2000x128xf32>
    %swap3A_46 = arith.constant 0 : index
    %swap3A_47 = arith.constant 0 : index
    %swap3A_48 = vector.load %arg11[%swap3A_46, %swap3A_47] : memref<2000x128xf32, #tpu.memory_space<vmem>>, vector<2000x128xf32>
    tpu.vector_store %arg11[%swap3A_46, %swap3A_47], %add3A_45 {strides = array<i32>} : memref<2000x128xf32, #tpu.memory_space<vmem>>, vector<2000x128xf32>,
    return
  }
  func.func @transform_0(%arg0: i32) -> (i32, i32, i32) {
    %c0_i32 = arith.constant 0 : i32
    %c0_i32_0 = arith.constant 0 : i32
    %c0_i32_1 = arith.constant 0 : i32
    return %c0_i32, %arg0, %c0_i32_0 : i32, i32, i32
  }
  func.func @transform_1(%arg0: i32) -> (i32, i32, i32) {
    %c1_i32 = arith.constant 1 : i32
    %c0_i32 = arith.constant 0 : i32
    %c0_i32_0 = arith.constant 0 : i32
    return %c1_i32, %arg0, %c0_i32 : i32, i32, i32
  }
  func.func @transform_2(%arg0: i32) -> (i32, i32) {
    %c0_i32 = arith.constant 0 : i32
    %c0_i32_0 = arith.constant 0 : i32
    return %arg0, %c0_i32 : i32, i32
  }
  func.func @transform_3(%arg0: i32) -> (i32, i32) {
    %c0_i32 = arith.constant 0 : i32
    %c0_i32_0 = arith.constant 0 : i32
    return %arg0, %c0_i32 : i32, i32
  }
  func.func @transform_4(%arg0: i32) -> (i32, i32) {
    %c0_i32 = arith.constant 0 : i32
    %c0_i32_0 = arith.constant 0 : i32
    return %arg0, %c0_i32 : i32, i32
  }
  func.func @transform_5(%arg0: i32) -> (i32, i32) {
    %c0_i32 = arith.constant 0 : i32
    %c0_i32_0 = arith.constant 0 : i32
    %c0_i32_1 = arith.constant 0 : i32
    return %c0_i32, %c0_i32_0 : i32, i32
  }
  func.func @transform_6(%arg0: i32) -> (i32, i32) {
    %c0_i32 = arith.constant 0 : i32
    %c0_i32_0 = arith.constant 0 : i32
    %c0_i32_1 = arith.constant 0 : i32
    return %c0_i32, %c0_i32_0 : i32, i32
  }
  func.func @transform_7(%arg0: i32) -> (i32, i32) {
    %c0_i32 = arith.constant 0 : i32
    %c0_i32_0 = arith.constant 0 : i32
    %c0_i32_1 = arith.constant 0 : i32
    return %c0_i32, %c0_i32_0 : i32, i32
  }
  func.func @transform_8(%arg0: i32) -> (i32, i32) {
    %c0_i32 = arith.constant 0 : i32
    %c0_i32_0 = arith.constant 0 : i32
    %c0_i32_1 = arith.constant 0 : i32
    return %c0_i32, %c0_i32_0 : i32, i32
  }
  func.func @transform_9(%arg0: i32) -> (i32, i32) {
    %c0_i32 = arith.constant 0 : i32
    %c0_i32_0 = arith.constant 0 : i32
    return %arg0, %c0_i32 : i32, i32
  }
  func.func @transform_10(%arg0: i32) -> (i32, i32) {
    %c0_i32 = arith.constant 0 : i32
    %c0_i32_0 = arith.constant 0 : i32
    return %arg0, %c0_i32 : i32, i32
  }
}

module attributes {stable_mosaic.version = 14 : i64} {
  func.func @_dense2_body(%arg0: i32, %arg1: memref<1x2000x128xf32, #tpu.memory_space<vmem>>, %arg2: memref<1x2000x128xf32, #tpu.memory_space<vmem>>, %arg3: memref<2000x128xf32, #tpu.memory_space<vmem>>, %arg4: memref<2000x128xf32, #tpu.memory_space<vmem>>, %arg5: memref<2000x1xf32, #tpu.memory_space<vmem>>, %arg6: memref<1x128xf32, #tpu.memory_space<vmem>>, %arg7: memref<2000x128xf32, #tpu.memory_space<vmem>>) attributes {dimension_semantics = [#tpu.dimension_semantics<arbitrary>], iteration_bounds = array<i64: 5>, scalar_prefetch = 0 : i64, scratch_operands = 0 : i64, tpu.core_type = #tpu.core_type<tc>, window_params = [{transform_indices = @transform_0, window_bounds = array<i64: 1, 2000, 128>}, {transform_indices = @transform_1, window_bounds = array<i64: 1, 2000, 128>}, {transform_indices = @transform_2, window_bounds = array<i64: 2000, 128>}, {transform_indices = @transform_3, window_bounds = array<i64: 2000, 128>}, {transform_indices = @transform_4, window_bounds = array<i64: 2000, 1>}, {pipeline_mode = #tpu.pipeline_mode<synchronous>, transform_indices = @transform_5, window_bounds = array<i64: 1, 128>}, {transform_indices = @transform_6, window_bounds = array<i64: 2000, 128>}]} {
    %get3A = arith.constant 0 : index
    %get3A_0 = arith.constant 0 : index
    %get3A_1 = vector.load %arg5[%get3A, %get3A_0] : memref<2000x1xf32, #tpu.memory_space<vmem>>, vector<2000x1xf32>
    %get3A_2 = arith.constant 0 : index
    %get3A_3 = arith.constant 0 : index
    %get3A_4 = arith.constant 0 : index
    %get3A_5 = vector.load %arg1[%get3A_2, %get3A_3, %get3A_4] : memref<1x2000x128xf32, #tpu.memory_space<vmem>>, vector<1x2000x128xf32>
    %get3A_6 = vector.shape_cast %get3A_5 : vector<1x2000x128xf32> to vector<2000x128xf32>
    %get3A_7 = arith.constant 0 : index
    %get3A_8 = arith.constant 0 : index
    %get3A_9 = arith.constant 0 : index
    %get3A_10 = vector.load %arg2[%get3A_7, %get3A_8, %get3A_9] : memref<1x2000x128xf32, #tpu.memory_space<vmem>>, vector<1x2000x128xf32>
    %get3A_11 = vector.shape_cast %get3A_10 : vector<1x2000x128xf32> to vector<2000x128xf32>
    %add3A = arith.addf %get3A_6, %get3A_11 : vector<2000x128xf32>
    %get3A_12 = arith.constant 0 : index
    %get3A_13 = arith.constant 0 : index
    %get3A_14 = vector.load %arg3[%get3A_12, %get3A_13] : memref<2000x128xf32, #tpu.memory_space<vmem>>, vector<2000x128xf32>
    %add3A_15 = arith.addf %add3A, %get3A_14 : vector<2000x128xf32>
    %mul3A = vector.broadcast %get3A_1 : vector<2000x1xf32> to vector<2000x128xf32>
    %mul3A_16 = arith.mulf %mul3A, %add3A_15 : vector<2000x128xf32>
    %get3A_17 = arith.constant 0 : index
    %get3A_18 = arith.constant 0 : index
    %get3A_19 = vector.load %arg6[%get3A_17, %get3A_18] : memref<1x128xf32, #tpu.memory_space<vmem>>, vector<1x128xf32>
    %add3A_20 = vector.broadcast %get3A_19 : vector<1x128xf32> to vector<2000x128xf32>
    %add3A_21 = arith.addf %mul3A_16, %add3A_20 : vector<2000x128xf32>
    %get3A_22 = arith.constant 0 : index
    %get3A_23 = arith.constant 0 : index
    %get3A_24 = vector.load %arg4[%get3A_22, %get3A_23] : memref<2000x128xf32, #tpu.memory_space<vmem>>, vector<2000x128xf32>
    %add3A_25 = arith.addf %add3A_21, %get3A_24 : vector<2000x128xf32>
    %max3A = arith.constant 0.000000e+00 : f32
    %max3A_26 = vector.broadcast %max3A : f32 to vector<2000x128xf32>
    %max3A_27 = arith.maximumf %add3A_25, %max3A_26 : vector<2000x128xf32>
    %swap3A = arith.constant 0 : index
    %swap3A_28 = arith.constant 0 : index
    %swap3A_29 = vector.load %arg7[%swap3A, %swap3A_28] : memref<2000x128xf32, #tpu.memory_space<vmem>>, vector<2000x128xf32>
    tpu.vector_store %arg7[%swap3A, %swap3A_28], %max3A_27 {strides = array<i32>} : memref<2000x128xf32, #tpu.memory_space<vmem>>, vector<2000x128xf32>,
    return
  }
  func.func @transform_0(%arg0: i32) -> (i32, i32, i32) {
    %c0_i32 = arith.constant 0 : i32
    %c0_i32_0 = arith.constant 0 : i32
    %c0_i32_1 = arith.constant 0 : i32
    return %c0_i32, %arg0, %c0_i32_0 : i32, i32, i32
  }
  func.func @transform_1(%arg0: i32) -> (i32, i32, i32) {
    %c1_i32 = arith.constant 1 : i32
    %c0_i32 = arith.constant 0 : i32
    %c0_i32_0 = arith.constant 0 : i32
    return %c1_i32, %arg0, %c0_i32 : i32, i32, i32
  }
  func.func @transform_2(%arg0: i32) -> (i32, i32) {
    %c0_i32 = arith.constant 0 : i32
    %c0_i32_0 = arith.constant 0 : i32
    return %arg0, %c0_i32 : i32, i32
  }
  func.func @transform_3(%arg0: i32) -> (i32, i32) {
    %c0_i32 = arith.constant 0 : i32
    %c0_i32_0 = arith.constant 0 : i32
    return %arg0, %c0_i32 : i32, i32
  }
  func.func @transform_4(%arg0: i32) -> (i32, i32) {
    %c0_i32 = arith.constant 0 : i32
    %c0_i32_0 = arith.constant 0 : i32
    return %arg0, %c0_i32 : i32, i32
  }
  func.func @transform_5(%arg0: i32) -> (i32, i32) {
    %c0_i32 = arith.constant 0 : i32
    %c0_i32_0 = arith.constant 0 : i32
    %c0_i32_1 = arith.constant 0 : i32
    return %c0_i32, %c0_i32_0 : i32, i32
  }
  func.func @transform_6(%arg0: i32) -> (i32, i32) {
    %c0_i32 = arith.constant 0 : i32
    %c0_i32_0 = arith.constant 0 : i32
    return %arg0, %c0_i32 : i32, i32
  }
}

</mosaic_0001>

<sc_bundles>
// kernel: kernel.11.cloned.1.call-start
scs
__scs_entry_jumppad:
0x0: {  	(pc) =	sbr.rel $0x88, $3  }
0x1: {  	(tag) =	ssettag $0x0;
	lr =	simm.s32 $0x1  }
0x2: {  	[smem:$0x3F99] =	sst lr;
	_ =	strace $0xD0000000  }
0x3: {  	_ = 	snop  }
0x4: {  	_ = 	snop  }
0x5: {  	_ = 	snop  }
0x6: {  	_ = 	snop  }
0x7: {  	_ = 	snop  }
__scs_overlays_trampoline_lowered:
0x8: {  	[smem:$0x3FA8] =	sst s0  }
0x9: {  	[smem:$0x3FA9] =	sst s1  }
0xa: {  	[smem:$0x3FAA] =	sst s2  }
0xb: {  	[smem:$0x3FAB] =	sst s3  }
0xc: {  	[smem:$0x3FAC] =	sst s4  }
0xd: {  	[smem:$0x3FAD] =	sst s5  }
0xe: {  	[smem:$0x3FAE] =	sst s6  }
0xf: {  	[smem:$0x3FAF] =	sst s7  }
0x10: {  	[smem:$0x3FB0] =	sst s8  }
0x11: {  	[smem:$0x3FB1] =	sst s9;
	s0 =	simm.s32 @!p0 $0x0  }
0x12: {  	s1 =	sld [smem:$0x3F97];
	s0 =	simm.s32 @p0 $0x1  }
0x13: {  	[smem:$0x3FB2] =	sst s0;
	s0 =	simm.s32 @!p1 $0x0  }
0x14: {  	s2 =	sld [smem:$0x3F96];
	s0 =	simm.s32 @p1 $0x1  }
0x15: {  	[smem:$0x3FB3] =	sst s0;
	s0 =	simm.s32 @!p2 $0x0  }
0x16: {  	s3 =	sld [smem:$0x3FDB];
	s0 =	simm.s32 @p2 $0x1  }
0x17: {  	s4 =	simm.s32 $0x1BF5;
	[smem:$0x3FB5] =	sst s0  }
0x18: {  	s0 =	sld [smem:$0x3F98];
	_ =	swait.ge [sflag:s4], $0x0  }
0x19: {  	s7 =	sld [smem:$0x3F99]  }
0x1a: {  	s8 =	sadd.s32 $0xFFFFE003, lr  }
0x1b: {  	s9 =	sadd.s32 $0xFFFFFEF7, lr;
	s5 =	simm.s32 $0xFFFFFFFF;
	p2 =	slt.u32 s8, $0xFFFFF086  }
0x1c: {  	p1 =	slt.u32 s9, $0xF7A;
	s5 =	simm.s32 @!p2 $0x0  }
0x1d: {  	s5 =	simm.s32 @p1 $0x1;
	p0 =	seq.s32 s7, s2  }
0x1e: {  	s7 =	smul.u32 @!p0 $0xF7A, s2;
	p2 =	seq.s32 @!p0 s5, $0x0  }
0x1f: {  	s9 =	smul.u32 $0xF7A, s1;
	s8 =	simm.s32 @!p0 $0x1BF5;
	p2 =	por !p2, p0  }
0x20: {  	[sflag:s8] =	ssyncset.s32 @!p0 $0xFFFFF086;
	s6 =	sadd.s32 @!p0 s3, s7;
	s7 =	simm.s32 @!p0 $0x108  }
0x21: {  	s3 =	sadd.s32 s3, s9;
	s6 =	sadd.s32 @!p0 $0x88, s6;
	s7 =	simm.s32 @p2 $0x1082  }
0x22: {  	[simem:s7], [sflag:s8] =	dma.local @!p0 [hbm:s6], $0xF7A  }
0x23: {  	s9 =	sor.u32 $0xD0000000, s2;
	s6 =	simm.s32 $0x108;
	_ =	swait.ge @!p0 [sflag:s8], $0x0  }
0x24: {  	s3 =	sadd.s32 $0x88, s3;
	s6 =	simm.s32 @!p1 $0x1082;
	[sflag:s4] =	ssyncset.s32 $0xFFFFF086  }
0x25: {  	[simem:s6], [sflag:s4] =	dma.local [hbm:s3], $0xF7A  }
0x26: {  	[smem:$0x3F99] =	sst s1;
	(tag) =	ssettag s2;
	_ =	strace s9  }
0x27: {  	s1 =	sld [smem:$0x3FA9]  }
0x28: {  	s2 =	sld [smem:$0x3FAA]  }
0x29: {  	s4 =	sld [smem:$0x3FAC]  }
0x2a: {  	p0 =	seq.s32 s5, $0x0;
	s5 =	sld [smem:$0x3FAD]  }
0x2b: {  	s6 =	sld [smem:$0x3FAE]  }
0x2c: {  	s7 =	sld [smem:$0x3FAF]  }
0x2d: {  	s3 =	simm.s32 $0x108;
	s8 =	sld [smem:$0x3FB0]  }
0x2e: {  	s3 =	simm.s32 @!p0 $0x1082;
	s9 =	sld [smem:$0x3FB1]  }
0x2f: {  	lr =	sadd.s32 s0, s3;
	s0 =	sld [smem:$0x3FA8]  }
0x30: {  	s3 =	sld [smem:$0x3FAB]  }
0x31: {  	[smem:$0x3FB4] =	sst s10  }
0x32: {  	s10 =	sld [smem:$0x3FB2];
	_ =	sdelay $0x3  }
0x33: {  	p0 =	seq.s32 s10, $0x1;
	s10 =	sld [smem:$0x3FB4];
	_ =	sdelay $0x3  }
0x34: {  	[smem:$0x3FB4] =	sst s10  }
0x35: {  	s10 =	sld [smem:$0x3FB3];
	_ =	sdelay $0x3  }
0x36: {  	p1 =	seq.s32 s10, $0x1;
	s10 =	sld [smem:$0x3FB4];
	_ =	sdelay $0x3  }
0x37: {  	[smem:$0x3FB4] =	sst s10  }
0x38: {  	s10 =	sld [smem:$0x3FB5]  }
0x39: {  	_ = 	snop;
	(pc) =	sbr.ind lr, $3  }
0x3a: {  	_ = 	snop  }
0x3b: {  	_ = 	snop  }
0x3c: {  	p2 =	seq.s32 s10, $0x1;
	s10 =	sld [smem:$0x3FB4]  }
0x3d: {  	_ =	shalt  }
0x3e: {  	_ =	shalt  }
0x3f: {  	_ =	shalt  }
0x40: {  	_ =	shalt  }
0x41: {  	_ =	shalt  }
0x42: {  	_ =	shalt  }
0x43: {  	_ =	shalt  }
0x44: {  	_ =	shalt  }
0x45: {  	_ =	shalt  }
0x46: {  	_ =	shalt  }
0x47: {  	_ =	shalt  }
0x48: {  	_ =	shalt  }
0x49: {  	_ =	shalt  }
0x4a: {  	_ =	shalt  }
0x4b: {  	_ =	shalt  }
0x4c: {  	_ =	shalt  }
0x4d: {  	_ =	shalt  }
0x4e: {  	_ =	shalt  }
0x4f: {  	_ =	shalt  }
0x50: {  	_ =	shalt  }
0x51: {  	_ =	shalt  }
0x52: {  	_ =	shalt  }
0x53: {  	_ =	shalt  }
0x54: {  	_ =	shalt  }
0x55: {  	_ =	shalt  }
0x56: {  	_ =	shalt  }
0x57: {  	_ =	shalt  }
0x58: {  	_ =	shalt  }
0x59: {  	_ =	shalt  }
0x5a: {  	_ =	shalt  }
0x5b: {  	_ =	shalt  }
0x5c: {  	_ =	shalt  }
0x5d: {  	_ =	shalt  }
0x5e: {  	_ =	shalt  }
0x5f: {  	_ =	shalt  }
0x60: {  	_ =	shalt  }
0x61: {  	_ =	shalt  }
0x62: {  	_ =	shalt  }
0x63: {  	_ =	shalt  }
0x64: {  	_ =	shalt  }
0x65: {  	_ =	shalt  }
0x66: {  	_ =	shalt  }
0x67: {  	_ =	shalt  }
0x68: {  	_ =	shalt  }
0x69: {  	_ =	shalt  }
0x6a: {  	_ =	shalt  }
0x6b: {  	_ =	shalt  }
0x6c: {  	_ =	shalt  }
0x6d: {  	_ =	shalt  }
0x6e: {  	_ =	shalt  }
0x6f: {  	_ =	shalt  }
0x70: {  	_ =	shalt  }
0x71: {  	_ =	shalt  }
0x72: {  	_ =	shalt  }
0x73: {  	_ =	shalt  }
0x74: {  	_ =	shalt  }
0x75: {  	_ =	shalt  }
0x76: {  	_ =	shalt  }
0x77: {  	_ =	shalt  }
0x78: {  	_ =	shalt  }
0x79: {  	_ =	shalt  }
0x7a: {  	_ =	shalt  }
0x7b: {  	_ =	shalt  }
0x7c: {  	_ =	shalt  }
0x7d: {  	_ =	shalt  }
0x7e: {  	_ =	shalt  }
0x7f: {  	_ =	shalt  }
0x80: {  	_ =	shalt  }
0x81: {  	_ =	shalt  }
0x82: {  	_ =	shalt  }
0x83: {  	_ =	shalt  }
0x84: {  	_ =	shalt  }
0x85: {  	_ =	shalt  }
0x86: {  	_ =	shalt  }
0x87: {  	_ =	shalt  }
.Lfunc_end0:
.L_simem_size_0:
called_computation.1_lowered:
.L_overlay_start_0:
0x88: {  	s2 =	sld [smem:$0x3FD9]  }
0x89: {  	s3 =	sld [smem:$0x3FFE];
	_ =	sdelay $0x1  }
0x8a: {  	s1 =	srdreg.scid  }
0x8b: {  	s0 =	sand.u32 $0x1, s1  }
0x8c: {  	s17 =	sshll.u32 s0, $0xA;
	s2 =	sadd.s32 s3, s2  }
0x8d: {  	s2 =	sadd.s32 s2, s17  }
0x8e: {  	[smem:$0x3FC0] =	sst s2  }
0x8f: {  	_ = 	snop  }
0x90: {  	s2 =	sld [smem:$0x3FD0];
	(tm) =	ssettm $0x1  }
0x91: {  	s18 =	sld [smem:$0x3FFB];
	_ =	sdelay $0x3  }
0x92: {  	_ =	strace s18  }
0x93: {  	s3 =	sld [smem:$0x3FFC];
	_ =	sdelay $0x3  }
0x94: {  	_ =	strace s3  }
0x95: {  	s3 =	sld [smem:$0x3FFD];
	_ =	sdelay $0x3  }
0x96: {  	_ =	strace s3  }
0x97: {  	_ =	strace $0x8FFFFFFF  }
0x98: {  	s19 =	sld [smem:$0x3FDB];
	_ =	sdelay $0x1  }
0x99: {  	s4 =	simm.s32 $_scs_section_size  }
0x9a: {  	s5 =	simm.s32 $_size__tile_overlayer_lowered;
	s6 =	simm.s32 $_tile_overlayer_lowered  }
0x9b: {  	s22 =	simm.s32 $0x1BFF;
	s21 =	sshll.u32 s6, $0x1;
	s3 =	sadd.s32 s4, s19  }
0x9c: {  	s7 =	simm.s32 $0x0;
	s20 =	sshll.u32 s5, $0x1;
	s5 =	sadd.s32 s21, s3  }
0x9d: {  	[timem:s7], [sflag:s22] =	dma.local [hbm:s5], s20  }
0x9e: {  	_ =	swait.ge [sflag:s22], s20  }
0x9f: {  	s4 =	ssub.s32 $0x0, s20;
	[sflag:s22] =	ssyncset.done $0x0  }
0xa0: {  	[sflag:s22] =	ssyncadd.s32 s4;
	_ =	sdelay $0x1  }
0xa1: {  	s23 =	simm.s32 $0x1B8B  }
0xa2: {  	_ =	swait.ge [sflag:s23], $0x1  }
0xa3: {  	[sflag:s23] =	ssyncset.done $0x0  }
0xa4: {  	s25 =	simm.s32 $0x1B8E;
	s24 =	sld [smem:$0x3FFE];
	[sflag:s23] =	ssyncadd.s32 $0xFFFFFFFF  }
0xa5: {  	s26 =	simm.s32 $execute0_lowered;
	[smem:$0x3FD2] =	sst s25  }
0xa6: {  	s5 =	sshll.u32 s26, $0x1;
	_ =	strace $0x80000049;
	[dreg:$0x1] =	wrdreg $0xFFFFFFFF  }
0xa7: {  	s28 =	simm.s32 $_size_execute0_lowered;
	s3 =	sadd.s32 s3, s5;
	[dreg:$0x0] =	wrdreg $0x0  }
0xa8: {  	s5 =	sshll.u32 s28, $0x1;
	[dreg:$0x2] =	wrdreg s3  }
0xa9: {  	[dreg:$0x3] =	wrdreg s5  }
0xaa: {  	[dreg:$0x4] =	wrdreg $0xC0  }
0xab: {  	_ =	task [dreg:s7], $0x5FFFF  }
0xac: {  	[dreg:$0x1] =	wrdreg $0xFFFFFFFF  }
0xad: {  	[dreg:$0x0] =	wrdreg $0x60  }
0xae: {  	[dreg:$0x2] =	wrdreg s2  }
0xaf: {  	[dreg:$0x3] =	wrdreg s24  }
0xb0: {  	[dreg:$0x4] =	wrdreg $0xA0000  }
0xb1: {  	[dreg:$0x5] =	wrdreg $0x9  }
0xb2: {  	_ =	task.clear_ibuf [dreg:s7], $0x6FFFF;
	_ =	strace $0x90000049  }
0xb3: {  	s29 =	simm.s32 $0x9;
	_ =	strace $0x8000004B  }
0xb4: {  	_ =	swait.ge [sflag:s29], $0x1  }
0xb5: {  	[sflag:s29] =	ssyncadd.s32 $0xFFFFFFFF  }
0xb6: {  	_ =	strace $0x9000004B  }
0xb7: {  	_ =	sfence  }
0xb8: {  	s30 =	sld [smem:$0x0];
	_ =	sdelay $0x2  }
0xb9: {  	s31 =	sshll.u32 s1, $0xD;
	s1 =	sshrl.u32 s1, $0x2  }
0xba: {  	s3 =	sand.u32 $0x4000, s31;
	s1 =	sadd.s32 s1, s30  }
0xbb: {  	s0 =	sor.u32 s3, s0;
	s1 =	sshll.u32 s1, $0x11  }
0xbc: {  	s0 =	sor.u32 s1, s0  }
0xbd: {  	s0 =	sadd.s32 $0x8F2B, s0  }
0xbe: {  	[sflag:s0] =	ssyncadd.remote.s32 $0x1  }
0xbf: {  	_ =	sfence.sel $0xFFFF  }
0xc0: {  	[dreg:$0x0] =	wrdreg $0xFFFFFFFF;
	(pc) =	sbr.abs _section_cstart, $3  }
0xc1: {  	[dreg:$0x1] =	wrdreg $0xFFFFFFFF  }
0xc2: {  	_ =	task.clear_ibuf [dreg:s7], $0x2FFFF;
	_ =	strace $0x9FFFFFFF  }
0xc3: {  	(tm) =	ssettm $0x7FFFFFFF  }
tec
execute0_lowered:
.L_overlay_start_1:
0x0: {  	(tag) =	ssettag $0x1  }
0x1: {  	s1 =	rddreg [dreg:$0x0]  }
0x2: {  	s0 =	rddreg [dreg:$0x1]  }
0x3: {  	s2 =	rddreg [dreg:$0x2];
	s3 =	srdreg.scid  }
0x4: {  	s4 =	simm.s32 $0x0;
	s11 =	stileid.u32;
	s18 =	simm.s32 $0x5  }
0x5: {  	s28 =	simm.s32 $0x6000;
	s29 =	simm.s32 $0x1;
	s30 =	simm.s32 $0x2  }
0x6: {  	s31 =	simm.s32 $0x0;
	s3 =	sand.u32 $0x1, s3;
	s8 =	smul.u32 $0x14000, s11  }
0x7: {  	[smem:$0x7FF] =	sst s4;
	s6 =	sshll.u32 s11, $0x1;
	s14 =	smul.u32 $0x50000, s11  }
0x8: {  	s5 =	sadd.s32 $0xE000, s0;
	s24 =	sadd.s32 $0x3F200, s0;
	s7 =	smul.u32 $0x140000, s3  }
0x9: {  	_ =	strace $0x8000004A;
	s9 =	sor.u32 s3, s6;
	s6 =	sadd.s32 $0x4000, s0  }
0xa: {  	[dreg:$0x4] =	wrdreg s24;
	s3 =	ssub.s32 $0x2, s3;
	s24 =	simm.s32 $0x7D  }
0xb: {  	s26 =	sshrl.u32 s3, $0x1;
	s10 =	sadd.s32 s8, s7;
	s7 =	smul.u32 $0x2800, s9  }
0xc: {  	s16 =	sshrl.u32 s14, $0x2;
	s3 =	ssub.s32 s3, s26;
	s25 =	sshrl.u32 s10, $0x3  }
.Ltmp0:
0xd: {  	s17 =	smax.u32 s3, $0x1;
	s13 =	sshrl.u32 s7, $0x3;
	(pc) =	sbr.rel .LBB2_1-.Ltmp0, $4  }
0xe: {  	s0 =	sadd.s32 s25, s0;
	s25 =	simm.s32 $0x2000;
	s12 =	sor.u32 $0x80, s13  }
0xf: {  	s9 =	sadd.s32 s5, s13;
	s10 =	sadd.s32 s6, s13;
	s15 =	sadd.s32 $0x100, s13  }
0x10: {  	s11 =	sadd.s32 s5, s12;
	s12 =	sadd.s32 s6, s12;
	s13 =	sadd.s32 s5, s15  }
0x11: {  	s14 =	sadd.s32 s6, s15;
	s15 =	sadd.s32 s16, s2;
	s16 =	sadd.s32 $0x41A00, s0  }
.LBB2_4:
0x12: {  	s8 =	sand.u32 $0x3C00, s21;
	_ =	swait.ge [sflag:s30], $0x3E80  }
0x13: {  	[sflag:s30] =	ssyncset.done $0x0;
	s8 =	ssub.s32 s22, s8  }
0x14: {  	[sflag:s30] =	ssyncadd.s32 $0xFFFFC180;
	s8 =	sadd.s32 $0x2780, s8  }
0x15: {  	[spmem:s2] =	stream.indirect.scatter.add.f32 [tilespmem:s28], [sflag:$0x5], $0x80, s8, s24, $0xb8;
	[tilespmem:$0x1E000] =	vst v63  }
0x16: {  	_ =	swait.ge [sflag:s18], $0x3E80  }
0x17: {  	s31 =	sadd.s32 $0x1, s31;
	[sflag:s18] =	ssyncset.done $0x0  }
0x18: {  	p0 =	sne.s32 s31, s17;
	[sflag:s18] =	ssyncadd.s32 $0xFFFFC180  }
.Ltmp1:
0x19: {  	[bflag:$0x0] =	sbarrier.arrive $0xFFFF;
	(pc) =	sbr.rel @!p0 .LBB2_5-.Ltmp1, $4  }
0x1a: {  	[hbm:s16], [sflag:s0] =	dma.local [spmem:s3], $0x2800  }
0x1b: {  	_ =	swait.ge [sflag:s18], $0x2800  }
0x1c: {  	[sflag:s18] =	ssyncset.done $0x0  }
0x1d: {  	[sflag:s18] =	ssyncadd.s32 $0xFFFFD800  }
.LBB2_1:
0x1e: {  	[tilespmem:s4], [sflag:$0x5] =	stream.linear.gather [hbm4b:s9+s4], $0x400, $0x38;
	[tilespmem:$0x1E000] =	vst v63  }
0x1f: {  	_ =	swait.ge [sflag:s18], $0x400  }
0x20: {  	[sflag:s18] =	ssyncset.done $0x0  }
0x21: {  	s0 =	simm.s32 $0x1000;
	[sflag:s18] =	ssyncadd.s32 $0xFFFFFC00  }
0x22: {  	[tilespmem:s0], [sflag:$0x5] =	stream.linear.gather [hbm4b:s10+s4], $0x400, $0x38;
	[tilespmem:$0x1E000] =	vst v63  }
0x23: {  	_ =	swait.ge [sflag:s18], $0x400  }
0x24: {  	[sflag:s18] =	ssyncset.done $0x0  }
0x25: {  	s19 =	simm.s32 $0x400;
	[sflag:s18] =	ssyncadd.s32 $0xFFFFFC00  }
0x26: {  	[tilespmem:s19], [sflag:$0x3] =	stream.linear.gather [hbm4b:s11+s4], $0x400, $0x38;
	[tilespmem:$0x1E000] =	vst v63  }
0x27: {  	s20 =	simm.s32 $0x1400  }
0x28: {  	[tilespmem:s20], [sflag:$0x4] =	stream.linear.gather [hbm4b:s12+s4], $0x400, $0x38;
	[tilespmem:$0x1E000] =	vst v63  }
0x29: {  	s21 =	simm.s32 $0x800  }
0x2a: {  	[tilespmem:s21], [sflag:$0x3] =	stream.linear.gather [hbm4b:s13+s4], $0x400, $0x38;
	[tilespmem:$0x1E000] =	vst v63  }
0x2b: {  	s22 =	simm.s32 $0x1800;
	s26 =	stileid.u32  }
0x2c: {  	[tilespmem:s22], [sflag:$0x4] =	stream.linear.gather [hbm4b:s14+s4], $0x400, $0x38;
	[tilespmem:$0x1E000] =	vst v63  }
0x2d: {  	s23 =	simm.s32 $0x80;
	s0 =	sshll.u32 s26, $0x6  }
0x2e: {  	[tilespmem:s25], [sflag:$0x1] =	stream.indirect.gather [hbm4b:s1+s24], $0x80, s4, s24, $0xb8;
	[tilespmem:$0x1E000] =	vst v63  }
0x2f: {  	s3 =	sshrl.u32 s15, $0x3;
	s0 =	sor.u32 $0x1C05, s0;
	s8 =	rddreg [dreg:$0x4]  }
0x30: {  	[tilespmem:s28], [sflag:$0x2] =	stream.indirect.gather [hbm4b:s1+s24], $0x80, s23, s24, $0xb8;
	[tilespmem:$0x1E000] =	vst v63  }
0x31: {  	[spmem:s3], [sflag:s0] =	dma.local [hbm:s8], $0x2800  }
0x32: {  	_ =	swait.ge [sflag:s18], $0x2800  }
0x33: {  	[sflag:s18] =	ssyncset.done $0x0  }
0x34: {  	s19 =	simm.s32 $0x1080;
	[sflag:s18] =	ssyncadd.s32 $0xFFFFD800  }
0x35: {  	s20 =	simm.s32 $0x0;
	s21 =	simm.s32 $0x0;
	[bflag:$0x0] =	sbarrier.arrive $0xFFFF  }
.LBB2_2:
0x36: {  	s22 =	sand.u32 $0x3, s20;
	p0 =	sgt.u32 s20, $0x23  }
0x37: {  	p1 =	sne.s32 @!p0 s22, $0x3  }
0x38: {  	p2 =	por p1, p0  }
0x39: {  	s22 =	simm.s32 @!p2 $0x3;
	p3 =	sgt.u32 @!p2 s20, $0x1B  }
0x3a: {  	p1 =	por @!p0 p3, p1;
	_ =	swait.ge @!p2 [sflag:s22], $0x400  }
0x3b: {  	[sflag:s22] =	ssyncset.done @!p2 $0x0;
	p0 =	por p1, p0  }
0x3c: {  	[sflag:s22] =	ssyncadd.s32 @!p2 $0xFFFFFC00;
	s22 =	simm.s32 @!p2 $0x4;
	s23 =	sand.u32 @!p0 $0x1C00, s21  }
0x3d: {  	_ =	swait.ge @!p2 [sflag:s22], $0x400;
	s23 =	sadd.s32 @!p0 $0xC00, s23  }
0x3e: {  	[sflag:s22] =	ssyncset.done @!p2 $0x0;
	s26 =	sadd.s32 @!p0 s7, s23  }
0x3f: {  	[sflag:s22] =	ssyncadd.s32 @!p2 $0xFFFFFC00;
	s22 =	sshrl.u32 @!p0 s26, $0x3  }
0x40: {  	s8 =	simm.s32 @!p0 $0x0;
	s23 =	sand.u32 @!p0 $0xC00, s23;
	s26 =	sadd.s32 @!p0 s5, s22  }
0x41: {  	[tilespmem:s23], [sflag:$0x3] =	stream.linear.gather @!p0 [hbm4b:s26+s8], $0x400, $0x38;
	[tilespmem:$0x1E000] =	vst v63  }
0x42: {  	s22 =	sadd.s32 @!p0 s6, s22;
	s23 =	sor.u32 @!p0 $0x1000, s23  }
0x43: {  	[tilespmem:s23], [sflag:$0x4] =	stream.linear.gather @!p0 [hbm4b:s22+s8], $0x400, $0x38;
	[tilespmem:$0x1E000] =	vst v63  }
0x44: {  	s26 =	sand.u32 $0x7FFFC300, s21;
	s23 =	sand.u32 $0xC00, s21;
	_ =	swait.ge [sflag:s29], $0x3E80  }
0x45: {  	p0 =	seq.s32 s20, $0x27;
	s22 =	sor.u32 $0x1000, s23;
	[sflag:s29] =	ssyncset.done $0x0  }
.Ltmp2:
0x46: {  	s8 =	sor.u32 s26, s22;
	[sflag:s29] =	ssyncadd.s32 $0xFFFFC180;
	(pc) =	sbr.rel @p0 .LBB2_4-.Ltmp2, $4  }
0x47: {  	[spmem:s2] =	stream.indirect.scatter.add.f32 [tilespmem:s25], [sflag:$0x5], $0x80, s8, s24, $0xb8;
	[tilespmem:$0x1E000] =	vst v63  }
0x48: {  	_ =	swait.ge [sflag:s18], $0x3E80  }
0x49: {  	[sflag:s18] =	ssyncset.done $0x0  }
0x4a: {  	[sflag:s18] =	ssyncadd.s32 $0xFFFFC180  }
0x4b: {  	s8 =	sadd.s32 $0x100, s21;
	s22 =	sshll.u32 s21, $0x2  }
0x4c: {  	s23 =	sand.u32 $0xFFFF8F00, s8;
	s26 =	sand.u32 $0x3000, s22;
	s22 =	sand.u32 $0xFFFFF000, s22  }
0x4d: {  	[tilespmem:s25], [sflag:$0x1] =	stream.indirect.gather [hbm4b:s1+s24], $0x80, s23, s24, $0xb8;
	[tilespmem:$0x1E000] =	vst v63  }
0x4e: {  	s22 =	ssub.s32 s26, s22;
	_ =	swait.ge [sflag:s30], $0x3E80  }
0x4f: {  	s22 =	sshra.s32 s22, $0x2;
	[sflag:s30] =	ssyncset.done $0x0  }
0x50: {  	s22 =	sadd.s32 s22, s19;
	[sflag:s30] =	ssyncadd.s32 $0xFFFFC180  }
0x51: {  	[spmem:s2] =	stream.indirect.scatter.add.f32 [tilespmem:s28], [sflag:$0x5], $0x80, s22, s24, $0xb8;
	[tilespmem:$0x1E000] =	vst v63  }
.Ltmp3:
0x52: {  	_ =	swait.ge [sflag:s18], $0x3E80;
	(pc) =	sbr.rel .LBB2_2-.Ltmp3, $4  }
0x53: {  	s26 =	sadd.s32 $0x180, s21;
	[sflag:s18] =	ssyncset.done $0x0  }
0x54: {  	s21 =	sand.u32 $0xFFFF8F80, s26;
	[sflag:s18] =	ssyncadd.s32 $0xFFFFC180  }
0x55: {  	[tilespmem:s28], [sflag:$0x2] =	stream.indirect.gather [hbm4b:s1+s24], $0x80, s21, s24, $0xb8;
	[tilespmem:$0x1E000] =	vst v63  }
0x56: {  	s20 =	sadd.s32 $0x1, s20;
	s19 =	sadd.s32 $0x100, s19;
	s21 =	smov.u32 s8  }
.LBB2_5:
0x57: {  	_ =	sfence.sel $0x180000  }
0x58: {  	[bflag:$0x0] =	sbarrier.arrive $0xFFFF  }
0x59: {  	_ =	strace $0x9000004A  }
0x5a: {  	s0 =	stileid.u32;
	[bflag:$0x2] =	sbarrier.arrive $0xFFFF  }
0x5b: {  	p0 =	sne.s32 s0, $0x0;
	s0 =	rddreg [dreg:$0x3]  }
0x5c: {  	s0 =	sadd.s32 @!p0 $0x100000, s0  }
0x5d: {  	[sflag:s0] =	ssyncadd.tile.s32 @!p0 $0x1;
	_ =	shalt  }
.Lfunc_end2:
_tile_overlayer_lowered:
.L_overlay_start_2:
0x5e: {  	(tag) =	ssettag $0x2  }
0x5f: {  	s0 =	rddreg [dreg:$0x0];
	s2 =	stileid.u32  }
0x60: {  	s1 =	rddreg [dreg:$0x1];
	p0 =	sne.s32 s2, $0x0  }
0x61: {  	s3 =	rddreg [dreg:$0x2];
	[bflag:$0x3] =	sbarrier.arrive $0xFFFF;
	s2 =	simm.s32 @!p0 $0x1C05  }
0x62: {  	[timem:s3], [sflag:s2] =	dma.local @!p0 [hbm:s0], s1  }
0x63: {  	s0 =	simm.s32 @!p0 $0x5  }
0x64: {  	_ =	swait.ge @!p0 [sflag:s0], s1  }
0x65: {  	s1 =	ssub.s32 @!p0 $0x0, s1;
	[sflag:s0] =	ssyncset.done @!p0 $0x0  }
0x66: {  	[sflag:s0] =	ssyncadd.s32 @!p0 s1  }
0x67: {  	[bflag:$0x3] =	sbarrier.arrive $0xFFFF  }
0x68: {  	_ =	shalt  }

// kernel: kernel.14.cloned.1.call-start
scs
__scs_entry_jumppad:
0x0: {  	(pc) =	sbr.rel $0x88, $3  }
0x1: {  	(tag) =	ssettag $0x0;
	lr =	simm.s32 $0x1  }
0x2: {  	[smem:$0x3F99] =	sst lr;
	_ =	strace $0xD0000000  }
0x3: {  	_ = 	snop  }
0x4: {  	_ = 	snop  }
0x5: {  	_ = 	snop  }
0x6: {  	_ = 	snop  }
0x7: {  	_ = 	snop  }
__scs_overlays_trampoline_lowered:
0x8: {  	[smem:$0x3FA8] =	sst s0  }
0x9: {  	[smem:$0x3FA9] =	sst s1  }
0xa: {  	[smem:$0x3FAA] =	sst s2  }
0xb: {  	[smem:$0x3FAB] =	sst s3  }
0xc: {  	[smem:$0x3FAC] =	sst s4  }
0xd: {  	[smem:$0x3FAD] =	sst s5  }
0xe: {  	[smem:$0x3FAE] =	sst s6  }
0xf: {  	[smem:$0x3FAF] =	sst s7  }
0x10: {  	[smem:$0x3FB0] =	sst s8  }
0x11: {  	[smem:$0x3FB1] =	sst s9;
	s0 =	simm.s32 @!p0 $0x0  }
0x12: {  	s1 =	sld [smem:$0x3F97];
	s0 =	simm.s32 @p0 $0x1  }
0x13: {  	[smem:$0x3FB2] =	sst s0;
	s0 =	simm.s32 @!p1 $0x0  }
0x14: {  	s2 =	sld [smem:$0x3F96];
	s0 =	simm.s32 @p1 $0x1  }
0x15: {  	[smem:$0x3FB3] =	sst s0;
	s0 =	simm.s32 @!p2 $0x0  }
0x16: {  	s3 =	sld [smem:$0x3FDB];
	s0 =	simm.s32 @p2 $0x1  }
0x17: {  	s4 =	simm.s32 $0x1BF5;
	[smem:$0x3FB5] =	sst s0  }
0x18: {  	s0 =	sld [smem:$0x3F98];
	_ =	swait.ge [sflag:s4], $0x0  }
0x19: {  	s7 =	sld [smem:$0x3F99]  }
0x1a: {  	s8 =	sadd.s32 $0xFFFFE003, lr  }
0x1b: {  	s9 =	sadd.s32 $0xFFFFFEF7, lr;
	s5 =	simm.s32 $0xFFFFFFFF;
	p2 =	slt.u32 s8, $0xFFFFF086  }
0x1c: {  	p1 =	slt.u32 s9, $0xF7A;
	s5 =	simm.s32 @!p2 $0x0  }
0x1d: {  	s5 =	simm.s32 @p1 $0x1;
	p0 =	seq.s32 s7, s2  }
0x1e: {  	s7 =	smul.u32 @!p0 $0xF7A, s2;
	p2 =	seq.s32 @!p0 s5, $0x0  }
0x1f: {  	s9 =	smul.u32 $0xF7A, s1;
	s8 =	simm.s32 @!p0 $0x1BF5;
	p2 =	por !p2, p0  }
0x20: {  	[sflag:s8] =	ssyncset.s32 @!p0 $0xFFFFF086;
	s6 =	sadd.s32 @!p0 s3, s7;
	s7 =	simm.s32 @!p0 $0x108  }
0x21: {  	s3 =	sadd.s32 s3, s9;
	s6 =	sadd.s32 @!p0 $0x88, s6;
	s7 =	simm.s32 @p2 $0x1082  }
0x22: {  	[simem:s7], [sflag:s8] =	dma.local @!p0 [hbm:s6], $0xF7A  }
0x23: {  	s9 =	sor.u32 $0xD0000000, s2;
	s6 =	simm.s32 $0x108;
	_ =	swait.ge @!p0 [sflag:s8], $0x0  }
0x24: {  	s3 =	sadd.s32 $0x88, s3;
	s6 =	simm.s32 @!p1 $0x1082;
	[sflag:s4] =	ssyncset.s32 $0xFFFFF086  }
0x25: {  	[simem:s6], [sflag:s4] =	dma.local [hbm:s3], $0xF7A  }
0x26: {  	[smem:$0x3F99] =	sst s1;
	(tag) =	ssettag s2;
	_ =	strace s9  }
0x27: {  	s1 =	sld [smem:$0x3FA9]  }
0x28: {  	s2 =	sld [smem:$0x3FAA]  }
0x29: {  	s4 =	sld [smem:$0x3FAC]  }
0x2a: {  	p0 =	seq.s32 s5, $0x0;
	s5 =	sld [smem:$0x3FAD]  }
0x2b: {  	s6 =	sld [smem:$0x3FAE]  }
0x2c: {  	s7 =	sld [smem:$0x3FAF]  }
0x2d: {  	s3 =	simm.s32 $0x108;
	s8 =	sld [smem:$0x3FB0]  }
0x2e: {  	s3 =	simm.s32 @!p0 $0x1082;
	s9 =	sld [smem:$0x3FB1]  }
0x2f: {  	lr =	sadd.s32 s0, s3;
	s0 =	sld [smem:$0x3FA8]  }
0x30: {  	s3 =	sld [smem:$0x3FAB]  }
0x31: {  	[smem:$0x3FB4] =	sst s10  }
0x32: {  	s10 =	sld [smem:$0x3FB2];
	_ =	sdelay $0x3  }
0x33: {  	p0 =	seq.s32 s10, $0x1;
	s10 =	sld [smem:$0x3FB4];
	_ =	sdelay $0x3  }
0x34: {  	[smem:$0x3FB4] =	sst s10  }
0x35: {  	s10 =	sld [smem:$0x3FB3];
	_ =	sdelay $0x3  }
0x36: {  	p1 =	seq.s32 s10, $0x1;
	s10 =	sld [smem:$0x3FB4];
	_ =	sdelay $0x3  }
0x37: {  	[smem:$0x3FB4] =	sst s10  }
0x38: {  	s10 =	sld [smem:$0x3FB5]  }
0x39: {  	_ = 	snop;
	(pc) =	sbr.ind lr, $3  }
0x3a: {  	_ = 	snop  }
0x3b: {  	_ = 	snop  }
0x3c: {  	p2 =	seq.s32 s10, $0x1;
	s10 =	sld [smem:$0x3FB4]  }
0x3d: {  	_ =	shalt  }
0x3e: {  	_ =	shalt  }
0x3f: {  	_ =	shalt  }
0x40: {  	_ =	shalt  }
0x41: {  	_ =	shalt  }
0x42: {  	_ =	shalt  }
0x43: {  	_ =	shalt  }
0x44: {  	_ =	shalt  }
0x45: {  	_ =	shalt  }
0x46: {  	_ =	shalt  }
0x47: {  	_ =	shalt  }
0x48: {  	_ =	shalt  }
0x49: {  	_ =	shalt  }
0x4a: {  	_ =	shalt  }
0x4b: {  	_ =	shalt  }
0x4c: {  	_ =	shalt  }
0x4d: {  	_ =	shalt  }
0x4e: {  	_ =	shalt  }
0x4f: {  	_ =	shalt  }
0x50: {  	_ =	shalt  }
0x51: {  	_ =	shalt  }
0x52: {  	_ =	shalt  }
0x53: {  	_ =	shalt  }
0x54: {  	_ =	shalt  }
0x55: {  	_ =	shalt  }
0x56: {  	_ =	shalt  }
0x57: {  	_ =	shalt  }
0x58: {  	_ =	shalt  }
0x59: {  	_ =	shalt  }
0x5a: {  	_ =	shalt  }
0x5b: {  	_ =	shalt  }
0x5c: {  	_ =	shalt  }
0x5d: {  	_ =	shalt  }
0x5e: {  	_ =	shalt  }
0x5f: {  	_ =	shalt  }
0x60: {  	_ =	shalt  }
0x61: {  	_ =	shalt  }
0x62: {  	_ =	shalt  }
0x63: {  	_ =	shalt  }
0x64: {  	_ =	shalt  }
0x65: {  	_ =	shalt  }
0x66: {  	_ =	shalt  }
0x67: {  	_ =	shalt  }
0x68: {  	_ =	shalt  }
0x69: {  	_ =	shalt  }
0x6a: {  	_ =	shalt  }
0x6b: {  	_ =	shalt  }
0x6c: {  	_ =	shalt  }
0x6d: {  	_ =	shalt  }
0x6e: {  	_ =	shalt  }
0x6f: {  	_ =	shalt  }
0x70: {  	_ =	shalt  }
0x71: {  	_ =	shalt  }
0x72: {  	_ =	shalt  }
0x73: {  	_ =	shalt  }
0x74: {  	_ =	shalt  }
0x75: {  	_ =	shalt  }
0x76: {  	_ =	shalt  }
0x77: {  	_ =	shalt  }
0x78: {  	_ =	shalt  }
0x79: {  	_ =	shalt  }
0x7a: {  	_ =	shalt  }
0x7b: {  	_ =	shalt  }
0x7c: {  	_ =	shalt  }
0x7d: {  	_ =	shalt  }
0x7e: {  	_ =	shalt  }
0x7f: {  	_ =	shalt  }
0x80: {  	_ =	shalt  }
0x81: {  	_ =	shalt  }
0x82: {  	_ =	shalt  }
0x83: {  	_ =	shalt  }
0x84: {  	_ =	shalt  }
0x85: {  	_ =	shalt  }
0x86: {  	_ =	shalt  }
0x87: {  	_ =	shalt  }
.Lfunc_end0:
.L_simem_size_0:
called_computation.2_lowered:
.L_overlay_start_0:
0x88: {  	s2 =	sld [smem:$0x3FD9]  }
0x89: {  	s3 =	sld [smem:$0x3FFE];
	_ =	sdelay $0x1  }
0x8a: {  	s1 =	srdreg.scid  }
0x8b: {  	s0 =	sand.u32 $0x1, s1  }
0x8c: {  	s17 =	sshll.u32 s0, $0xA;
	s2 =	sadd.s32 s3, s2  }
0x8d: {  	s2 =	sadd.s32 s2, s17  }
0x8e: {  	[smem:$0x3FC0] =	sst s2  }
0x8f: {  	_ = 	snop  }
0x90: {  	s2 =	sld [smem:$0x3FD0];
	(tm) =	ssettm $0x1  }
0x91: {  	s18 =	sld [smem:$0x3FFB];
	_ =	sdelay $0x3  }
0x92: {  	_ =	strace s18  }
0x93: {  	s3 =	sld [smem:$0x3FFC];
	_ =	sdelay $0x3  }
0x94: {  	_ =	strace s3  }
0x95: {  	s3 =	sld [smem:$0x3FFD];
	_ =	sdelay $0x3  }
0x96: {  	_ =	strace s3  }
0x97: {  	_ =	strace $0x8FFFFFFF  }
0x98: {  	s19 =	sld [smem:$0x3FDB];
	_ =	sdelay $0x1  }
0x99: {  	s4 =	simm.s32 $_scs_section_size  }
0x9a: {  	s5 =	simm.s32 $_size__tile_overlayer_lowered;
	s6 =	simm.s32 $_tile_overlayer_lowered  }
0x9b: {  	s22 =	simm.s32 $0x1BFF;
	s21 =	sshll.u32 s6, $0x1;
	s3 =	sadd.s32 s4, s19  }
0x9c: {  	s7 =	simm.s32 $0x0;
	s20 =	sshll.u32 s5, $0x1;
	s5 =	sadd.s32 s21, s3  }
0x9d: {  	[timem:s7], [sflag:s22] =	dma.local [hbm:s5], s20  }
0x9e: {  	_ =	swait.ge [sflag:s22], s20  }
0x9f: {  	s4 =	ssub.s32 $0x0, s20;
	[sflag:s22] =	ssyncset.done $0x0  }
0xa0: {  	[sflag:s22] =	ssyncadd.s32 s4;
	_ =	sdelay $0x1  }
0xa1: {  	s23 =	simm.s32 $0x1B8B  }
0xa2: {  	_ =	swait.ge [sflag:s23], $0x1  }
0xa3: {  	[sflag:s23] =	ssyncset.done $0x0  }
0xa4: {  	s25 =	simm.s32 $0x1B8E;
	s24 =	sld [smem:$0x3FFE];
	[sflag:s23] =	ssyncadd.s32 $0xFFFFFFFF  }
0xa5: {  	s26 =	simm.s32 $execute0_lowered;
	[smem:$0x3FD2] =	sst s25  }
0xa6: {  	s5 =	sshll.u32 s26, $0x1;
	_ =	strace $0x8000004C;
	[dreg:$0x1] =	wrdreg $0xFFFFFFFF  }
0xa7: {  	s28 =	simm.s32 $_size_execute0_lowered;
	s3 =	sadd.s32 s3, s5;
	[dreg:$0x0] =	wrdreg $0x0  }
0xa8: {  	s5 =	sshll.u32 s28, $0x1;
	[dreg:$0x2] =	wrdreg s3  }
0xa9: {  	[dreg:$0x3] =	wrdreg s5  }
0xaa: {  	[dreg:$0x4] =	wrdreg $0xC0  }
0xab: {  	_ =	task [dreg:s7], $0x5FFFF  }
0xac: {  	[dreg:$0x1] =	wrdreg $0xFFFFFFFF  }
0xad: {  	[dreg:$0x0] =	wrdreg $0x60  }
0xae: {  	[dreg:$0x2] =	wrdreg s2  }
0xaf: {  	[dreg:$0x3] =	wrdreg s24  }
0xb0: {  	[dreg:$0x4] =	wrdreg $0xA0000  }
0xb1: {  	[dreg:$0x5] =	wrdreg $0x9  }
0xb2: {  	_ =	task.clear_ibuf [dreg:s7], $0x6FFFF;
	_ =	strace $0x9000004C  }
0xb3: {  	s29 =	simm.s32 $0x9;
	_ =	strace $0x8000004E  }
0xb4: {  	_ =	swait.ge [sflag:s29], $0x1  }
0xb5: {  	[sflag:s29] =	ssyncadd.s32 $0xFFFFFFFF  }
0xb6: {  	_ =	strace $0x9000004E  }
0xb7: {  	_ =	sfence  }
0xb8: {  	s30 =	sld [smem:$0x0];
	_ =	sdelay $0x2  }
0xb9: {  	s31 =	sshll.u32 s1, $0xD;
	s1 =	sshrl.u32 s1, $0x2  }
0xba: {  	s3 =	sand.u32 $0x4000, s31;
	s1 =	sadd.s32 s1, s30  }
0xbb: {  	s0 =	sor.u32 s3, s0;
	s1 =	sshll.u32 s1, $0x11  }
0xbc: {  	s0 =	sor.u32 s1, s0  }
0xbd: {  	s0 =	sadd.s32 $0x8F2B, s0  }
0xbe: {  	[sflag:s0] =	ssyncadd.remote.s32 $0x1  }
0xbf: {  	_ =	sfence.sel $0xFFFF  }
0xc0: {  	[dreg:$0x0] =	wrdreg $0xFFFFFFFF;
	(pc) =	sbr.abs _section_cstart, $3  }
0xc1: {  	[dreg:$0x1] =	wrdreg $0xFFFFFFFF  }
0xc2: {  	_ =	task.clear_ibuf [dreg:s7], $0x2FFFF;
	_ =	strace $0x9FFFFFFF  }
0xc3: {  	(tm) =	ssettm $0x7FFFFFFF  }
tec
execute0_lowered:
.L_overlay_start_1:
0x0: {  	(tag) =	ssettag $0x1  }
0x1: {  	s1 =	rddreg [dreg:$0x0]  }
0x2: {  	s0 =	rddreg [dreg:$0x1]  }
0x3: {  	s2 =	rddreg [dreg:$0x2];
	s3 =	srdreg.scid  }
0x4: {  	s4 =	simm.s32 $0x0;
	s11 =	stileid.u32;
	s18 =	simm.s32 $0x5  }
0x5: {  	s28 =	simm.s32 $0x6000;
	s29 =	simm.s32 $0x1;
	s30 =	simm.s32 $0x2  }
0x6: {  	s31 =	simm.s32 $0x0;
	s3 =	sand.u32 $0x1, s3;
	s8 =	smul.u32 $0x14000, s11  }
0x7: {  	[smem:$0x7FF] =	sst s4;
	s6 =	sshll.u32 s11, $0x1;
	s14 =	smul.u32 $0x50000, s11  }
0x8: {  	s5 =	sadd.s32 $0xE000, s0;
	s24 =	sadd.s32 $0x3F200, s0;
	s7 =	smul.u32 $0x140000, s3  }
0x9: {  	_ =	strace $0x8000004D;
	s9 =	sor.u32 s3, s6;
	s6 =	sadd.s32 $0x4000, s0  }
0xa: {  	[dreg:$0x4] =	wrdreg s24;
	s3 =	ssub.s32 $0x2, s3;
	s24 =	simm.s32 $0x7D  }
0xb: {  	s26 =	sshrl.u32 s3, $0x1;
	s10 =	sadd.s32 s8, s7;
	s7 =	smul.u32 $0x2800, s9  }
0xc: {  	s16 =	sshrl.u32 s14, $0x2;
	s3 =	ssub.s32 s3, s26;
	s25 =	sshrl.u32 s10, $0x3  }
.Ltmp0:
0xd: {  	s17 =	smax.u32 s3, $0x1;
	s13 =	sshrl.u32 s7, $0x3;
	(pc) =	sbr.rel .LBB2_1-.Ltmp0, $4  }
0xe: {  	s0 =	sadd.s32 s25, s0;
	s25 =	simm.s32 $0x2000;
	s12 =	sor.u32 $0x80, s13  }
0xf: {  	s9 =	sadd.s32 s5, s13;
	s10 =	sadd.s32 s6, s13;
	s15 =	sadd.s32 $0x100, s13  }
0x10: {  	s11 =	sadd.s32 s5, s12;
	s12 =	sadd.s32 s6, s12;
	s13 =	sadd.s32 s5, s15  }
0x11: {  	s14 =	sadd.s32 s6, s15;
	s15 =	sadd.s32 s16, s2;
	s16 =	sadd.s32 $0x41A00, s0  }
.LBB2_4:
0x12: {  	s8 =	sand.u32 $0x3C00, s21;
	_ =	swait.ge [sflag:s30], $0x3E80  }
0x13: {  	[sflag:s30] =	ssyncset.done $0x0;
	s8 =	ssub.s32 s22, s8  }
0x14: {  	[sflag:s30] =	ssyncadd.s32 $0xFFFFC180;
	s8 =	sadd.s32 $0x2780, s8  }
0x15: {  	[spmem:s2] =	stream.indirect.scatter.add.f32 [tilespmem:s28], [sflag:$0x5], $0x80, s8, s24, $0xb8;
	[tilespmem:$0x1E000] =	vst v63  }
0x16: {  	_ =	swait.ge [sflag:s18], $0x3E80  }
0x17: {  	s31 =	sadd.s32 $0x1, s31;
	[sflag:s18] =	ssyncset.done $0x0  }
0x18: {  	p0 =	sne.s32 s31, s17;
	[sflag:s18] =	ssyncadd.s32 $0xFFFFC180  }
.Ltmp1:
0x19: {  	[bflag:$0x0] =	sbarrier.arrive $0xFFFF;
	(pc) =	sbr.rel @!p0 .LBB2_5-.Ltmp1, $4  }
0x1a: {  	[hbm:s16], [sflag:s0] =	dma.local [spmem:s3], $0x2800  }
0x1b: {  	_ =	swait.ge [sflag:s18], $0x2800  }
0x1c: {  	[sflag:s18] =	ssyncset.done $0x0  }
0x1d: {  	[sflag:s18] =	ssyncadd.s32 $0xFFFFD800  }
.LBB2_1:
0x1e: {  	[tilespmem:s4], [sflag:$0x5] =	stream.linear.gather [hbm4b:s9+s4], $0x400, $0x38;
	[tilespmem:$0x1E000] =	vst v63  }
0x1f: {  	_ =	swait.ge [sflag:s18], $0x400  }
0x20: {  	[sflag:s18] =	ssyncset.done $0x0  }
0x21: {  	s0 =	simm.s32 $0x1000;
	[sflag:s18] =	ssyncadd.s32 $0xFFFFFC00  }
0x22: {  	[tilespmem:s0], [sflag:$0x5] =	stream.linear.gather [hbm4b:s10+s4], $0x400, $0x38;
	[tilespmem:$0x1E000] =	vst v63  }
0x23: {  	_ =	swait.ge [sflag:s18], $0x400  }
0x24: {  	[sflag:s18] =	ssyncset.done $0x0  }
0x25: {  	s19 =	simm.s32 $0x400;
	[sflag:s18] =	ssyncadd.s32 $0xFFFFFC00  }
0x26: {  	[tilespmem:s19], [sflag:$0x3] =	stream.linear.gather [hbm4b:s11+s4], $0x400, $0x38;
	[tilespmem:$0x1E000] =	vst v63  }
0x27: {  	s20 =	simm.s32 $0x1400  }
0x28: {  	[tilespmem:s20], [sflag:$0x4] =	stream.linear.gather [hbm4b:s12+s4], $0x400, $0x38;
	[tilespmem:$0x1E000] =	vst v63  }
0x29: {  	s21 =	simm.s32 $0x800  }
0x2a: {  	[tilespmem:s21], [sflag:$0x3] =	stream.linear.gather [hbm4b:s13+s4], $0x400, $0x38;
	[tilespmem:$0x1E000] =	vst v63  }
0x2b: {  	s22 =	simm.s32 $0x1800;
	s26 =	stileid.u32  }
0x2c: {  	[tilespmem:s22], [sflag:$0x4] =	stream.linear.gather [hbm4b:s14+s4], $0x400, $0x38;
	[tilespmem:$0x1E000] =	vst v63  }
0x2d: {  	s23 =	simm.s32 $0x80;
	s0 =	sshll.u32 s26, $0x6  }
0x2e: {  	[tilespmem:s25], [sflag:$0x1] =	stream.indirect.gather [hbm4b:s1+s24], $0x80, s4, s24, $0xb8;
	[tilespmem:$0x1E000] =	vst v63  }
0x2f: {  	s3 =	sshrl.u32 s15, $0x3;
	s0 =	sor.u32 $0x1C05, s0;
	s8 =	rddreg [dreg:$0x4]  }
0x30: {  	[tilespmem:s28], [sflag:$0x2] =	stream.indirect.gather [hbm4b:s1+s24], $0x80, s23, s24, $0xb8;
	[tilespmem:$0x1E000] =	vst v63  }
0x31: {  	[spmem:s3], [sflag:s0] =	dma.local [hbm:s8], $0x2800  }
0x32: {  	_ =	swait.ge [sflag:s18], $0x2800  }
0x33: {  	[sflag:s18] =	ssyncset.done $0x0  }
0x34: {  	s19 =	simm.s32 $0x1080;
	[sflag:s18] =	ssyncadd.s32 $0xFFFFD800  }
0x35: {  	s20 =	simm.s32 $0x0;
	s21 =	simm.s32 $0x0;
	[bflag:$0x0] =	sbarrier.arrive $0xFFFF  }
.LBB2_2:
0x36: {  	s22 =	sand.u32 $0x3, s20;
	p0 =	sgt.u32 s20, $0x23  }
0x37: {  	p1 =	sne.s32 @!p0 s22, $0x3  }
0x38: {  	p2 =	por p1, p0  }
0x39: {  	s22 =	simm.s32 @!p2 $0x3;
	p3 =	sgt.u32 @!p2 s20, $0x1B  }
0x3a: {  	p1 =	por @!p0 p3, p1;
	_ =	swait.ge @!p2 [sflag:s22], $0x400  }
0x3b: {  	[sflag:s22] =	ssyncset.done @!p2 $0x0;
	p0 =	por p1, p0  }
0x3c: {  	[sflag:s22] =	ssyncadd.s32 @!p2 $0xFFFFFC00;
	s22 =	simm.s32 @!p2 $0x4;
	s23 =	sand.u32 @!p0 $0x1C00, s21  }
0x3d: {  	_ =	swait.ge @!p2 [sflag:s22], $0x400;
	s23 =	sadd.s32 @!p0 $0xC00, s23  }
0x3e: {  	[sflag:s22] =	ssyncset.done @!p2 $0x0;
	s26 =	sadd.s32 @!p0 s7, s23  }
0x3f: {  	[sflag:s22] =	ssyncadd.s32 @!p2 $0xFFFFFC00;
	s22 =	sshrl.u32 @!p0 s26, $0x3  }
0x40: {  	s8 =	simm.s32 @!p0 $0x0;
	s23 =	sand.u32 @!p0 $0xC00, s23;
	s26 =	sadd.s32 @!p0 s5, s22  }
0x41: {  	[tilespmem:s23], [sflag:$0x3] =	stream.linear.gather @!p0 [hbm4b:s26+s8], $0x400, $0x38;
	[tilespmem:$0x1E000] =	vst v63  }
0x42: {  	s22 =	sadd.s32 @!p0 s6, s22;
	s23 =	sor.u32 @!p0 $0x1000, s23  }
0x43: {  	[tilespmem:s23], [sflag:$0x4] =	stream.linear.gather @!p0 [hbm4b:s22+s8], $0x400, $0x38;
	[tilespmem:$0x1E000] =	vst v63  }
0x44: {  	s26 =	sand.u32 $0x7FFFC300, s21;
	s23 =	sand.u32 $0xC00, s21;
	_ =	swait.ge [sflag:s29], $0x3E80  }
0x45: {  	p0 =	seq.s32 s20, $0x27;
	s22 =	sor.u32 $0x1000, s23;
	[sflag:s29] =	ssyncset.done $0x0  }
.Ltmp2:
0x46: {  	s8 =	sor.u32 s26, s22;
	[sflag:s29] =	ssyncadd.s32 $0xFFFFC180;
	(pc) =	sbr.rel @p0 .LBB2_4-.Ltmp2, $4  }
0x47: {  	[spmem:s2] =	stream.indirect.scatter.add.f32 [tilespmem:s25], [sflag:$0x5], $0x80, s8, s24, $0xb8;
	[tilespmem:$0x1E000] =	vst v63  }
0x48: {  	_ =	swait.ge [sflag:s18], $0x3E80  }
0x49: {  	[sflag:s18] =	ssyncset.done $0x0  }
0x4a: {  	[sflag:s18] =	ssyncadd.s32 $0xFFFFC180  }
0x4b: {  	s8 =	sadd.s32 $0x100, s21;
	s22 =	sshll.u32 s21, $0x2  }
0x4c: {  	s23 =	sand.u32 $0xFFFF8F00, s8;
	s26 =	sand.u32 $0x3000, s22;
	s22 =	sand.u32 $0xFFFFF000, s22  }
0x4d: {  	[tilespmem:s25], [sflag:$0x1] =	stream.indirect.gather [hbm4b:s1+s24], $0x80, s23, s24, $0xb8;
	[tilespmem:$0x1E000] =	vst v63  }
0x4e: {  	s22 =	ssub.s32 s26, s22;
	_ =	swait.ge [sflag:s30], $0x3E80  }
0x4f: {  	s22 =	sshra.s32 s22, $0x2;
	[sflag:s30] =	ssyncset.done $0x0  }
0x50: {  	s22 =	sadd.s32 s22, s19;
	[sflag:s30] =	ssyncadd.s32 $0xFFFFC180  }
0x51: {  	[spmem:s2] =	stream.indirect.scatter.add.f32 [tilespmem:s28], [sflag:$0x5], $0x80, s22, s24, $0xb8;
	[tilespmem:$0x1E000] =	vst v63  }
.Ltmp3:
0x52: {  	_ =	swait.ge [sflag:s18], $0x3E80;
	(pc) =	sbr.rel .LBB2_2-.Ltmp3, $4  }
0x53: {  	s26 =	sadd.s32 $0x180, s21;
	[sflag:s18] =	ssyncset.done $0x0  }
0x54: {  	s21 =	sand.u32 $0xFFFF8F80, s26;
	[sflag:s18] =	ssyncadd.s32 $0xFFFFC180  }
0x55: {  	[tilespmem:s28], [sflag:$0x2] =	stream.indirect.gather [hbm4b:s1+s24], $0x80, s21, s24, $0xb8;
	[tilespmem:$0x1E000] =	vst v63  }
0x56: {  	s20 =	sadd.s32 $0x1, s20;
	s19 =	sadd.s32 $0x100, s19;
	s21 =	smov.u32 s8  }
.LBB2_5:
0x57: {  	_ =	sfence.sel $0x180000  }
0x58: {  	[bflag:$0x0] =	sbarrier.arrive $0xFFFF  }
0x59: {  	_ =	strace $0x9000004D  }
0x5a: {  	s0 =	stileid.u32;
	[bflag:$0x2] =	sbarrier.arrive $0xFFFF  }
0x5b: {  	p0 =	sne.s32 s0, $0x0;
	s0 =	rddreg [dreg:$0x3]  }
0x5c: {  	s0 =	sadd.s32 @!p0 $0x100000, s0  }
0x5d: {  	[sflag:s0] =	ssyncadd.tile.s32 @!p0 $0x1;
	_ =	shalt  }
.Lfunc_end2:
_tile_overlayer_lowered:
.L_overlay_start_2:
0x5e: {  	(tag) =	ssettag $0x2  }
0x5f: {  	s0 =	rddreg [dreg:$0x0];
	s2 =	stileid.u32  }
0x60: {  	s1 =	rddreg [dreg:$0x1];
	p0 =	sne.s32 s2, $0x0  }
0x61: {  	s3 =	rddreg [dreg:$0x2];
	[bflag:$0x3] =	sbarrier.arrive $0xFFFF;
	s2 =	simm.s32 @!p0 $0x1C05  }
0x62: {  	[timem:s3], [sflag:s2] =	dma.local @!p0 [hbm:s0], s1  }
0x63: {  	s0 =	simm.s32 @!p0 $0x5  }
0x64: {  	_ =	swait.ge @!p0 [sflag:s0], s1  }
0x65: {  	s1 =	ssub.s32 @!p0 $0x0, s1;
	[sflag:s0] =	ssyncset.done @!p0 $0x0  }
0x66: {  	[sflag:s0] =	ssyncadd.s32 @!p0 s1  }
0x67: {  	[bflag:$0x3] =	sbarrier.arrive $0xFFFF  }
0x68: {  	_ =	shalt  }

// kernel: kernel.8.cloned.1.call-start
scs
__scs_entry_jumppad:
0x0: {  	(pc) =	sbr.rel $0x88, $3  }
0x1: {  	(tag) =	ssettag $0x0;
	lr =	simm.s32 $0x1  }
0x2: {  	[smem:$0x3F99] =	sst lr;
	_ =	strace $0xD0000000  }
0x3: {  	_ = 	snop  }
0x4: {  	_ = 	snop  }
0x5: {  	_ = 	snop  }
0x6: {  	_ = 	snop  }
0x7: {  	_ = 	snop  }
__scs_overlays_trampoline_lowered:
0x8: {  	[smem:$0x3FA8] =	sst s0  }
0x9: {  	[smem:$0x3FA9] =	sst s1  }
0xa: {  	[smem:$0x3FAA] =	sst s2  }
0xb: {  	[smem:$0x3FAB] =	sst s3  }
0xc: {  	[smem:$0x3FAC] =	sst s4  }
0xd: {  	[smem:$0x3FAD] =	sst s5  }
0xe: {  	[smem:$0x3FAE] =	sst s6  }
0xf: {  	[smem:$0x3FAF] =	sst s7  }
0x10: {  	[smem:$0x3FB0] =	sst s8  }
0x11: {  	[smem:$0x3FB1] =	sst s9;
	s0 =	simm.s32 @!p0 $0x0  }
0x12: {  	s1 =	sld [smem:$0x3F97];
	s0 =	simm.s32 @p0 $0x1  }
0x13: {  	[smem:$0x3FB2] =	sst s0;
	s0 =	simm.s32 @!p1 $0x0  }
0x14: {  	s2 =	sld [smem:$0x3F96];
	s0 =	simm.s32 @p1 $0x1  }
0x15: {  	[smem:$0x3FB3] =	sst s0;
	s0 =	simm.s32 @!p2 $0x0  }
0x16: {  	s3 =	sld [smem:$0x3FDB];
	s0 =	simm.s32 @p2 $0x1  }
0x17: {  	s4 =	simm.s32 $0x1BF5;
	[smem:$0x3FB5] =	sst s0  }
0x18: {  	s0 =	sld [smem:$0x3F98];
	_ =	swait.ge [sflag:s4], $0x0  }
0x19: {  	s7 =	sld [smem:$0x3F99]  }
0x1a: {  	s8 =	sadd.s32 $0xFFFFE003, lr  }
0x1b: {  	s9 =	sadd.s32 $0xFFFFFEF7, lr;
	s5 =	simm.s32 $0xFFFFFFFF;
	p2 =	slt.u32 s8, $0xFFFFF086  }
0x1c: {  	p1 =	slt.u32 s9, $0xF7A;
	s5 =	simm.s32 @!p2 $0x0  }
0x1d: {  	s5 =	simm.s32 @p1 $0x1;
	p0 =	seq.s32 s7, s2  }
0x1e: {  	s7 =	smul.u32 @!p0 $0xF7A, s2;
	p2 =	seq.s32 @!p0 s5, $0x0  }
0x1f: {  	s9 =	smul.u32 $0xF7A, s1;
	s8 =	simm.s32 @!p0 $0x1BF5;
	p2 =	por !p2, p0  }
0x20: {  	[sflag:s8] =	ssyncset.s32 @!p0 $0xFFFFF086;
	s6 =	sadd.s32 @!p0 s3, s7;
	s7 =	simm.s32 @!p0 $0x108  }
0x21: {  	s3 =	sadd.s32 s3, s9;
	s6 =	sadd.s32 @!p0 $0x88, s6;
	s7 =	simm.s32 @p2 $0x1082  }
0x22: {  	[simem:s7], [sflag:s8] =	dma.local @!p0 [hbm:s6], $0xF7A  }
0x23: {  	s9 =	sor.u32 $0xD0000000, s2;
	s6 =	simm.s32 $0x108;
	_ =	swait.ge @!p0 [sflag:s8], $0x0  }
0x24: {  	s3 =	sadd.s32 $0x88, s3;
	s6 =	simm.s32 @!p1 $0x1082;
	[sflag:s4] =	ssyncset.s32 $0xFFFFF086  }
0x25: {  	[simem:s6], [sflag:s4] =	dma.local [hbm:s3], $0xF7A  }
0x26: {  	[smem:$0x3F99] =	sst s1;
	(tag) =	ssettag s2;
	_ =	strace s9  }
0x27: {  	s1 =	sld [smem:$0x3FA9]  }
0x28: {  	s2 =	sld [smem:$0x3FAA]  }
0x29: {  	s4 =	sld [smem:$0x3FAC]  }
0x2a: {  	p0 =	seq.s32 s5, $0x0;
	s5 =	sld [smem:$0x3FAD]  }
0x2b: {  	s6 =	sld [smem:$0x3FAE]  }
0x2c: {  	s7 =	sld [smem:$0x3FAF]  }
0x2d: {  	s3 =	simm.s32 $0x108;
	s8 =	sld [smem:$0x3FB0]  }
0x2e: {  	s3 =	simm.s32 @!p0 $0x1082;
	s9 =	sld [smem:$0x3FB1]  }
0x2f: {  	lr =	sadd.s32 s0, s3;
	s0 =	sld [smem:$0x3FA8]  }
0x30: {  	s3 =	sld [smem:$0x3FAB]  }
0x31: {  	[smem:$0x3FB4] =	sst s10  }
0x32: {  	s10 =	sld [smem:$0x3FB2];
	_ =	sdelay $0x3  }
0x33: {  	p0 =	seq.s32 s10, $0x1;
	s10 =	sld [smem:$0x3FB4];
	_ =	sdelay $0x3  }
0x34: {  	[smem:$0x3FB4] =	sst s10  }
0x35: {  	s10 =	sld [smem:$0x3FB3];
	_ =	sdelay $0x3  }
0x36: {  	p1 =	seq.s32 s10, $0x1;
	s10 =	sld [smem:$0x3FB4];
	_ =	sdelay $0x3  }
0x37: {  	[smem:$0x3FB4] =	sst s10  }
0x38: {  	s10 =	sld [smem:$0x3FB5]  }
0x39: {  	_ = 	snop;
	(pc) =	sbr.ind lr, $3  }
0x3a: {  	_ = 	snop  }
0x3b: {  	_ = 	snop  }
0x3c: {  	p2 =	seq.s32 s10, $0x1;
	s10 =	sld [smem:$0x3FB4]  }
0x3d: {  	_ =	shalt  }
0x3e: {  	_ =	shalt  }
0x3f: {  	_ =	shalt  }
0x40: {  	_ =	shalt  }
0x41: {  	_ =	shalt  }
0x42: {  	_ =	shalt  }
0x43: {  	_ =	shalt  }
0x44: {  	_ =	shalt  }
0x45: {  	_ =	shalt  }
0x46: {  	_ =	shalt  }
0x47: {  	_ =	shalt  }
0x48: {  	_ =	shalt  }
0x49: {  	_ =	shalt  }
0x4a: {  	_ =	shalt  }
0x4b: {  	_ =	shalt  }
0x4c: {  	_ =	shalt  }
0x4d: {  	_ =	shalt  }
0x4e: {  	_ =	shalt  }
0x4f: {  	_ =	shalt  }
0x50: {  	_ =	shalt  }
0x51: {  	_ =	shalt  }
0x52: {  	_ =	shalt  }
0x53: {  	_ =	shalt  }
0x54: {  	_ =	shalt  }
0x55: {  	_ =	shalt  }
0x56: {  	_ =	shalt  }
0x57: {  	_ =	shalt  }
0x58: {  	_ =	shalt  }
0x59: {  	_ =	shalt  }
0x5a: {  	_ =	shalt  }
0x5b: {  	_ =	shalt  }
0x5c: {  	_ =	shalt  }
0x5d: {  	_ =	shalt  }
0x5e: {  	_ =	shalt  }
0x5f: {  	_ =	shalt  }
0x60: {  	_ =	shalt  }
0x61: {  	_ =	shalt  }
0x62: {  	_ =	shalt  }
0x63: {  	_ =	shalt  }
0x64: {  	_ =	shalt  }
0x65: {  	_ =	shalt  }
0x66: {  	_ =	shalt  }
0x67: {  	_ =	shalt  }
0x68: {  	_ =	shalt  }
0x69: {  	_ =	shalt  }
0x6a: {  	_ =	shalt  }
0x6b: {  	_ =	shalt  }
0x6c: {  	_ =	shalt  }
0x6d: {  	_ =	shalt  }
0x6e: {  	_ =	shalt  }
0x6f: {  	_ =	shalt  }
0x70: {  	_ =	shalt  }
0x71: {  	_ =	shalt  }
0x72: {  	_ =	shalt  }
0x73: {  	_ =	shalt  }
0x74: {  	_ =	shalt  }
0x75: {  	_ =	shalt  }
0x76: {  	_ =	shalt  }
0x77: {  	_ =	shalt  }
0x78: {  	_ =	shalt  }
0x79: {  	_ =	shalt  }
0x7a: {  	_ =	shalt  }
0x7b: {  	_ =	shalt  }
0x7c: {  	_ =	shalt  }
0x7d: {  	_ =	shalt  }
0x7e: {  	_ =	shalt  }
0x7f: {  	_ =	shalt  }
0x80: {  	_ =	shalt  }
0x81: {  	_ =	shalt  }
0x82: {  	_ =	shalt  }
0x83: {  	_ =	shalt  }
0x84: {  	_ =	shalt  }
0x85: {  	_ =	shalt  }
0x86: {  	_ =	shalt  }
0x87: {  	_ =	shalt  }
.Lfunc_end0:
.L_simem_size_0:
called_computation_lowered:
.L_overlay_start_0:
0x88: {  	s2 =	sld [smem:$0x3FD9]  }
0x89: {  	s3 =	sld [smem:$0x3FFE];
	_ =	sdelay $0x1  }
0x8a: {  	s1 =	srdreg.scid  }
0x8b: {  	s0 =	sand.u32 $0x1, s1  }
0x8c: {  	s17 =	sshll.u32 s0, $0xA;
	s2 =	sadd.s32 s3, s2  }
0x8d: {  	s2 =	sadd.s32 s2, s17  }
0x8e: {  	[smem:$0x3FC0] =	sst s2  }
0x8f: {  	_ = 	snop  }
0x90: {  	s2 =	sld [smem:$0x3FD0];
	(tm) =	ssettm $0x1  }
0x91: {  	s18 =	sld [smem:$0x3FFB];
	_ =	sdelay $0x3  }
0x92: {  	_ =	strace s18  }
0x93: {  	s3 =	sld [smem:$0x3FFC];
	_ =	sdelay $0x3  }
0x94: {  	_ =	strace s3  }
0x95: {  	s3 =	sld [smem:$0x3FFD];
	_ =	sdelay $0x3  }
0x96: {  	_ =	strace s3  }
0x97: {  	_ =	strace $0x8FFFFFFF  }
0x98: {  	s19 =	sld [smem:$0x3FDB];
	_ =	sdelay $0x1  }
0x99: {  	s4 =	simm.s32 $_scs_section_size  }
0x9a: {  	s5 =	simm.s32 $_size__tile_overlayer_lowered;
	s6 =	simm.s32 $_tile_overlayer_lowered  }
0x9b: {  	s22 =	simm.s32 $0x1BFF;
	s21 =	sshll.u32 s6, $0x1;
	s3 =	sadd.s32 s4, s19  }
0x9c: {  	s7 =	simm.s32 $0x0;
	s20 =	sshll.u32 s5, $0x1;
	s5 =	sadd.s32 s21, s3  }
0x9d: {  	[timem:s7], [sflag:s22] =	dma.local [hbm:s5], s20  }
0x9e: {  	_ =	swait.ge [sflag:s22], s20  }
0x9f: {  	s4 =	ssub.s32 $0x0, s20;
	[sflag:s22] =	ssyncset.done $0x0  }
0xa0: {  	[sflag:s22] =	ssyncadd.s32 s4;
	_ =	sdelay $0x1  }
0xa1: {  	s23 =	simm.s32 $0x1B8B  }
0xa2: {  	_ =	swait.ge [sflag:s23], $0x1  }
0xa3: {  	[sflag:s23] =	ssyncset.done $0x0  }
0xa4: {  	s25 =	simm.s32 $0x1B8E;
	s24 =	sld [smem:$0x3FFE];
	[sflag:s23] =	ssyncadd.s32 $0xFFFFFFFF  }
0xa5: {  	s26 =	simm.s32 $execute0_lowered;
	[smem:$0x3FD2] =	sst s25  }
0xa6: {  	s5 =	sshll.u32 s26, $0x1;
	_ =	strace $0x80000046;
	[dreg:$0x1] =	wrdreg $0xFFFFFFFF  }
0xa7: {  	s28 =	simm.s32 $_size_execute0_lowered;
	s3 =	sadd.s32 s3, s5;
	[dreg:$0x0] =	wrdreg $0x0  }
0xa8: {  	s5 =	sshll.u32 s28, $0x1;
	[dreg:$0x2] =	wrdreg s3  }
0xa9: {  	[dreg:$0x3] =	wrdreg s5  }
0xaa: {  	[dreg:$0x4] =	wrdreg $0xC0  }
0xab: {  	_ =	task [dreg:s7], $0x5FFFF  }
0xac: {  	[dreg:$0x1] =	wrdreg $0xFFFFFFFF  }
0xad: {  	[dreg:$0x0] =	wrdreg $0x60  }
0xae: {  	[dreg:$0x2] =	wrdreg s2  }
0xaf: {  	[dreg:$0x3] =	wrdreg s24  }
0xb0: {  	[dreg:$0x4] =	wrdreg $0x7A000  }
0xb1: {  	[dreg:$0x5] =	wrdreg $0x9  }
0xb2: {  	_ =	task.clear_ibuf [dreg:s7], $0x6FFFF;
	_ =	strace $0x90000046  }
0xb3: {  	s29 =	simm.s32 $0x9;
	_ =	strace $0x80000048  }
0xb4: {  	_ =	swait.ge [sflag:s29], $0x1  }
0xb5: {  	[sflag:s29] =	ssyncadd.s32 $0xFFFFFFFF  }
0xb6: {  	_ =	strace $0x90000048  }
0xb7: {  	_ =	sfence  }
0xb8: {  	s30 =	sld [smem:$0x0];
	_ =	sdelay $0x2  }
0xb9: {  	s31 =	sshll.u32 s1, $0xD;
	s1 =	sshrl.u32 s1, $0x2  }
0xba: {  	s3 =	sand.u32 $0x4000, s31;
	s1 =	sadd.s32 s1, s30  }
0xbb: {  	s0 =	sor.u32 s3, s0;
	s1 =	sshll.u32 s1, $0x11  }
0xbc: {  	s0 =	sor.u32 s1, s0  }
0xbd: {  	s0 =	sadd.s32 $0x8F2B, s0  }
0xbe: {  	[sflag:s0] =	ssyncadd.remote.s32 $0x1  }
0xbf: {  	_ =	sfence.sel $0xFFFF  }
0xc0: {  	[dreg:$0x0] =	wrdreg $0xFFFFFFFF;
	(pc) =	sbr.abs _section_cstart, $3  }
0xc1: {  	[dreg:$0x1] =	wrdreg $0xFFFFFFFF  }
0xc2: {  	_ =	task.clear_ibuf [dreg:s7], $0x2FFFF;
	_ =	strace $0x9FFFFFFF  }
0xc3: {  	(tm) =	ssettm $0x7FFFFFFF  }
tec
execute0_lowered:
.L_overlay_start_1:
0x0: {  	(tag) =	ssettag $0x1  }
0x1: {  	s4 =	rddreg [dreg:$0x0]  }
0x2: {  	s5 =	rddreg [dreg:$0x1]  }
0x3: {  	s6 =	rddreg [dreg:$0x2]  }
0x4: {  	s0 =	rddreg [dreg:$0x3]  }
0x5: {  	s3 =	srdreg.scid;
	s1 =	stileid.u32;
	s2 =	simm.s32 $0x0  }
0x6: {  	s13 =	simm.s32 $0x1400;
	s14 =	simm.s32 $0x14000;
	s15 =	simm.s32 $0x4F80  }
0x7: {  	s16 =	simm.s32 $0x100;
	s17 =	simm.s32 $0x7780;
	s18 =	simm.s32 $0x0  }
0x8: {  	s7 =	sand.u32 $0x1, s3;
	s24 =	smul.u32 $0x500, s1;
	[smem:$0x7FF] =	sst s2  }
0x9: {  	s3 =	sadd.s32 $0x3000, s5;
	s10 =	sshrl.u32 s1, $0x2;
	s26 =	sshll.u32 s1, $0x8  }
0xa: {  	s11 =	sshrl.u32 s1, $0x3;
	s30 =	smul.u32 $0x5000, s1;
	s31 =	sshll.u32 s1, $0x7  }
0xb: {  	s8 =	sshll.u32 s7, $0x7;
	_ =	strace $0x80000047;
	s25 =	smul.u32 $0x13C00, s10  }
0xc: {  	s7 =	ssub.s32 $0x2, s7;
	s10 =	sand.u32 $0x300, s26;
	s28 =	smul.u32 $0x50000, s11  }
0xd: {  	s11 =	simm.s32 $0x1;
	s9 =	sor.u32 s8, s24;
	s12 =	sshrl.u32 s7, $0x1  }
0xe: {  	s9 =	sshrl.u32 s9, $0x3;
	s29 =	ssub.s32 s7, s12;
	s7 =	sshrl.u32 s30, $0x2  }
0xf: {  	s12 =	simm.s32 $0x2780;
	s9 =	sadd.s32 s9, s5;
	s5 =	sor.u32 s25, s10  }
0x10: {  	s10 =	sshrl.u32 s28, $0x2;
	s5 =	sor.u32 s8, s5;
	s8 =	sand.u32 $0x380, s31  }
0x11: {  	s10 =	sadd.s32 s10, s6;
	s6 =	sadd.s32 s7, s6;
	s5 =	sshrl.u32 s5, $0x3  }
0x12: {  	s7 =	sadd.s32 $0x3600, s9;
	s9 =	simm.s32 $0x80;
	s4 =	sadd.s32 s4, s5  }
0x13: {  	v0 =	vimm.f32 $1.000000000e+00;
	s5 =	sadd.s32 s8, s10;
	s8 =	smax.u32 s29, $0x1;
	s10 =	simm.s32 $0x400  }
.LBB2_1:
0x14: {  	[tilespmem:s2], [sflag:$0x1] =	stream.strided.gather [hbm4b:s4+s9], $0x2780, s10, s9, $0x38;
	[tilespmem:$0xA200] =	vst v63  }
0x15: {  	_ =	swait.ge [sflag:s11], $0x2780  }
0x16: {  	[sflag:s11] =	ssyncset.done $0x0  }
0x17: {  	[sflag:s11] =	ssyncadd.s32 $0xFFFFD880  }
0x18: {  	[tilespmem:s12], [sflag:$0x1] =	stream.linear.gather [hbm4b:s3+s2], $0x2800, $0x38;
	[tilespmem:$0xA200] =	vst v63  }
0x19: {  	_ =	swait.ge [sflag:s11], $0x2800  }
0x1a: {  	[sflag:s11] =	ssyncset.done $0x0  }
0x1b: {  	s20 =	simm.s32 $0x0;
	s19 =	simm.s32 $0x40;
	[sflag:s11] =	ssyncadd.s32 $0xFFFFD800  }
.LBB2_2:
0x1c: {  	p0 =	sne.s32 s19, $0x9C00;
	v1 =	vld [tilespmem:s20+$0x0];
	_ =	sdelay $0x3  }
.Ltmp0:
0x1d: {  	(pc) =	sbr.rel @p0 .LBB2_2-.Ltmp0, $2  }
0x1e: {  	_ =	sdelay $0x2  }
0x1f: {  	s20 =	sshra.s32 s19, $0x2;
	s19 =	sadd.s32 $0x40, s19;
	[tilespmem:v1+s12+$0x0] =	vst.idx.add.f32.msk $0xffff, v0  }
0x20: {  	v1 =	vld [tilespmem:s20+$0x0];
	_ =	sdelay $0x7  }
0x21: {  	[tilespmem:v1+s12+$0x0] =	vst.idx.add.f32.msk $0xffff, v0  }
0x22: {  	[spmem:s5] =	stream.strided.scatter [tilespmem:s12], [sflag:$0x1], $0x2800, s10, s9, $0x38;
	[tilespmem:$0xA200] =	vst v63  }
0x23: {  	_ =	swait.ge [sflag:s11], $0x2800  }
0x24: {  	[sflag:s11] =	ssyncset.done $0x0  }
0x25: {  	[sflag:s11] =	ssyncadd.s32 $0xFFFFD800  }
0x26: {  	[bflag:$0x0] =	sbarrier.arrive $0xFFFF  }
0x27: {  	[tilespmem:s15], [sflag:$0x1] =	stream.strided.gather [spmem:s6], $0x2800, s14, s13, $0x38;
	[tilespmem:$0xA200] =	vst v63  }
0x28: {  	s19 =	simm.s32 $0x0;
	_ =	swait.ge [sflag:s11], $0x2800  }
0x29: {  	s31 =	sand.u32 $0x70, s19;
	s19 =	sand.u32 $0x1C00, s19;
	[sflag:s11] =	ssyncset.done $0x0  }
0x2a: {  	s19 =	sor.u32 s31, s19;
	[sflag:s11] =	ssyncadd.s32 $0xFFFFD800  }
0x2b: {  	v1 =	vld [tilespmem:s19+$0x4F80];
	_ =	sdelay $0x1  }
0x2c: {  	v2 =	vld [tilespmem:s19+$0x5000];
	_ =	sdelay $0x1  }
0x2d: {  	v3 =	vld [tilespmem:s19+$0x5080]  }
0x2e: {  	v1 =	vadd.f32 $0.0e+00, v1  }
0x2f: {  	v4 =	vld [tilespmem:s19+$0x5100]  }
0x30: {  	v1 =	vadd.f32 v2, v1  }
0x31: {  	v2 =	vld [tilespmem:s19+$0x5180]  }
0x32: {  	v1 =	vadd.f32 v3, v1  }
0x33: {  	v3 =	vld [tilespmem:s19+$0x5200]  }
0x34: {  	v1 =	vadd.f32 v4, v1  }
0x35: {  	v60 =	vld [tilespmem:s19+$0x5280]  }
0x36: {  	v1 =	vadd.f32 v2, v1  }
0x37: {  	v2 =	vld [tilespmem:s19+$0x5300]  }
0x38: {  	v1 =	vadd.f32 v3, v1  }
0x39: {  	v3 =	vld [tilespmem:s19+$0x6380]  }
0x3a: {  	v1 =	vadd.f32 v60, v1  }
0x3b: {  	v61 =	vld [tilespmem:s19+$0x6400]  }
0x3c: {  	v1 =	vadd.f32 v2, v1  }
0x3d: {  	v2 =	vld [tilespmem:s19+$0x6480]  }
0x3e: {  	v1 =	vadd.f32 v3, v1  }
0x3f: {  	v3 =	vld [tilespmem:s19+$0x6500]  }
0x40: {  	v1 =	vadd.f32 v61, v1  }
0x41: {  	v62 =	vld [tilespmem:s19+$0x6580]  }
0x42: {  	v1 =	vadd.f32 v2, v1  }
0x43: {  	v2 =	vld [tilespmem:s19+$0x6600]  }
0x44: {  	v1 =	vadd.f32 v3, v1  }
0x45: {  	v3 =	vld [tilespmem:s19+$0x6680]  }
0x46: {  	v1 =	vadd.f32 v62, v1  }
0x47: {  	v63 =	vld [tilespmem:s19+$0x6700]  }
0x48: {  	v1 =	vadd.f32 v2, v1;
	_ =	sdelay $0x1  }
0x49: {  	v1 =	vadd.f32 v3, v1  }
0x4a: {  	s21 =	simm.s32 $0x10  }
0x4b: {  	s20 =	simm.s32 $0x80;
	s22 =	sand.u32 $0x70, s21;
	v1 =	vadd.f32 v63, v1  }
0x4c: {  	s23 =	sand.u32 $0x1C00, s20;
	s21 =	simm.s32 $0x20;
	s19 =	simm.s32 $0x7780  }
.LBB2_4:
0x4d: {  	p0 =	sne.s32 s21, $0x270;
	s22 =	sor.u32 s22, s23;
	[tilespmem:s19+$0x0] =	vst v1  }
0x4e: {  	v1 =	vld [tilespmem:s22+$0x4F80];
	_ =	sdelay $0x1  }
0x4f: {  	v2 =	vld [tilespmem:s22+$0x5000];
	_ =	sdelay $0x1  }
0x50: {  	v3 =	vld [tilespmem:s22+$0x5080]  }
0x51: {  	v1 =	vadd.f32 $0.0e+00, v1  }
0x52: {  	v4 =	vld [tilespmem:s22+$0x5100]  }
0x53: {  	v1 =	vadd.f32 v2, v1  }
0x54: {  	v2 =	vld [tilespmem:s22+$0x5180]  }
0x55: {  	v1 =	vadd.f32 v3, v1  }
0x56: {  	v3 =	vld [tilespmem:s22+$0x5200]  }
0x57: {  	v1 =	vadd.f32 v4, v1  }
0x58: {  	v4 =	vld [tilespmem:s22+$0x5280]  }
0x59: {  	v1 =	vadd.f32 v2, v1  }
0x5a: {  	v2 =	vld [tilespmem:s22+$0x5300]  }
0x5b: {  	v1 =	vadd.f32 v3, v1  }
0x5c: {  	v3 =	vld [tilespmem:s22+$0x6380]  }
0x5d: {  	v1 =	vadd.f32 v4, v1  }
0x5e: {  	v4 =	vld [tilespmem:s22+$0x6400]  }
0x5f: {  	v1 =	vadd.f32 v2, v1  }
0x60: {  	v2 =	vld [tilespmem:s22+$0x6480]  }
0x61: {  	v1 =	vadd.f32 v3, v1  }
0x62: {  	v3 =	vld [tilespmem:s22+$0x6500]  }
0x63: {  	v1 =	vadd.f32 v4, v1  }
0x64: {  	v4 =	vld [tilespmem:s22+$0x6580]  }
0x65: {  	v1 =	vadd.f32 v2, v1  }
0x66: {  	v2 =	vld [tilespmem:s22+$0x6600]  }
0x67: {  	v1 =	vadd.f32 v3, v1  }
0x68: {  	v3 =	vld [tilespmem:s22+$0x6680]  }
0x69: {  	v1 =	vadd.f32 v4, v1  }
0x6a: {  	v4 =	vld [tilespmem:s22+$0x6700]  }
0x6b: {  	v1 =	vadd.f32 v2, v1  }
.Ltmp1:
0x6c: {  	(pc) =	sbr.rel @p0 .LBB2_4-.Ltmp1, $3  }
0x6d: {  	v1 =	vadd.f32 v3, v1;
	_ =	sdelay $0x1  }
0x6e: {  	s20 =	sadd.s32 $0x80, s20;
	s19 =	sadd.s32 $0x10, s19;
	v1 =	vadd.f32 v4, v1  }
0x6f: {  	s23 =	sand.u32 $0x1C00, s20;
	s22 =	sand.u32 $0x70, s21;
	s21 =	sadd.s32 $0x10, s21  }
0x70: {  	s20 =	sor.u32 s22, s23;
	[tilespmem:s19+$0x0] =	vst v1  }
0x71: {  	v1 =	vld [tilespmem:s20+$0x4F80];
	_ =	sdelay $0x1  }
0x72: {  	v2 =	vld [tilespmem:s20+$0x5000];
	_ =	sdelay $0x1  }
0x73: {  	v3 =	vld [tilespmem:s20+$0x5080]  }
0x74: {  	v1 =	vadd.f32 $0.0e+00, v1  }
0x75: {  	v4 =	vld [tilespmem:s20+$0x5100]  }
0x76: {  	v1 =	vadd.f32 v2, v1  }
0x77: {  	v2 =	vld [tilespmem:s20+$0x5180]  }
0x78: {  	v1 =	vadd.f32 v3, v1  }
0x79: {  	v3 =	vld [tilespmem:s20+$0x5200]  }
0x7a: {  	v1 =	vadd.f32 v4, v1  }
0x7b: {  	v60 =	vld [tilespmem:s20+$0x5280]  }
0x7c: {  	v1 =	vadd.f32 v2, v1  }
0x7d: {  	v2 =	vld [tilespmem:s20+$0x5300]  }
0x7e: {  	v1 =	vadd.f32 v3, v1  }
0x7f: {  	v3 =	vld [tilespmem:s20+$0x6380]  }
0x80: {  	v1 =	vadd.f32 v60, v1  }
0x81: {  	v61 =	vld [tilespmem:s20+$0x6400]  }
0x82: {  	v1 =	vadd.f32 v2, v1  }
0x83: {  	v2 =	vld [tilespmem:s20+$0x6480]  }
0x84: {  	v1 =	vadd.f32 v3, v1  }
0x85: {  	v3 =	vld [tilespmem:s20+$0x6500]  }
0x86: {  	v1 =	vadd.f32 v61, v1  }
0x87: {  	v62 =	vld [tilespmem:s20+$0x6580]  }
0x88: {  	v1 =	vadd.f32 v2, v1  }
0x89: {  	v2 =	vld [tilespmem:s20+$0x6600]  }
0x8a: {  	v1 =	vadd.f32 v3, v1  }
0x8b: {  	v3 =	vld [tilespmem:s20+$0x6680]  }
0x8c: {  	v1 =	vadd.f32 v62, v1  }
0x8d: {  	v63 =	vld [tilespmem:s20+$0x6700]  }
0x8e: {  	v1 =	vadd.f32 v2, v1;
	_ =	sdelay $0x1  }
0x8f: {  	v1 =	vadd.f32 v3, v1;
	_ =	sdelay $0x1  }
0x90: {  	s18 =	sadd.s32 $0x1, s18;
	v1 =	vadd.f32 v63, v1  }
0x91: {  	s31 =	sadd.s32 $0x10, s19;
	p0 =	sne.s32 s18, s8  }
.Ltmp2:
0x92: {  	[tilespmem:s31+$0x0] =	vst v1;
	(pc) =	sbr.rel @p0 .LBB2_1-.Ltmp2, $4  }
0x93: {  	[hbm4b:s7+s9] =	stream.strided.scatter [tilespmem:s17], [sflag:$0x1], $0x280, s16, s9, $0x38;
	[tilespmem:$0xA200] =	vst v63  }
0x94: {  	_ =	swait.ge [sflag:s11], $0x280  }
0x95: {  	[sflag:s11] =	ssyncset.done $0x0  }
0x96: {  	[sflag:s11] =	ssyncadd.s32 $0xFFFFFD80  }
0x97: {  	_ =	sfence.sel $0x180000  }
0x98: {  	[bflag:$0x0] =	sbarrier.arrive $0xFFFF  }
0x99: {  	p0 =	sne.s32 s1, $0x0;
	_ =	strace $0x90000047  }
0x9a: {  	s0 =	sadd.s32 @!p0 $0x100000, s0;
	[bflag:$0x2] =	sbarrier.arrive $0xFFFF  }
0x9b: {  	[sflag:s0] =	ssyncadd.tile.s32 @!p0 $0x1;
	_ =	shalt  }
.Lfunc_end2:
_tile_overlayer_lowered:
.L_overlay_start_2:
0x9c: {  	(tag) =	ssettag $0x2  }
0x9d: {  	s0 =	rddreg [dreg:$0x0];
	s2 =	stileid.u32  }
0x9e: {  	s1 =	rddreg [dreg:$0x1];
	p0 =	sne.s32 s2, $0x0  }
0x9f: {  	s3 =	rddreg [dreg:$0x2];
	[bflag:$0x3] =	sbarrier.arrive $0xFFFF;
	s2 =	simm.s32 @!p0 $0x1C01  }
0xa0: {  	[timem:s3], [sflag:s2] =	dma.local @!p0 [hbm:s0], s1  }
0xa1: {  	s0 =	simm.s32 @!p0 $0x1  }
0xa2: {  	_ =	swait.ge @!p0 [sflag:s0], s1  }
0xa3: {  	s1 =	ssub.s32 @!p0 $0x0, s1;
	[sflag:s0] =	ssyncset.done @!p0 $0x0  }
0xa4: {  	[sflag:s0] =	ssyncadd.s32 @!p0 s1  }
0xa5: {  	[bflag:$0x3] =	sbarrier.arrive $0xFFFF  }
0xa6: {  	_ =	shalt  }

</sc_bundles>
